<compile_context>
chip_gen: v7x
topology: tpu7x:2x2x1
jax: 0.10.2.dev20260603
libtpu: 0.0.44.dev20260713+nightly
codegen_flags: <defaults>
</compile_context>

<pallas_src>
import functools

import jax
import jax.numpy as jnp
from jax import lax
from jax.experimental import pallas as pl
from jax.experimental.pallas import tpu as pltpu
from jax.experimental.pallas import tpu_sc as plsc

N = 10000
E = 320000
D = 128
H = 128
C = 40
CP = 64

NCORES = 2
NSUB = 16
NW = NCORES * NSUB
CHUNK = 128
NBUF = 2
TOTC = 160
CPW = TOTC // NCORES
HC = CPW // 2
NCH = NSUB * TOTC
EP = NCH * CHUNK
NACC = 10112
RPT = NACC // NSUB
TRASH = N

_mesh = plsc.VectorSubcoreMesh(core_axis_name="c", subcore_axis_name="s")


TPT = N // NSUB


def _make_scatter_spmem(F, gather=True):

    @functools.partial(
        pl.kernel,
        out_type=jax.ShapeDtypeStruct((NCORES, NACC, F), jnp.float32),
        mesh=_mesh,
        compiler_params=pltpu.CompilerParams(use_tc_tiling_on_sc=False),
        scratch_types=[
            pltpu.VMEM((HC, 2, CHUNK), jnp.int32),
            pltpu.VMEM((NBUF, CHUNK, F), jnp.float32),
            pltpu.VMEM_SHARED((N, F), jnp.float32),
            pltpu.VMEM_SHARED((NACC, F), jnp.float32),
            pltpu.SemaphoreType.DMA,
            pltpu.SemaphoreType.DMA,
        ],
    )
    def scat(table_hbm, sd_hbm, zeros_hbm, out_hbm,
             idx, rows, tab, acc, semg0, semg1):
        c = lax.axis_index("c")
        s = lax.axis_index("s")
        r0 = s * RPT
        base = s * TOTC + c * CPW
        semg = (semg0, semg1)

        def fetch_rows(j, b):
            pltpu.async_copy(tab.at[idx.at[j, 0]], rows.at[b], semg[b])

        def wait_rows(b):
            pltpu.make_async_copy(tab.at[idx.at[0, 0]], rows.at[b],
                                  semg[b]).wait()

        pltpu.sync_copy(zeros_hbm.at[pl.ds(r0, RPT)], acc.at[pl.ds(r0, RPT)])
        if gather:
            pltpu.sync_copy(table_hbm.at[pl.ds(s * TPT, TPT)],
                            tab.at[pl.ds(s * TPT, TPT)])
        else:
            pltpu.sync_copy(table_hbm.at[pl.ds(0, CHUNK)], rows.at[0])
        plsc.subcore_barrier()

        for h in range(CPW // HC):
            pltpu.sync_copy(sd_hbm.at[pl.ds(base + h * HC, HC)], idx)
            if gather:
                fetch_rows(0, 0)
                fetch_rows(1, 1)

                def body(g, carry):
                    for b in range(2):
                        j = g * 2 + b
                        wait_rows(b)
                        pltpu.sync_copy(rows.at[b], acc.at[idx.at[j, 1]],
                                        add=True)
                        fetch_rows(jnp.minimum(j + 2, HC - 1), b)
                    return carry

                lax.fori_loop(0, HC // 2, body, 0)
                wait_rows(0)
                wait_rows(1)
            else:
                def dbody(j, carry):
                    pltpu.sync_copy(rows.at[0], acc.at[idx.at[j, 1]],
                                    add=True)
                    return carry

                lax.fori_loop(0, HC, dbody, 0)
        plsc.subcore_barrier()
        pltpu.sync_copy(acc.at[pl.ds(r0, RPT)],
                        out_hbm.at[c, pl.ds(r0, RPT)])

    return scat


_scat2 = _make_scatter_spmem(CP)
_deg64 = _make_scatter_spmem(CP, gather=False)

_BN = 1000


def _dis_block(deg_ref):
    d = deg_ref[0, :, 0:1] + deg_ref[1, :, 0:1] + 1.0
    return lax.rsqrt(d)


def _tc1_body(x_ref, w_ref, deg_ref, y_ref):
    dis = _dis_block(deg_ref)
    y_ref[...] = jnp.dot(x_ref[...], w_ref[...],
                         preferred_element_type=jnp.float32) * dis


def _tc2_body(za_ref, zb_ref, y1_ref, deg_ref, b1_ref, w2_ref, y2_ref):
    dis = _dis_block(deg_ref)
    b1 = b1_ref[...]
    y1 = y1_ref[...]
    ha = jnp.maximum((za_ref[0] + za_ref[1] + y1[:, :CP]) * dis + b1[:, :CP],
                     0.0)
    hb = jnp.maximum((zb_ref[0] + zb_ref[1] + y1[:, CP:]) * dis + b1[:, CP:],
                     0.0)
    y2_ref[...] = (jnp.dot(ha, w2_ref[:CP, :],
                           preferred_element_type=jnp.float32) +
                   jnp.dot(hb, w2_ref[CP:, :],
                           preferred_element_type=jnp.float32)) * dis


def _tc3_body(z_ref, y2_ref, deg_ref, b2_ref, out_ref):
    dis = _dis_block(deg_ref)
    v = (z_ref[0] + z_ref[1] + y2_ref[...]) * dis + b2_ref[...]
    col = lax.broadcasted_iota(jnp.int32, v.shape, 1)
    valid = col < C
    m = jnp.max(jnp.where(valid, v, -1e30), axis=1, keepdims=True)
    e = jnp.where(valid, jnp.exp(v - m), 0.0)
    lse = jnp.log(jnp.sum(e, axis=1, keepdims=True)) + m
    out_ref[...] = v - lse


def _deg_spec():
    return pl.BlockSpec((NCORES, _BN, CP), lambda i: (0, i, 0))


def kernel(x, edge_index, W1, b1, W2, b2):
    src = edge_index[0].astype(jnp.int32)
    dst = edge_index[1].astype(jnp.int32)
    pad = EP - E
    srcw = jnp.concatenate([src, jnp.zeros((pad,), jnp.int32)]
                           ).reshape(NCH, CHUNK)
    dstw = jnp.concatenate([dst, jnp.full((pad,), TRASH, jnp.int32)]
                           ).reshape(NCH, CHUNK)
    sd = jnp.stack([srcw, dstw], axis=1)

    zeros64 = jnp.zeros((NACC, CP), jnp.float32)
    ones64 = jnp.ones((CHUNK, CP), jnp.float32)
    degp = _deg64(ones64, sd, zeros64)

    y1 = pl.pallas_call(
        _tc1_body,
        grid=(N // _BN,),
        in_specs=[pl.BlockSpec((_BN, D), lambda i: (i, 0)),
                  pl.BlockSpec((D, H), lambda i: (0, 0)),
                  _deg_spec()],
        out_specs=pl.BlockSpec((_BN, H), lambda i: (i, 0)),
        out_shape=jax.ShapeDtypeStruct((N, H), jnp.float32),
    )(x, W1, degp)

    z1pa = _scat2(y1[:, :CP], sd, zeros64)
    z1pb = _scat2(y1[:, CP:], sd, zeros64)

    W2p = jnp.pad(W2, ((0, 0), (0, CP - C)))
    y2 = pl.pallas_call(
        _tc2_body,
        grid=(N // _BN,),
        in_specs=[pl.BlockSpec((NCORES, _BN, CP), lambda i: (0, i, 0)),
                  pl.BlockSpec((NCORES, _BN, CP), lambda i: (0, i, 0)),
                  pl.BlockSpec((_BN, H), lambda i: (i, 0)),
                  _deg_spec(),
                  pl.BlockSpec((1, H), lambda i: (0, 0)),
                  pl.BlockSpec((H, CP), lambda i: (0, 0))],
        out_specs=pl.BlockSpec((_BN, CP), lambda i: (i, 0)),
        out_shape=jax.ShapeDtypeStruct((N, CP), jnp.float32),
    )(z1pa, z1pb, y1, degp, b1.reshape(1, H), W2p)

    z2p = _scat2(y2, sd, zeros64)

    b2p = jnp.pad(b2, (0, CP - C)).reshape(1, CP)
    out = pl.pallas_call(
        _tc3_body,
        grid=(N // _BN,),
        in_specs=[pl.BlockSpec((NCORES, _BN, CP), lambda i: (0, i, 0)),
                  pl.BlockSpec((_BN, CP), lambda i: (i, 0)),
                  _deg_spec(),
                  pl.BlockSpec((1, CP), lambda i: (0, 0))],
        out_specs=pl.BlockSpec((_BN, CP), lambda i: (i, 0)),
        out_shape=jax.ShapeDtypeStruct((N, CP), jnp.float32),
    )(z2p, y2, degp, b2p)

    return out[:, :C]

# --- scband reference (transcript-rebuilt; emitter-appended) ---
"""Pipeline reference for scband-gcn-net-15702400434553 (READ-ONLY COPY).

The authoritative reference and input builder live on the scoring server;
editing this copy changes nothing except your own understanding.
"""

import jax, jax.numpy as jnp
import numpy as np

N = 10000
E = 320000
D = 128
H = 128
C = 40


def setup_inputs(seed: int = 0) -> dict:
    key = jax.random.key(seed)
    k1, k2, k3, k4 = jax.random.split(key, 4)
    x = jax.random.normal(k1, (N, D), dtype=jnp.float32)
    edge_index = jax.random.randint(k2, (2, E), 0, N)
    W1 = jax.random.normal(k3, (D, H), dtype=jnp.float32) * (1.0 / np.sqrt(D))
    b1 = jnp.zeros((H,), dtype=jnp.float32)
    W2 = jax.random.normal(k4, (H, C), dtype=jnp.float32) * (1.0 / np.sqrt(H))
    b2 = jnp.zeros((C,), dtype=jnp.float32)
    return {"x": x, "edge_index": edge_index, "W1": W1, "b1": b1, "W2": W2, "b2": b2}


def _gcn_conv(x, edge_index, W, b, num_nodes):
    # GCNConv: out = D^{-1/2} (A + I) D^{-1/2} X W + b  (PyG default: add self-loops, symmetric norm)
    src = edge_index[0]
    dst = edge_index[1]
    loop = jnp.arange(num_nodes, dtype=src.dtype)
    src = jnp.concatenate([src, loop])
    dst = jnp.concatenate([dst, loop])
    ones = jnp.ones(src.shape[0], dtype=x.dtype)
    deg = jnp.zeros((num_nodes,), dtype=x.dtype).at[dst].add(ones)
    deg_inv_sqrt = jnp.where(deg > 0, jax.lax.rsqrt(jnp.maximum(deg, 1e-12)), 0.0)
    norm = deg_inv_sqrt[src] * deg_inv_sqrt[dst]
    xw = x @ W
    msg = xw[src] * norm[:, None]
    out = jnp.zeros((num_nodes, W.shape[1]), dtype=x.dtype).at[dst].add(msg)
    return out + b


def reference(x, edge_index, W1, b1, W2, b2):
    h = _gcn_conv(x, edge_index, W1, b1, x.shape[0])
    h = jax.nn.relu(h)
    h = _gcn_conv(h, edge_index, W2, b2, x.shape[0])
    return jax.nn.log_softmax(h, axis=1)

if __name__ == "__main__":
    import jax
    _d = setup_inputs()
    print(jax.jit(kernel)(*tuple(_d.values())))

</pallas_src>

<mosaic_0001>
#map = affine_map<(d0, d1) -> (0, 0)>
#map1 = affine_map<(d0, d1) -> (0, 0, 0)>
module attributes {stable_mosaic.version = 14 : i64} {
  func.func @scat(%arg0: i32, %arg1: i32, %arg2: memref<10000x64xf32, #tpu.memory_space<hbm>>, %arg3: memref<2560x2x128xi32, #tpu.memory_space<hbm>>, %arg4: memref<10112x64xf32, #tpu.memory_space<hbm>>, %arg5: memref<2x10112x64xf32, #tpu.memory_space<hbm>>, %arg6: memref<40x2x128xi32, #tpu.memory_space<vmem>>, %arg7: memref<2x128x64xf32, #tpu.memory_space<vmem>>, %arg8: memref<10000x64xf32, #tpu.memory_space<vmem_shared>>, %arg9: memref<10112x64xf32, #tpu.memory_space<vmem_shared>>, %arg10: memref<!tpu.dma_semaphore, #tpu.memory_space<semaphore_mem>>, %arg11: memref<!tpu.dma_semaphore, #tpu.memory_space<semaphore_mem>>) attributes {dimension_semantics = [#tpu.dimension_semantics<core_parallel>, #tpu.dimension_semantics<subcore_parallel>], iteration_bounds = array<i64: 2, 16>, scalar_prefetch = 0 : i64, scratch_operands = 6 : i64, tpu.core_type = #tpu.core_type<sc_vector_subcore>, window_params = [{transform_indices = #map}, {transform_indices = #map1}, {transform_indices = #map}, {transform_indices = #map1}]} {
    %mul3A = arith.constant 632 : i32
    %mul3A_0 = arith.muli %arg1, %mul3A : i32
    %mul3A_1 = arith.constant 160 : i32
    %mul3A_2 = arith.muli %arg1, %mul3A_1 : i32
    %mul3A_3 = arith.constant 80 : i32
    %mul3A_4 = arith.muli %arg0, %mul3A_3 : i32
    %add3A = arith.addi %mul3A_2, %mul3A_4 : i32
    "tpu.region"() ({
      %run_scoped3A = tpu.sem_alloc : memref<!tpu.dma_semaphore, #tpu.memory_space<semaphore_mem>>
      %dma_start3A_127 = arith.constant 0 : i32
      %dma_start3A_128 = tpu.memref_slice %arg9[%mul3A_0, %dma_start3A_127] : memref<10112x64xf32, #tpu.memory_space<vmem_shared>> -> memref<632x64xf32, #tpu.memory_space<vmem_shared>>
      %dma_start3A_129 = arith.constant 0 : i32
      %dma_start3A_130 = tpu.memref_slice %arg4[%mul3A_0, %dma_start3A_129] : memref<10112x64xf32, #tpu.memory_space<hbm>> -> memref<632x64xf32, #tpu.memory_space<hbm>>
      tpu.enqueue_dma source(%dma_start3A_130 : memref<632x64xf32, #tpu.memory_space<hbm>>) target(%dma_start3A_128 : memref<632x64xf32, #tpu.memory_space<vmem_shared>>) target_semaphore(%run_scoped3A : memref<!tpu.dma_semaphore, #tpu.memory_space<semaphore_mem>>)
      %dma_wait3A_131 = arith.constant 0 : i32
      %dma_wait3A_132 = tpu.memref_slice %arg9[%mul3A_0, %dma_wait3A_131] : memref<10112x64xf32, #tpu.memory_space<vmem_shared>> -> memref<632x64xf32, #tpu.memory_space<vmem_shared>>
      %dma_wait3A_133 = arith.constant 0 : i32
      %dma_wait3A_134 = tpu.memref_slice %arg4[%mul3A_0, %dma_wait3A_133] : memref<10112x64xf32, #tpu.memory_space<hbm>> -> memref<632x64xf32, #tpu.memory_space<hbm>>
      tpu.wait_dma2 semaphore(%run_scoped3A : memref<!tpu.dma_semaphore, #tpu.memory_space<semaphore_mem>>) src(%dma_wait3A_134 : memref<632x64xf32, #tpu.memory_space<hbm>>) dst(%dma_wait3A_132 : memref<632x64xf32, #tpu.memory_space<vmem_shared>>)
      tpu.yield
    }) : () -> ()
    %mul3A_5 = arith.constant 625 : i32
    %mul3A_6 = arith.muli %arg1, %mul3A_5 : i32
    %mul3A_7 = arith.constant 625 : i32
    %mul3A_8 = arith.muli %arg1, %mul3A_7 : i32
    "tpu.region"() ({
      %run_scoped3A = tpu.sem_alloc : memref<!tpu.dma_semaphore, #tpu.memory_space<semaphore_mem>>
      %dma_start3A_127 = arith.constant 0 : i32
      %dma_start3A_128 = tpu.memref_slice %arg8[%mul3A_8, %dma_start3A_127] : memref<10000x64xf32, #tpu.memory_space<vmem_shared>> -> memref<625x64xf32, #tpu.memory_space<vmem_shared>>
      %dma_start3A_129 = arith.constant 0 : i32
      %dma_start3A_130 = tpu.memref_slice %arg2[%mul3A_6, %dma_start3A_129] : memref<10000x64xf32, #tpu.memory_space<hbm>> -> memref<625x64xf32, #tpu.memory_space<hbm>>
      tpu.enqueue_dma source(%dma_start3A_130 : memref<625x64xf32, #tpu.memory_space<hbm>>) target(%dma_start3A_128 : memref<625x64xf32, #tpu.memory_space<vmem_shared>>) target_semaphore(%run_scoped3A : memref<!tpu.dma_semaphore, #tpu.memory_space<semaphore_mem>>)
      %dma_wait3A_131 = arith.constant 0 : i32
      %dma_wait3A_132 = tpu.memref_slice %arg8[%mul3A_8, %dma_wait3A_131] : memref<10000x64xf32, #tpu.memory_space<vmem_shared>> -> memref<625x64xf32, #tpu.memory_space<vmem_shared>>
      %dma_wait3A_133 = arith.constant 0 : i32
      %dma_wait3A_134 = tpu.memref_slice %arg2[%mul3A_6, %dma_wait3A_133] : memref<10000x64xf32, #tpu.memory_space<hbm>> -> memref<625x64xf32, #tpu.memory_space<hbm>>
      tpu.wait_dma2 semaphore(%run_scoped3A : memref<!tpu.dma_semaphore, #tpu.memory_space<semaphore_mem>>) src(%dma_wait3A_134 : memref<625x64xf32, #tpu.memory_space<hbm>>) dst(%dma_wait3A_132 : memref<625x64xf32, #tpu.memory_space<vmem_shared>>)
      tpu.yield
    }) : () -> ()
    %barrier3A = arith.constant 0 : index
    tpu.barrier barrier_id(%barrier3A)
    %add3A_9 = arith.constant 0 : i32
    %add3A_10 = arith.addi %add3A, %add3A_9 : i32
    "tpu.region"() ({
      %run_scoped3A = tpu.sem_alloc : memref<!tpu.dma_semaphore, #tpu.memory_space<semaphore_mem>>
      %dma_start3A_127 = arith.constant 0 : i32
      %dma_start3A_128 = arith.constant 0 : i32
      %dma_start3A_129 = tpu.memref_slice %arg3[%add3A_10, %dma_start3A_127, %dma_start3A_128] : memref<2560x2x128xi32, #tpu.memory_space<hbm>> -> memref<40x2x128xi32, #tpu.memory_space<hbm>>
      %dma_start3A_130 = arith.constant 0 : i32
      %dma_start3A_131 = arith.constant 0 : i32
      %dma_start3A_132 = tpu.memref_slice %arg3[%add3A_10, %dma_start3A_130, %dma_start3A_131] : memref<2560x2x128xi32, #tpu.memory_space<hbm>> -> memref<40x2x128xi32, #tpu.memory_space<hbm>>
      tpu.enqueue_dma source(%dma_start3A_132 : memref<40x2x128xi32, #tpu.memory_space<hbm>>) target(%arg6 : memref<40x2x128xi32, #tpu.memory_space<vmem>>) target_semaphore(%run_scoped3A : memref<!tpu.dma_semaphore, #tpu.memory_space<semaphore_mem>>)
      %dma_wait3A_133 = arith.constant 0 : i32
      %dma_wait3A_134 = arith.constant 0 : i32
      %dma_wait3A_135 = tpu.memref_slice %arg3[%add3A_10, %dma_wait3A_133, %dma_wait3A_134] : memref<2560x2x128xi32, #tpu.memory_space<hbm>> -> memref<40x2x128xi32, #tpu.memory_space<hbm>>
      %dma_wait3A_136 = arith.constant 0 : i32
      %dma_wait3A_137 = arith.constant 0 : i32
      %dma_wait3A_138 = tpu.memref_slice %arg3[%add3A_10, %dma_wait3A_136, %dma_wait3A_137] : memref<2560x2x128xi32, #tpu.memory_space<hbm>> -> memref<40x2x128xi32, #tpu.memory_space<hbm>>
      tpu.wait_dma2 semaphore(%run_scoped3A : memref<!tpu.dma_semaphore, #tpu.memory_space<semaphore_mem>>) src(%dma_wait3A_138 : memref<40x2x128xi32, #tpu.memory_space<hbm>>) dst(%arg6 : memref<40x2x128xi32, #tpu.memory_space<vmem>>)
      tpu.yield
    }) : () -> ()
    %dma_start3A = arith.constant 0 : i32
    %dma_start3A_11 = arith.constant 0 : i32
    %dma_start3A_12 = arith.constant 0 : i32
    %dma_start3A_13 = arith.constant 0 : i32
    %dma_start3A_14 = arith.constant 0 : i32
    %dma_start3A_15 = tpu.memref_slice %arg7[%dma_start3A_12, %dma_start3A_13, %dma_start3A_14] : memref<2x128x64xf32, #tpu.memory_space<vmem>> -> memref<1x128x64xf32, #tpu.memory_space<vmem>>
    %dma_start3A_16 = tpu.memref_squeeze %dma_start3A_15 : memref<1x128x64xf32, #tpu.memory_space<vmem>> -> memref<128x64xf32, #tpu.memory_space<vmem>>
    %dma_start3A_17 = arith.constant 0 : i32
    %dma_start3A_18 = tpu.memref_slice %arg6[%dma_start3A, %dma_start3A_11, %dma_start3A_17] : memref<40x2x128xi32, #tpu.memory_space<vmem>> -> memref<1x1x128xi32, #tpu.memory_space<vmem>>
    %dma_start3A_19 = tpu.memref_squeeze %dma_start3A_18 : memref<1x1x128xi32, #tpu.memory_space<vmem>> -> memref<128xi32, #tpu.memory_space<vmem>>
    %dma_start3A_20 = arith.constant 0 : i32
    %dma_start3A_21 = arith.constant 0 : i32
    %dma_start3A_22 = tpu.memref_slice %arg8[%dma_start3A_20, %dma_start3A_21] : memref<10000x64xf32, #tpu.memory_space<vmem_shared>> -> memref<10000x64xf32, #tpu.memory_space<vmem_shared>>
    tpu.enqueue_indirect_dma source(%dma_start3A_22 : memref<10000x64xf32, #tpu.memory_space<vmem_shared>>) target(%dma_start3A_16 : memref<128x64xf32, #tpu.memory_space<vmem>>) offsets(%dma_start3A_19 : memref<128xi32, #tpu.memory_space<vmem>>) semaphore(%arg10 : memref<!tpu.dma_semaphore, #tpu.memory_space<semaphore_mem>>)
    %dma_start3A_23 = arith.constant 1 : i32
    %dma_start3A_24 = arith.constant 0 : i32
    %dma_start3A_25 = arith.constant 1 : i32
    %dma_start3A_26 = arith.constant 0 : i32
    %dma_start3A_27 = arith.constant 0 : i32
    %dma_start3A_28 = tpu.memref_slice %arg7[%dma_start3A_25, %dma_start3A_26, %dma_start3A_27] : memref<2x128x64xf32, #tpu.memory_space<vmem>> -> memref<1x128x64xf32, #tpu.memory_space<vmem>>
    %dma_start3A_29 = tpu.memref_squeeze %dma_start3A_28 : memref<1x128x64xf32, #tpu.memory_space<vmem>> -> memref<128x64xf32, #tpu.memory_space<vmem>>
    %dma_start3A_30 = arith.constant 0 : i32
    %dma_start3A_31 = tpu.memref_slice %arg6[%dma_start3A_23, %dma_start3A_24, %dma_start3A_30] : memref<40x2x128xi32, #tpu.memory_space<vmem>> -> memref<1x1x128xi32, #tpu.memory_space<vmem>>
    %dma_start3A_32 = tpu.memref_squeeze %dma_start3A_31 : memref<1x1x128xi32, #tpu.memory_space<vmem>> -> memref<128xi32, #tpu.memory_space<vmem>>
    %dma_start3A_33 = arith.constant 0 : i32
    %dma_start3A_34 = arith.constant 0 : i32
    %dma_start3A_35 = tpu.memref_slice %arg8[%dma_start3A_33, %dma_start3A_34] : memref<10000x64xf32, #tpu.memory_space<vmem_shared>> -> memref<10000x64xf32, #tpu.memory_space<vmem_shared>>
    tpu.enqueue_indirect_dma source(%dma_start3A_35 : memref<10000x64xf32, #tpu.memory_space<vmem_shared>>) target(%dma_start3A_29 : memref<128x64xf32, #tpu.memory_space<vmem>>) offsets(%dma_start3A_32 : memref<128xi32, #tpu.memory_space<vmem>>) semaphore(%arg11 : memref<!tpu.dma_semaphore, #tpu.memory_space<semaphore_mem>>)
    %scan3A = arith.constant 0 : i32
    %scan3A_36 = arith.constant 0 : i32
    %scan3A_37 = arith.constant 20 : i32
    %scan3A_38 = arith.addi %scan3A_36, %scan3A_37 : i32
    %scan3A_39 = arith.constant 1 : i32
    scf.for %scan3A_127 = %scan3A_36 to %scan3A_38 step %scan3A_39  : i32 {
      %mul3A_128 = arith.constant 2 : i32
      %mul3A_129 = arith.muli %scan3A_127, %mul3A_128 : i32
      %add3A_130 = arith.constant 0 : i32
      %add3A_131 = arith.addi %mul3A_129, %add3A_130 : i32
      %dma_wait3A_132 = arith.constant 0 : i32
      %dma_wait3A_133 = arith.constant 0 : i32
      %dma_wait3A_134 = arith.constant 0 : i32
      %dma_wait3A_135 = arith.constant 0 : i32
      %dma_wait3A_136 = arith.constant 0 : i32
      %dma_wait3A_137 = tpu.memref_slice %arg7[%dma_wait3A_134, %dma_wait3A_135, %dma_wait3A_136] : memref<2x128x64xf32, #tpu.memory_space<vmem>> -> memref<1x128x64xf32, #tpu.memory_space<vmem>>
      %dma_wait3A_138 = tpu.memref_squeeze %dma_wait3A_137 : memref<1x128x64xf32, #tpu.memory_space<vmem>> -> memref<128x64xf32, #tpu.memory_space<vmem>>
      %dma_wait3A_139 = arith.constant 0 : i32
      %dma_wait3A_140 = tpu.memref_slice %arg6[%dma_wait3A_132, %dma_wait3A_133, %dma_wait3A_139] : memref<40x2x128xi32, #tpu.memory_space<vmem>> -> memref<1x1x128xi32, #tpu.memory_space<vmem>>
      %dma_wait3A_141 = tpu.memref_squeeze %dma_wait3A_140 : memref<1x1x128xi32, #tpu.memory_space<vmem>> -> memref<128xi32, #tpu.memory_space<vmem>>
      %dma_wait3A_142 = arith.constant 0 : i32
      %dma_wait3A_143 = arith.constant 0 : i32
      %dma_wait3A_144 = tpu.memref_slice %arg8[%dma_wait3A_142, %dma_wait3A_143] : memref<10000x64xf32, #tpu.memory_space<vmem_shared>> -> memref<10000x64xf32, #tpu.memory_space<vmem_shared>>
      tpu.wait_indirect_dma semaphore(%arg10 : memref<!tpu.dma_semaphore, #tpu.memory_space<semaphore_mem>>) src(%dma_wait3A_144 : memref<10000x64xf32, #tpu.memory_space<vmem_shared>>) dst(%dma_wait3A_138 : memref<128x64xf32, #tpu.memory_space<vmem>>)
      %run_scoped3A = arith.constant 0 : i32
      %run_scoped3A_145 = arith.constant 1 : i32
      "tpu.region"() ({
        %run_scoped3A_196 = tpu.sem_alloc : memref<!tpu.dma_semaphore, #tpu.memory_space<semaphore_mem>>
        %dma_start3A_197 = arith.constant 0 : i32
        %dma_start3A_198 = arith.constant 0 : i32
        %dma_start3A_199 = tpu.memref_slice %arg7[%run_scoped3A, %dma_start3A_197, %dma_start3A_198] : memref<2x128x64xf32, #tpu.memory_space<vmem>> -> memref<1x128x64xf32, #tpu.memory_space<vmem>>
        %dma_start3A_200 = tpu.memref_squeeze %dma_start3A_199 : memref<1x128x64xf32, #tpu.memory_space<vmem>> -> memref<128x64xf32, #tpu.memory_space<vmem>>
        %dma_start3A_201 = arith.constant 0 : i32
        %dma_start3A_202 = tpu.memref_slice %arg6[%add3A_131, %run_scoped3A_145, %dma_start3A_201] : memref<40x2x128xi32, #tpu.memory_space<vmem>> -> memref<1x1x128xi32, #tpu.memory_space<vmem>>
        %dma_start3A_203 = tpu.memref_squeeze %dma_start3A_202 : memref<1x1x128xi32, #tpu.memory_space<vmem>> -> memref<128xi32, #tpu.memory_space<vmem>>
        %dma_start3A_204 = arith.constant 0 : i32
        %dma_start3A_205 = arith.constant 0 : i32
        %dma_start3A_206 = tpu.memref_slice %arg9[%dma_start3A_204, %dma_start3A_205] : memref<10112x64xf32, #tpu.memory_space<vmem_shared>> -> memref<10112x64xf32, #tpu.memory_space<vmem_shared>>
        tpu.enqueue_indirect_dma source(%dma_start3A_200 : memref<128x64xf32, #tpu.memory_space<vmem>>) target(%dma_start3A_206 : memref<10112x64xf32, #tpu.memory_space<vmem_shared>>) offsets(%dma_start3A_203 : memref<128xi32, #tpu.memory_space<vmem>>) semaphore(%run_scoped3A_196 : memref<!tpu.dma_semaphore, #tpu.memory_space<semaphore_mem>>) {add = true}
        %dma_wait3A_207 = arith.constant 0 : i32
        %dma_wait3A_208 = arith.constant 0 : i32
        %dma_wait3A_209 = tpu.memref_slice %arg7[%run_scoped3A, %dma_wait3A_207, %dma_wait3A_208] : memref<2x128x64xf32, #tpu.memory_space<vmem>> -> memref<1x128x64xf32, #tpu.memory_space<vmem>>
        %dma_wait3A_210 = tpu.memref_squeeze %dma_wait3A_209 : memref<1x128x64xf32, #tpu.memory_space<vmem>> -> memref<128x64xf32, #tpu.memory_space<vmem>>
        %dma_wait3A_211 = arith.constant 0 : i32
        %dma_wait3A_212 = tpu.memref_slice %arg6[%add3A_131, %run_scoped3A_145, %dma_wait3A_211] : memref<40x2x128xi32, #tpu.memory_space<vmem>> -> memref<1x1x128xi32, #tpu.memory_space<vmem>>
        %dma_wait3A_213 = tpu.memref_squeeze %dma_wait3A_212 : memref<1x1x128xi32, #tpu.memory_space<vmem>> -> memref<128xi32, #tpu.memory_space<vmem>>
        %dma_wait3A_214 = arith.constant 0 : i32
        %dma_wait3A_215 = arith.constant 0 : i32
        %dma_wait3A_216 = tpu.memref_slice %arg9[%dma_wait3A_214, %dma_wait3A_215] : memref<10112x64xf32, #tpu.memory_space<vmem_shared>> -> memref<10112x64xf32, #tpu.memory_space<vmem_shared>>
        tpu.wait_indirect_dma semaphore(%run_scoped3A_196 : memref<!tpu.dma_semaphore, #tpu.memory_space<semaphore_mem>>) src(%dma_wait3A_210 : memref<128x64xf32, #tpu.memory_space<vmem>>) dst(%dma_wait3A_216 : memref<10112x64xf32, #tpu.memory_space<vmem_shared>>)
        tpu.yield
      }) : () -> ()
      %add3A_146 = arith.constant 2 : i32
      %add3A_147 = arith.addi %add3A_131, %add3A_146 : i32
      %min3A = arith.constant 39 : i32
      %min3A_148 = arith.minsi %add3A_147, %min3A : i32
      %dma_start3A_149 = arith.constant 0 : i32
      %dma_start3A_150 = arith.constant 0 : i32
      %dma_start3A_151 = arith.constant 0 : i32
      %dma_start3A_152 = arith.constant 0 : i32
      %dma_start3A_153 = tpu.memref_slice %arg7[%dma_start3A_150, %dma_start3A_151, %dma_start3A_152] : memref<2x128x64xf32, #tpu.memory_space<vmem>> -> memref<1x128x64xf32, #tpu.memory_space<vmem>>
      %dma_start3A_154 = tpu.memref_squeeze %dma_start3A_153 : memref<1x128x64xf32, #tpu.memory_space<vmem>> -> memref<128x64xf32, #tpu.memory_space<vmem>>
      %dma_start3A_155 = arith.constant 0 : i32
      %dma_start3A_156 = tpu.memref_slice %arg6[%min3A_148, %dma_start3A_149, %dma_start3A_155] : memref<40x2x128xi32, #tpu.memory_space<vmem>> -> memref<1x1x128xi32, #tpu.memory_space<vmem>>
      %dma_start3A_157 = tpu.memref_squeeze %dma_start3A_156 : memref<1x1x128xi32, #tpu.memory_space<vmem>> -> memref<128xi32, #tpu.memory_space<vmem>>
      %dma_start3A_158 = arith.constant 0 : i32
      %dma_start3A_159 = arith.constant 0 : i32
      %dma_start3A_160 = tpu.memref_slice %arg8[%dma_start3A_158, %dma_start3A_159] : memref<10000x64xf32, #tpu.memory_space<vmem_shared>> -> memref<10000x64xf32, #tpu.memory_space<vmem_shared>>
      tpu.enqueue_indirect_dma source(%dma_start3A_160 : memref<10000x64xf32, #tpu.memory_space<vmem_shared>>) target(%dma_start3A_154 : memref<128x64xf32, #tpu.memory_space<vmem>>) offsets(%dma_start3A_157 : memref<128xi32, #tpu.memory_space<vmem>>) semaphore(%arg10 : memref<!tpu.dma_semaphore, #tpu.memory_space<semaphore_mem>>)
      %mul3A_161 = arith.constant 2 : i32
      %mul3A_162 = arith.muli %scan3A_127, %mul3A_161 : i32
      %add3A_163 = arith.constant 1 : i32
      %add3A_164 = arith.addi %mul3A_162, %add3A_163 : i32
      %dma_wait3A_165 = arith.constant 0 : i32
      %dma_wait3A_166 = arith.constant 0 : i32
      %dma_wait3A_167 = arith.constant 1 : i32
      %dma_wait3A_168 = arith.constant 0 : i32
      %dma_wait3A_169 = arith.constant 0 : i32
      %dma_wait3A_170 = tpu.memref_slice %arg7[%dma_wait3A_167, %dma_wait3A_168, %dma_wait3A_169] : memref<2x128x64xf32, #tpu.memory_space<vmem>> -> memref<1x128x64xf32, #tpu.memory_space<vmem>>
      %dma_wait3A_171 = tpu.memref_squeeze %dma_wait3A_170 : memref<1x128x64xf32, #tpu.memory_space<vmem>> -> memref<128x64xf32, #tpu.memory_space<vmem>>
      %dma_wait3A_172 = arith.constant 0 : i32
      %dma_wait3A_173 = tpu.memref_slice %arg6[%dma_wait3A_165, %dma_wait3A_166, %dma_wait3A_172] : memref<40x2x128xi32, #tpu.memory_space<vmem>> -> memref<1x1x128xi32, #tpu.memory_space<vmem>>
      %dma_wait3A_174 = tpu.memref_squeeze %dma_wait3A_173 : memref<1x1x128xi32, #tpu.memory_space<vmem>> -> memref<128xi32, #tpu.memory_space<vmem>>
      %dma_wait3A_175 = arith.constant 0 : i32
      %dma_wait3A_176 = arith.constant 0 : i32
      %dma_wait3A_177 = tpu.memref_slice %arg8[%dma_wait3A_175, %dma_wait3A_176] : memref<10000x64xf32, #tpu.memory_space<vmem_shared>> -> memref<10000x64xf32, #tpu.memory_space<vmem_shared>>
      tpu.wait_indirect_dma semaphore(%arg11 : memref<!tpu.dma_semaphore, #tpu.memory_space<semaphore_mem>>) src(%dma_wait3A_177 : memref<10000x64xf32, #tpu.memory_space<vmem_shared>>) dst(%dma_wait3A_171 : memref<128x64xf32, #tpu.memory_space<vmem>>)
      %run_scoped3A_178 = arith.constant 1 : i32
      %run_scoped3A_179 = arith.constant 1 : i32
      "tpu.region"() ({
        %run_scoped3A_196 = tpu.sem_alloc : memref<!tpu.dma_semaphore, #tpu.memory_space<semaphore_mem>>
        %dma_start3A_197 = arith.constant 0 : i32
        %dma_start3A_198 = arith.constant 0 : i32
        %dma_start3A_199 = tpu.memref_slice %arg7[%run_scoped3A_178, %dma_start3A_197, %dma_start3A_198] : memref<2x128x64xf32, #tpu.memory_space<vmem>> -> memref<1x128x64xf32, #tpu.memory_space<vmem>>
        %dma_start3A_200 = tpu.memref_squeeze %dma_start3A_199 : memref<1x128x64xf32, #tpu.memory_space<vmem>> -> memref<128x64xf32, #tpu.memory_space<vmem>>
        %dma_start3A_201 = arith.constant 0 : i32
        %dma_start3A_202 = tpu.memref_slice %arg6[%add3A_164, %run_scoped3A_179, %dma_start3A_201] : memref<40x2x128xi32, #tpu.memory_space<vmem>> -> memref<1x1x128xi32, #tpu.memory_space<vmem>>
        %dma_start3A_203 = tpu.memref_squeeze %dma_start3A_202 : memref<1x1x128xi32, #tpu.memory_space<vmem>> -> memref<128xi32, #tpu.memory_space<vmem>>
        %dma_start3A_204 = arith.constant 0 : i32
        %dma_start3A_205 = arith.constant 0 : i32
        %dma_start3A_206 = tpu.memref_slice %arg9[%dma_start3A_204, %dma_start3A_205] : memref<10112x64xf32, #tpu.memory_space<vmem_shared>> -> memref<10112x64xf32, #tpu.memory_space<vmem_shared>>
        tpu.enqueue_indirect_dma source(%dma_start3A_200 : memref<128x64xf32, #tpu.memory_space<vmem>>) target(%dma_start3A_206 : memref<10112x64xf32, #tpu.memory_space<vmem_shared>>) offsets(%dma_start3A_203 : memref<128xi32, #tpu.memory_space<vmem>>) semaphore(%run_scoped3A_196 : memref<!tpu.dma_semaphore, #tpu.memory_space<semaphore_mem>>) {add = true}
        %dma_wait3A_207 = arith.constant 0 : i32
        %dma_wait3A_208 = arith.constant 0 : i32
        %dma_wait3A_209 = tpu.memref_slice %arg7[%run_scoped3A_178, %dma_wait3A_207, %dma_wait3A_208] : memref<2x128x64xf32, #tpu.memory_space<vmem>> -> memref<1x128x64xf32, #tpu.memory_space<vmem>>
        %dma_wait3A_210 = tpu.memref_squeeze %dma_wait3A_209 : memref<1x128x64xf32, #tpu.memory_space<vmem>> -> memref<128x64xf32, #tpu.memory_space<vmem>>
        %dma_wait3A_211 = arith.constant 0 : i32
        %dma_wait3A_212 = tpu.memref_slice %arg6[%add3A_164, %run_scoped3A_179, %dma_wait3A_211] : memref<40x2x128xi32, #tpu.memory_space<vmem>> -> memref<1x1x128xi32, #tpu.memory_space<vmem>>
        %dma_wait3A_213 = tpu.memref_squeeze %dma_wait3A_212 : memref<1x1x128xi32, #tpu.memory_space<vmem>> -> memref<128xi32, #tpu.memory_space<vmem>>
        %dma_wait3A_214 = arith.constant 0 : i32
        %dma_wait3A_215 = arith.constant 0 : i32
        %dma_wait3A_216 = tpu.memref_slice %arg9[%dma_wait3A_214, %dma_wait3A_215] : memref<10112x64xf32, #tpu.memory_space<vmem_shared>> -> memref<10112x64xf32, #tpu.memory_space<vmem_shared>>
        tpu.wait_indirect_dma semaphore(%run_scoped3A_196 : memref<!tpu.dma_semaphore, #tpu.memory_space<semaphore_mem>>) src(%dma_wait3A_210 : memref<128x64xf32, #tpu.memory_space<vmem>>) dst(%dma_wait3A_216 : memref<10112x64xf32, #tpu.memory_space<vmem_shared>>)
        tpu.yield
      }) : () -> ()
      %add3A_180 = arith.constant 2 : i32
      %add3A_181 = arith.addi %add3A_164, %add3A_180 : i32
      %min3A_182 = arith.constant 39 : i32
      %min3A_183 = arith.minsi %add3A_181, %min3A_182 : i32
      %dma_start3A_184 = arith.constant 0 : i32
      %dma_start3A_185 = arith.constant 1 : i32
      %dma_start3A_186 = arith.constant 0 : i32
      %dma_start3A_187 = arith.constant 0 : i32
      %dma_start3A_188 = tpu.memref_slice %arg7[%dma_start3A_185, %dma_start3A_186, %dma_start3A_187] : memref<2x128x64xf32, #tpu.memory_space<vmem>> -> memref<1x128x64xf32, #tpu.memory_space<vmem>>
      %dma_start3A_189 = tpu.memref_squeeze %dma_start3A_188 : memref<1x128x64xf32, #tpu.memory_space<vmem>> -> memref<128x64xf32, #tpu.memory_space<vmem>>
      %dma_start3A_190 = arith.constant 0 : i32
      %dma_start3A_191 = tpu.memref_slice %arg6[%min3A_183, %dma_start3A_184, %dma_start3A_190] : memref<40x2x128xi32, #tpu.memory_space<vmem>> -> memref<1x1x128xi32, #tpu.memory_space<vmem>>
      %dma_start3A_192 = tpu.memref_squeeze %dma_start3A_191 : memref<1x1x128xi32, #tpu.memory_space<vmem>> -> memref<128xi32, #tpu.memory_space<vmem>>
      %dma_start3A_193 = arith.constant 0 : i32
      %dma_start3A_194 = arith.constant 0 : i32
      %dma_start3A_195 = tpu.memref_slice %arg8[%dma_start3A_193, %dma_start3A_194] : memref<10000x64xf32, #tpu.memory_space<vmem_shared>> -> memref<10000x64xf32, #tpu.memory_space<vmem_shared>>
      tpu.enqueue_indirect_dma source(%dma_start3A_195 : memref<10000x64xf32, #tpu.memory_space<vmem_shared>>) target(%dma_start3A_189 : memref<128x64xf32, #tpu.memory_space<vmem>>) offsets(%dma_start3A_192 : memref<128xi32, #tpu.memory_space<vmem>>) semaphore(%arg11 : memref<!tpu.dma_semaphore, #tpu.memory_space<semaphore_mem>>)
    }
    %scan3A_40 = arith.constant 20 : i32
    %dma_wait3A = arith.constant 0 : i32
    %dma_wait3A_41 = arith.constant 0 : i32
    %dma_wait3A_42 = arith.constant 0 : i32
    %dma_wait3A_43 = arith.constant 0 : i32
    %dma_wait3A_44 = arith.constant 0 : i32
    %dma_wait3A_45 = tpu.memref_slice %arg7[%dma_wait3A_42, %dma_wait3A_43, %dma_wait3A_44] : memref<2x128x64xf32, #tpu.memory_space<vmem>> -> memref<1x128x64xf32, #tpu.memory_space<vmem>>
    %dma_wait3A_46 = tpu.memref_squeeze %dma_wait3A_45 : memref<1x128x64xf32, #tpu.memory_space<vmem>> -> memref<128x64xf32, #tpu.memory_space<vmem>>
    %dma_wait3A_47 = arith.constant 0 : i32
    %dma_wait3A_48 = tpu.memref_slice %arg6[%dma_wait3A, %dma_wait3A_41, %dma_wait3A_47] : memref<40x2x128xi32, #tpu.memory_space<vmem>> -> memref<1x1x128xi32, #tpu.memory_space<vmem>>
    %dma_wait3A_49 = tpu.memref_squeeze %dma_wait3A_48 : memref<1x1x128xi32, #tpu.memory_space<vmem>> -> memref<128xi32, #tpu.memory_space<vmem>>
    %dma_wait3A_50 = arith.constant 0 : i32
    %dma_wait3A_51 = arith.constant 0 : i32
    %dma_wait3A_52 = tpu.memref_slice %arg8[%dma_wait3A_50, %dma_wait3A_51] : memref<10000x64xf32, #tpu.memory_space<vmem_shared>> -> memref<10000x64xf32, #tpu.memory_space<vmem_shared>>
    tpu.wait_indirect_dma semaphore(%arg10 : memref<!tpu.dma_semaphore, #tpu.memory_space<semaphore_mem>>) src(%dma_wait3A_52 : memref<10000x64xf32, #tpu.memory_space<vmem_shared>>) dst(%dma_wait3A_46 : memref<128x64xf32, #tpu.memory_space<vmem>>)
    %dma_wait3A_53 = arith.constant 0 : i32
    %dma_wait3A_54 = arith.constant 0 : i32
    %dma_wait3A_55 = arith.constant 1 : i32
    %dma_wait3A_56 = arith.constant 0 : i32
    %dma_wait3A_57 = arith.constant 0 : i32
    %dma_wait3A_58 = tpu.memref_slice %arg7[%dma_wait3A_55, %dma_wait3A_56, %dma_wait3A_57] : memref<2x128x64xf32, #tpu.memory_space<vmem>> -> memref<1x128x64xf32, #tpu.memory_space<vmem>>
    %dma_wait3A_59 = tpu.memref_squeeze %dma_wait3A_58 : memref<1x128x64xf32, #tpu.memory_space<vmem>> -> memref<128x64xf32, #tpu.memory_space<vmem>>
    %dma_wait3A_60 = arith.constant 0 : i32
    %dma_wait3A_61 = tpu.memref_slice %arg6[%dma_wait3A_53, %dma_wait3A_54, %dma_wait3A_60] : memref<40x2x128xi32, #tpu.memory_space<vmem>> -> memref<1x1x128xi32, #tpu.memory_space<vmem>>
    %dma_wait3A_62 = tpu.memref_squeeze %dma_wait3A_61 : memref<1x1x128xi32, #tpu.memory_space<vmem>> -> memref<128xi32, #tpu.memory_space<vmem>>
    %dma_wait3A_63 = arith.constant 0 : i32
    %dma_wait3A_64 = arith.constant 0 : i32
    %dma_wait3A_65 = tpu.memref_slice %arg8[%dma_wait3A_63, %dma_wait3A_64] : memref<10000x64xf32, #tpu.memory_space<vmem_shared>> -> memref<10000x64xf32, #tpu.memory_space<vmem_shared>>
    tpu.wait_indirect_dma semaphore(%arg11 : memref<!tpu.dma_semaphore, #tpu.memory_space<semaphore_mem>>) src(%dma_wait3A_65 : memref<10000x64xf32, #tpu.memory_space<vmem_shared>>) dst(%dma_wait3A_59 : memref<128x64xf32, #tpu.memory_space<vmem>>)
    %add3A_66 = arith.constant 40 : i32
    %add3A_67 = arith.addi %add3A, %add3A_66 : i32
    "tpu.region"() ({
      %run_scoped3A = tpu.sem_alloc : memref<!tpu.dma_semaphore, #tpu.memory_space<semaphore_mem>>
      %dma_start3A_127 = arith.constant 0 : i32
      %dma_start3A_128 = arith.constant 0 : i32
      %dma_start3A_129 = tpu.memref_slice %arg3[%add3A_67, %dma_start3A_127, %dma_start3A_128] : memref<2560x2x128xi32, #tpu.memory_space<hbm>> -> memref<40x2x128xi32, #tpu.memory_space<hbm>>
      %dma_start3A_130 = arith.constant 0 : i32
      %dma_start3A_131 = arith.constant 0 : i32
      %dma_start3A_132 = tpu.memref_slice %arg3[%add3A_67, %dma_start3A_130, %dma_start3A_131] : memref<2560x2x128xi32, #tpu.memory_space<hbm>> -> memref<40x2x128xi32, #tpu.memory_space<hbm>>
      tpu.enqueue_dma source(%dma_start3A_132 : memref<40x2x128xi32, #tpu.memory_space<hbm>>) target(%arg6 : memref<40x2x128xi32, #tpu.memory_space<vmem>>) target_semaphore(%run_scoped3A : memref<!tpu.dma_semaphore, #tpu.memory_space<semaphore_mem>>)
      %dma_wait3A_133 = arith.constant 0 : i32
      %dma_wait3A_134 = arith.constant 0 : i32
      %dma_wait3A_135 = tpu.memref_slice %arg3[%add3A_67, %dma_wait3A_133, %dma_wait3A_134] : memref<2560x2x128xi32, #tpu.memory_space<hbm>> -> memref<40x2x128xi32, #tpu.memory_space<hbm>>
      %dma_wait3A_136 = arith.constant 0 : i32
      %dma_wait3A_137 = arith.constant 0 : i32
      %dma_wait3A_138 = tpu.memref_slice %arg3[%add3A_67, %dma_wait3A_136, %dma_wait3A_137] : memref<2560x2x128xi32, #tpu.memory_space<hbm>> -> memref<40x2x128xi32, #tpu.memory_space<hbm>>
      tpu.wait_dma2 semaphore(%run_scoped3A : memref<!tpu.dma_semaphore, #tpu.memory_space<semaphore_mem>>) src(%dma_wait3A_138 : memref<40x2x128xi32, #tpu.memory_space<hbm>>) dst(%arg6 : memref<40x2x128xi32, #tpu.memory_space<vmem>>)
      tpu.yield
    }) : () -> ()
    %dma_start3A_68 = arith.constant 0 : i32
    %dma_start3A_69 = arith.constant 0 : i32
    %dma_start3A_70 = arith.constant 0 : i32
    %dma_start3A_71 = arith.constant 0 : i32
    %dma_start3A_72 = arith.constant 0 : i32
    %dma_start3A_73 = tpu.memref_slice %arg7[%dma_start3A_70, %dma_start3A_71, %dma_start3A_72] : memref<2x128x64xf32, #tpu.memory_space<vmem>> -> memref<1x128x64xf32, #tpu.memory_space<vmem>>
    %dma_start3A_74 = tpu.memref_squeeze %dma_start3A_73 : memref<1x128x64xf32, #tpu.memory_space<vmem>> -> memref<128x64xf32, #tpu.memory_space<vmem>>
    %dma_start3A_75 = arith.constant 0 : i32
    %dma_start3A_76 = tpu.memref_slice %arg6[%dma_start3A_68, %dma_start3A_69, %dma_start3A_75] : memref<40x2x128xi32, #tpu.memory_space<vmem>> -> memref<1x1x128xi32, #tpu.memory_space<vmem>>
    %dma_start3A_77 = tpu.memref_squeeze %dma_start3A_76 : memref<1x1x128xi32, #tpu.memory_space<vmem>> -> memref<128xi32, #tpu.memory_space<vmem>>
    %dma_start3A_78 = arith.constant 0 : i32
    %dma_start3A_79 = arith.constant 0 : i32
    %dma_start3A_80 = tpu.memref_slice %arg8[%dma_start3A_78, %dma_start3A_79] : memref<10000x64xf32, #tpu.memory_space<vmem_shared>> -> memref<10000x64xf32, #tpu.memory_space<vmem_shared>>
    tpu.enqueue_indirect_dma source(%dma_start3A_80 : memref<10000x64xf32, #tpu.memory_space<vmem_shared>>) target(%dma_start3A_74 : memref<128x64xf32, #tpu.memory_space<vmem>>) offsets(%dma_start3A_77 : memref<128xi32, #tpu.memory_space<vmem>>) semaphore(%arg10 : memref<!tpu.dma_semaphore, #tpu.memory_space<semaphore_mem>>)
    %dma_start3A_81 = arith.constant 1 : i32
    %dma_start3A_82 = arith.constant 0 : i32
    %dma_start3A_83 = arith.constant 1 : i32
    %dma_start3A_84 = arith.constant 0 : i32
    %dma_start3A_85 = arith.constant 0 : i32
    %dma_start3A_86 = tpu.memref_slice %arg7[%dma_start3A_83, %dma_start3A_84, %dma_start3A_85] : memref<2x128x64xf32, #tpu.memory_space<vmem>> -> memref<1x128x64xf32, #tpu.memory_space<vmem>>
    %dma_start3A_87 = tpu.memref_squeeze %dma_start3A_86 : memref<1x128x64xf32, #tpu.memory_space<vmem>> -> memref<128x64xf32, #tpu.memory_space<vmem>>
    %dma_start3A_88 = arith.constant 0 : i32
    %dma_start3A_89 = tpu.memref_slice %arg6[%dma_start3A_81, %dma_start3A_82, %dma_start3A_88] : memref<40x2x128xi32, #tpu.memory_space<vmem>> -> memref<1x1x128xi32, #tpu.memory_space<vmem>>
    %dma_start3A_90 = tpu.memref_squeeze %dma_start3A_89 : memref<1x1x128xi32, #tpu.memory_space<vmem>> -> memref<128xi32, #tpu.memory_space<vmem>>
    %dma_start3A_91 = arith.constant 0 : i32
    %dma_start3A_92 = arith.constant 0 : i32
    %dma_start3A_93 = tpu.memref_slice %arg8[%dma_start3A_91, %dma_start3A_92] : memref<10000x64xf32, #tpu.memory_space<vmem_shared>> -> memref<10000x64xf32, #tpu.memory_space<vmem_shared>>
    tpu.enqueue_indirect_dma source(%dma_start3A_93 : memref<10000x64xf32, #tpu.memory_space<vmem_shared>>) target(%dma_start3A_87 : memref<128x64xf32, #tpu.memory_space<vmem>>) offsets(%dma_start3A_90 : memref<128xi32, #tpu.memory_space<vmem>>) semaphore(%arg11 : memref<!tpu.dma_semaphore, #tpu.memory_space<semaphore_mem>>)
    %scan3A_94 = arith.constant 0 : i32
    %scan3A_95 = arith.constant 0 : i32
    %scan3A_96 = arith.constant 20 : i32
    %scan3A_97 = arith.addi %scan3A_95, %scan3A_96 : i32
    %scan3A_98 = arith.constant 1 : i32
    scf.for %scan3A_127 = %scan3A_95 to %scan3A_97 step %scan3A_98  : i32 {
      %mul3A_128 = arith.constant 2 : i32
      %mul3A_129 = arith.muli %scan3A_127, %mul3A_128 : i32
      %add3A_130 = arith.constant 0 : i32
      %add3A_131 = arith.addi %mul3A_129, %add3A_130 : i32
      %dma_wait3A_132 = arith.constant 0 : i32
      %dma_wait3A_133 = arith.constant 0 : i32
      %dma_wait3A_134 = arith.constant 0 : i32
      %dma_wait3A_135 = arith.constant 0 : i32
      %dma_wait3A_136 = arith.constant 0 : i32
      %dma_wait3A_137 = tpu.memref_slice %arg7[%dma_wait3A_134, %dma_wait3A_135, %dma_wait3A_136] : memref<2x128x64xf32, #tpu.memory_space<vmem>> -> memref<1x128x64xf32, #tpu.memory_space<vmem>>
      %dma_wait3A_138 = tpu.memref_squeeze %dma_wait3A_137 : memref<1x128x64xf32, #tpu.memory_space<vmem>> -> memref<128x64xf32, #tpu.memory_space<vmem>>
      %dma_wait3A_139 = arith.constant 0 : i32
      %dma_wait3A_140 = tpu.memref_slice %arg6[%dma_wait3A_132, %dma_wait3A_133, %dma_wait3A_139] : memref<40x2x128xi32, #tpu.memory_space<vmem>> -> memref<1x1x128xi32, #tpu.memory_space<vmem>>
      %dma_wait3A_141 = tpu.memref_squeeze %dma_wait3A_140 : memref<1x1x128xi32, #tpu.memory_space<vmem>> -> memref<128xi32, #tpu.memory_space<vmem>>
      %dma_wait3A_142 = arith.constant 0 : i32
      %dma_wait3A_143 = arith.constant 0 : i32
      %dma_wait3A_144 = tpu.memref_slice %arg8[%dma_wait3A_142, %dma_wait3A_143] : memref<10000x64xf32, #tpu.memory_space<vmem_shared>> -> memref<10000x64xf32, #tpu.memory_space<vmem_shared>>
      tpu.wait_indirect_dma semaphore(%arg10 : memref<!tpu.dma_semaphore, #tpu.memory_space<semaphore_mem>>) src(%dma_wait3A_144 : memref<10000x64xf32, #tpu.memory_space<vmem_shared>>) dst(%dma_wait3A_138 : memref<128x64xf32, #tpu.memory_space<vmem>>)
      %run_scoped3A = arith.constant 0 : i32
      %run_scoped3A_145 = arith.constant 1 : i32
      "tpu.region"() ({
        %run_scoped3A_196 = tpu.sem_alloc : memref<!tpu.dma_semaphore, #tpu.memory_space<semaphore_mem>>
        %dma_start3A_197 = arith.constant 0 : i32
        %dma_start3A_198 = arith.constant 0 : i32
        %dma_start3A_199 = tpu.memref_slice %arg7[%run_scoped3A, %dma_start3A_197, %dma_start3A_198] : memref<2x128x64xf32, #tpu.memory_space<vmem>> -> memref<1x128x64xf32, #tpu.memory_space<vmem>>
        %dma_start3A_200 = tpu.memref_squeeze %dma_start3A_199 : memref<1x128x64xf32, #tpu.memory_space<vmem>> -> memref<128x64xf32, #tpu.memory_space<vmem>>
        %dma_start3A_201 = arith.constant 0 : i32
        %dma_start3A_202 = tpu.memref_slice %arg6[%add3A_131, %run_scoped3A_145, %dma_start3A_201] : memref<40x2x128xi32, #tpu.memory_space<vmem>> -> memref<1x1x128xi32, #tpu.memory_space<vmem>>
        %dma_start3A_203 = tpu.memref_squeeze %dma_start3A_202 : memref<1x1x128xi32, #tpu.memory_space<vmem>> -> memref<128xi32, #tpu.memory_space<vmem>>
        %dma_start3A_204 = arith.constant 0 : i32
        %dma_start3A_205 = arith.constant 0 : i32
        %dma_start3A_206 = tpu.memref_slice %arg9[%dma_start3A_204, %dma_start3A_205] : memref<10112x64xf32, #tpu.memory_space<vmem_shared>> -> memref<10112x64xf32, #tpu.memory_space<vmem_shared>>
        tpu.enqueue_indirect_dma source(%dma_start3A_200 : memref<128x64xf32, #tpu.memory_space<vmem>>) target(%dma_start3A_206 : memref<10112x64xf32, #tpu.memory_space<vmem_shared>>) offsets(%dma_start3A_203 : memref<128xi32, #tpu.memory_space<vmem>>) semaphore(%run_scoped3A_196 : memref<!tpu.dma_semaphore, #tpu.memory_space<semaphore_mem>>) {add = true}
        %dma_wait3A_207 = arith.constant 0 : i32
        %dma_wait3A_208 = arith.constant 0 : i32
        %dma_wait3A_209 = tpu.memref_slice %arg7[%run_scoped3A, %dma_wait3A_207, %dma_wait3A_208] : memref<2x128x64xf32, #tpu.memory_space<vmem>> -> memref<1x128x64xf32, #tpu.memory_space<vmem>>
        %dma_wait3A_210 = tpu.memref_squeeze %dma_wait3A_209 : memref<1x128x64xf32, #tpu.memory_space<vmem>> -> memref<128x64xf32, #tpu.memory_space<vmem>>
        %dma_wait3A_211 = arith.constant 0 : i32
        %dma_wait3A_212 = tpu.memref_slice %arg6[%add3A_131, %run_scoped3A_145, %dma_wait3A_211] : memref<40x2x128xi32, #tpu.memory_space<vmem>> -> memref<1x1x128xi32, #tpu.memory_space<vmem>>
        %dma_wait3A_213 = tpu.memref_squeeze %dma_wait3A_212 : memref<1x1x128xi32, #tpu.memory_space<vmem>> -> memref<128xi32, #tpu.memory_space<vmem>>
        %dma_wait3A_214 = arith.constant 0 : i32
        %dma_wait3A_215 = arith.constant 0 : i32
        %dma_wait3A_216 = tpu.memref_slice %arg9[%dma_wait3A_214, %dma_wait3A_215] : memref<10112x64xf32, #tpu.memory_space<vmem_shared>> -> memref<10112x64xf32, #tpu.memory_space<vmem_shared>>
        tpu.wait_indirect_dma semaphore(%run_scoped3A_196 : memref<!tpu.dma_semaphore, #tpu.memory_space<semaphore_mem>>) src(%dma_wait3A_210 : memref<128x64xf32, #tpu.memory_space<vmem>>) dst(%dma_wait3A_216 : memref<10112x64xf32, #tpu.memory_space<vmem_shared>>)
        tpu.yield
      }) : () -> ()
      %add3A_146 = arith.constant 2 : i32
      %add3A_147 = arith.addi %add3A_131, %add3A_146 : i32
      %min3A = arith.constant 39 : i32
      %min3A_148 = arith.minsi %add3A_147, %min3A : i32
      %dma_start3A_149 = arith.constant 0 : i32
      %dma_start3A_150 = arith.constant 0 : i32
      %dma_start3A_151 = arith.constant 0 : i32
      %dma_start3A_152 = arith.constant 0 : i32
      %dma_start3A_153 = tpu.memref_slice %arg7[%dma_start3A_150, %dma_start3A_151, %dma_start3A_152] : memref<2x128x64xf32, #tpu.memory_space<vmem>> -> memref<1x128x64xf32, #tpu.memory_space<vmem>>
      %dma_start3A_154 = tpu.memref_squeeze %dma_start3A_153 : memref<1x128x64xf32, #tpu.memory_space<vmem>> -> memref<128x64xf32, #tpu.memory_space<vmem>>
      %dma_start3A_155 = arith.constant 0 : i32
      %dma_start3A_156 = tpu.memref_slice %arg6[%min3A_148, %dma_start3A_149, %dma_start3A_155] : memref<40x2x128xi32, #tpu.memory_space<vmem>> -> memref<1x1x128xi32, #tpu.memory_space<vmem>>
      %dma_start3A_157 = tpu.memref_squeeze %dma_start3A_156 : memref<1x1x128xi32, #tpu.memory_space<vmem>> -> memref<128xi32, #tpu.memory_space<vmem>>
      %dma_start3A_158 = arith.constant 0 : i32
      %dma_start3A_159 = arith.constant 0 : i32
      %dma_start3A_160 = tpu.memref_slice %arg8[%dma_start3A_158, %dma_start3A_159] : memref<10000x64xf32, #tpu.memory_space<vmem_shared>> -> memref<10000x64xf32, #tpu.memory_space<vmem_shared>>
      tpu.enqueue_indirect_dma source(%dma_start3A_160 : memref<10000x64xf32, #tpu.memory_space<vmem_shared>>) target(%dma_start3A_154 : memref<128x64xf32, #tpu.memory_space<vmem>>) offsets(%dma_start3A_157 : memref<128xi32, #tpu.memory_space<vmem>>) semaphore(%arg10 : memref<!tpu.dma_semaphore, #tpu.memory_space<semaphore_mem>>)
      %mul3A_161 = arith.constant 2 : i32
      %mul3A_162 = arith.muli %scan3A_127, %mul3A_161 : i32
      %add3A_163 = arith.constant 1 : i32
      %add3A_164 = arith.addi %mul3A_162, %add3A_163 : i32
      %dma_wait3A_165 = arith.constant 0 : i32
      %dma_wait3A_166 = arith.constant 0 : i32
      %dma_wait3A_167 = arith.constant 1 : i32
      %dma_wait3A_168 = arith.constant 0 : i32
      %dma_wait3A_169 = arith.constant 0 : i32
      %dma_wait3A_170 = tpu.memref_slice %arg7[%dma_wait3A_167, %dma_wait3A_168, %dma_wait3A_169] : memref<2x128x64xf32, #tpu.memory_space<vmem>> -> memref<1x128x64xf32, #tpu.memory_space<vmem>>
      %dma_wait3A_171 = tpu.memref_squeeze %dma_wait3A_170 : memref<1x128x64xf32, #tpu.memory_space<vmem>> -> memref<128x64xf32, #tpu.memory_space<vmem>>
      %dma_wait3A_172 = arith.constant 0 : i32
      %dma_wait3A_173 = tpu.memref_slice %arg6[%dma_wait3A_165, %dma_wait3A_166, %dma_wait3A_172] : memref<40x2x128xi32, #tpu.memory_space<vmem>> -> memref<1x1x128xi32, #tpu.memory_space<vmem>>
      %dma_wait3A_174 = tpu.memref_squeeze %dma_wait3A_173 : memref<1x1x128xi32, #tpu.memory_space<vmem>> -> memref<128xi32, #tpu.memory_space<vmem>>
      %dma_wait3A_175 = arith.constant 0 : i32
      %dma_wait3A_176 = arith.constant 0 : i32
      %dma_wait3A_177 = tpu.memref_slice %arg8[%dma_wait3A_175, %dma_wait3A_176] : memref<10000x64xf32, #tpu.memory_space<vmem_shared>> -> memref<10000x64xf32, #tpu.memory_space<vmem_shared>>
      tpu.wait_indirect_dma semaphore(%arg11 : memref<!tpu.dma_semaphore, #tpu.memory_space<semaphore_mem>>) src(%dma_wait3A_177 : memref<10000x64xf32, #tpu.memory_space<vmem_shared>>) dst(%dma_wait3A_171 : memref<128x64xf32, #tpu.memory_space<vmem>>)
      %run_scoped3A_178 = arith.constant 1 : i32
      %run_scoped3A_179 = arith.constant 1 : i32
      "tpu.region"() ({
        %run_scoped3A_196 = tpu.sem_alloc : memref<!tpu.dma_semaphore, #tpu.memory_space<semaphore_mem>>
        %dma_start3A_197 = arith.constant 0 : i32
        %dma_start3A_198 = arith.constant 0 : i32
        %dma_start3A_199 = tpu.memref_slice %arg7[%run_scoped3A_178, %dma_start3A_197, %dma_start3A_198] : memref<2x128x64xf32, #tpu.memory_space<vmem>> -> memref<1x128x64xf32, #tpu.memory_space<vmem>>
        %dma_start3A_200 = tpu.memref_squeeze %dma_start3A_199 : memref<1x128x64xf32, #tpu.memory_space<vmem>> -> memref<128x64xf32, #tpu.memory_space<vmem>>
        %dma_start3A_201 = arith.constant 0 : i32
        %dma_start3A_202 = tpu.memref_slice %arg6[%add3A_164, %run_scoped3A_179, %dma_start3A_201] : memref<40x2x128xi32, #tpu.memory_space<vmem>> -> memref<1x1x128xi32, #tpu.memory_space<vmem>>
        %dma_start3A_203 = tpu.memref_squeeze %dma_start3A_202 : memref<1x1x128xi32, #tpu.memory_space<vmem>> -> memref<128xi32, #tpu.memory_space<vmem>>
        %dma_start3A_204 = arith.constant 0 : i32
        %dma_start3A_205 = arith.constant 0 : i32
        %dma_start3A_206 = tpu.memref_slice %arg9[%dma_start3A_204, %dma_start3A_205] : memref<10112x64xf32, #tpu.memory_space<vmem_shared>> -> memref<10112x64xf32, #tpu.memory_space<vmem_shared>>
        tpu.enqueue_indirect_dma source(%dma_start3A_200 : memref<128x64xf32, #tpu.memory_space<vmem>>) target(%dma_start3A_206 : memref<10112x64xf32, #tpu.memory_space<vmem_shared>>) offsets(%dma_start3A_203 : memref<128xi32, #tpu.memory_space<vmem>>) semaphore(%run_scoped3A_196 : memref<!tpu.dma_semaphore, #tpu.memory_space<semaphore_mem>>) {add = true}
        %dma_wait3A_207 = arith.constant 0 : i32
        %dma_wait3A_208 = arith.constant 0 : i32
        %dma_wait3A_209 = tpu.memref_slice %arg7[%run_scoped3A_178, %dma_wait3A_207, %dma_wait3A_208] : memref<2x128x64xf32, #tpu.memory_space<vmem>> -> memref<1x128x64xf32, #tpu.memory_space<vmem>>
        %dma_wait3A_210 = tpu.memref_squeeze %dma_wait3A_209 : memref<1x128x64xf32, #tpu.memory_space<vmem>> -> memref<128x64xf32, #tpu.memory_space<vmem>>
        %dma_wait3A_211 = arith.constant 0 : i32
        %dma_wait3A_212 = tpu.memref_slice %arg6[%add3A_164, %run_scoped3A_179, %dma_wait3A_211] : memref<40x2x128xi32, #tpu.memory_space<vmem>> -> memref<1x1x128xi32, #tpu.memory_space<vmem>>
        %dma_wait3A_213 = tpu.memref_squeeze %dma_wait3A_212 : memref<1x1x128xi32, #tpu.memory_space<vmem>> -> memref<128xi32, #tpu.memory_space<vmem>>
        %dma_wait3A_214 = arith.constant 0 : i32
        %dma_wait3A_215 = arith.constant 0 : i32
        %dma_wait3A_216 = tpu.memref_slice %arg9[%dma_wait3A_214, %dma_wait3A_215] : memref<10112x64xf32, #tpu.memory_space<vmem_shared>> -> memref<10112x64xf32, #tpu.memory_space<vmem_shared>>
        tpu.wait_indirect_dma semaphore(%run_scoped3A_196 : memref<!tpu.dma_semaphore, #tpu.memory_space<semaphore_mem>>) src(%dma_wait3A_210 : memref<128x64xf32, #tpu.memory_space<vmem>>) dst(%dma_wait3A_216 : memref<10112x64xf32, #tpu.memory_space<vmem_shared>>)
        tpu.yield
      }) : () -> ()
      %add3A_180 = arith.constant 2 : i32
      %add3A_181 = arith.addi %add3A_164, %add3A_180 : i32
      %min3A_182 = arith.constant 39 : i32
      %min3A_183 = arith.minsi %add3A_181, %min3A_182 : i32
      %dma_start3A_184 = arith.constant 0 : i32
      %dma_start3A_185 = arith.constant 1 : i32
      %dma_start3A_186 = arith.constant 0 : i32
      %dma_start3A_187 = arith.constant 0 : i32
      %dma_start3A_188 = tpu.memref_slice %arg7[%dma_start3A_185, %dma_start3A_186, %dma_start3A_187] : memref<2x128x64xf32, #tpu.memory_space<vmem>> -> memref<1x128x64xf32, #tpu.memory_space<vmem>>
      %dma_start3A_189 = tpu.memref_squeeze %dma_start3A_188 : memref<1x128x64xf32, #tpu.memory_space<vmem>> -> memref<128x64xf32, #tpu.memory_space<vmem>>
      %dma_start3A_190 = arith.constant 0 : i32
      %dma_start3A_191 = tpu.memref_slice %arg6[%min3A_183, %dma_start3A_184, %dma_start3A_190] : memref<40x2x128xi32, #tpu.memory_space<vmem>> -> memref<1x1x128xi32, #tpu.memory_space<vmem>>
      %dma_start3A_192 = tpu.memref_squeeze %dma_start3A_191 : memref<1x1x128xi32, #tpu.memory_space<vmem>> -> memref<128xi32, #tpu.memory_space<vmem>>
      %dma_start3A_193 = arith.constant 0 : i32
      %dma_start3A_194 = arith.constant 0 : i32
      %dma_start3A_195 = tpu.memref_slice %arg8[%dma_start3A_193, %dma_start3A_194] : memref<10000x64xf32, #tpu.memory_space<vmem_shared>> -> memref<10000x64xf32, #tpu.memory_space<vmem_shared>>
      tpu.enqueue_indirect_dma source(%dma_start3A_195 : memref<10000x64xf32, #tpu.memory_space<vmem_shared>>) target(%dma_start3A_189 : memref<128x64xf32, #tpu.memory_space<vmem>>) offsets(%dma_start3A_192 : memref<128xi32, #tpu.memory_space<vmem>>) semaphore(%arg11 : memref<!tpu.dma_semaphore, #tpu.memory_space<semaphore_mem>>)
    }
    %scan3A_99 = arith.constant 20 : i32
    %dma_wait3A_100 = arith.constant 0 : i32
    %dma_wait3A_101 = arith.constant 0 : i32
    %dma_wait3A_102 = arith.constant 0 : i32
    %dma_wait3A_103 = arith.constant 0 : i32
    %dma_wait3A_104 = arith.constant 0 : i32
    %dma_wait3A_105 = tpu.memref_slice %arg7[%dma_wait3A_102, %dma_wait3A_103, %dma_wait3A_104] : memref<2x128x64xf32, #tpu.memory_space<vmem>> -> memref<1x128x64xf32, #tpu.memory_space<vmem>>
    %dma_wait3A_106 = tpu.memref_squeeze %dma_wait3A_105 : memref<1x128x64xf32, #tpu.memory_space<vmem>> -> memref<128x64xf32, #tpu.memory_space<vmem>>
    %dma_wait3A_107 = arith.constant 0 : i32
    %dma_wait3A_108 = tpu.memref_slice %arg6[%dma_wait3A_100, %dma_wait3A_101, %dma_wait3A_107] : memref<40x2x128xi32, #tpu.memory_space<vmem>> -> memref<1x1x128xi32, #tpu.memory_space<vmem>>
    %dma_wait3A_109 = tpu.memref_squeeze %dma_wait3A_108 : memref<1x1x128xi32, #tpu.memory_space<vmem>> -> memref<128xi32, #tpu.memory_space<vmem>>
    %dma_wait3A_110 = arith.constant 0 : i32
    %dma_wait3A_111 = arith.constant 0 : i32
    %dma_wait3A_112 = tpu.memref_slice %arg8[%dma_wait3A_110, %dma_wait3A_111] : memref<10000x64xf32, #tpu.memory_space<vmem_shared>> -> memref<10000x64xf32, #tpu.memory_space<vmem_shared>>
    tpu.wait_indirect_dma semaphore(%arg10 : memref<!tpu.dma_semaphore, #tpu.memory_space<semaphore_mem>>) src(%dma_wait3A_112 : memref<10000x64xf32, #tpu.memory_space<vmem_shared>>) dst(%dma_wait3A_106 : memref<128x64xf32, #tpu.memory_space<vmem>>)
    %dma_wait3A_113 = arith.constant 0 : i32
    %dma_wait3A_114 = arith.constant 0 : i32
    %dma_wait3A_115 = arith.constant 1 : i32
    %dma_wait3A_116 = arith.constant 0 : i32
    %dma_wait3A_117 = arith.constant 0 : i32
    %dma_wait3A_118 = tpu.memref_slice %arg7[%dma_wait3A_115, %dma_wait3A_116, %dma_wait3A_117] : memref<2x128x64xf32, #tpu.memory_space<vmem>> -> memref<1x128x64xf32, #tpu.memory_space<vmem>>
    %dma_wait3A_119 = tpu.memref_squeeze %dma_wait3A_118 : memref<1x128x64xf32, #tpu.memory_space<vmem>> -> memref<128x64xf32, #tpu.memory_space<vmem>>
    %dma_wait3A_120 = arith.constant 0 : i32
    %dma_wait3A_121 = tpu.memref_slice %arg6[%dma_wait3A_113, %dma_wait3A_114, %dma_wait3A_120] : memref<40x2x128xi32, #tpu.memory_space<vmem>> -> memref<1x1x128xi32, #tpu.memory_space<vmem>>
    %dma_wait3A_122 = tpu.memref_squeeze %dma_wait3A_121 : memref<1x1x128xi32, #tpu.memory_space<vmem>> -> memref<128xi32, #tpu.memory_space<vmem>>
    %dma_wait3A_123 = arith.constant 0 : i32
    %dma_wait3A_124 = arith.constant 0 : i32
    %dma_wait3A_125 = tpu.memref_slice %arg8[%dma_wait3A_123, %dma_wait3A_124] : memref<10000x64xf32, #tpu.memory_space<vmem_shared>> -> memref<10000x64xf32, #tpu.memory_space<vmem_shared>>
    tpu.wait_indirect_dma semaphore(%arg11 : memref<!tpu.dma_semaphore, #tpu.memory_space<semaphore_mem>>) src(%dma_wait3A_125 : memref<10000x64xf32, #tpu.memory_space<vmem_shared>>) dst(%dma_wait3A_119 : memref<128x64xf32, #tpu.memory_space<vmem>>)
    %barrier3A_126 = arith.constant 0 : index
    tpu.barrier barrier_id(%barrier3A_126)
    "tpu.region"() ({
      %run_scoped3A = tpu.sem_alloc : memref<!tpu.dma_semaphore, #tpu.memory_space<semaphore_mem>>
      %dma_start3A_127 = arith.constant 0 : i32
      %dma_start3A_128 = tpu.memref_slice %arg5[%arg0, %mul3A_0, %dma_start3A_127] : memref<2x10112x64xf32, #tpu.memory_space<hbm>> -> memref<1x632x64xf32, #tpu.memory_space<hbm>>
      %dma_start3A_129 = tpu.memref_squeeze %dma_start3A_128 : memref<1x632x64xf32, #tpu.memory_space<hbm>> -> memref<632x64xf32, #tpu.memory_space<hbm>>
      %dma_start3A_130 = arith.constant 0 : i32
      %dma_start3A_131 = tpu.memref_slice %arg9[%mul3A_0, %dma_start3A_130] : memref<10112x64xf32, #tpu.memory_space<vmem_shared>> -> memref<632x64xf32, #tpu.memory_space<vmem_shared>>
      tpu.enqueue_dma source(%dma_start3A_131 : memref<632x64xf32, #tpu.memory_space<vmem_shared>>) target(%dma_start3A_129 : memref<632x64xf32, #tpu.memory_space<hbm>>) target_semaphore(%run_scoped3A : memref<!tpu.dma_semaphore, #tpu.memory_space<semaphore_mem>>)
      %dma_wait3A_132 = arith.constant 0 : i32
      %dma_wait3A_133 = tpu.memref_slice %arg5[%arg0, %mul3A_0, %dma_wait3A_132] : memref<2x10112x64xf32, #tpu.memory_space<hbm>> -> memref<1x632x64xf32, #tpu.memory_space<hbm>>
      %dma_wait3A_134 = tpu.memref_squeeze %dma_wait3A_133 : memref<1x632x64xf32, #tpu.memory_space<hbm>> -> memref<632x64xf32, #tpu.memory_space<hbm>>
      %dma_wait3A_135 = arith.constant 0 : i32
      %dma_wait3A_136 = tpu.memref_slice %arg9[%mul3A_0, %dma_wait3A_135] : memref<10112x64xf32, #tpu.memory_space<vmem_shared>> -> memref<632x64xf32, #tpu.memory_space<vmem_shared>>
      tpu.wait_dma2 semaphore(%run_scoped3A : memref<!tpu.dma_semaphore, #tpu.memory_space<semaphore_mem>>) src(%dma_wait3A_136 : memref<632x64xf32, #tpu.memory_space<vmem_shared>>) dst(%dma_wait3A_134 : memref<632x64xf32, #tpu.memory_space<hbm>>)
      tpu.yield
    }) : () -> ()
    return
  }
}

#map = affine_map<(d0, d1) -> (0, 0)>
#map1 = affine_map<(d0, d1) -> (0, 0, 0)>
module attributes {stable_mosaic.version = 14 : i64} {
  func.func @scat(%arg0: i32, %arg1: i32, %arg2: memref<128x64xf32, #tpu.memory_space<hbm>>, %arg3: memref<2560x2x128xi32, #tpu.memory_space<hbm>>, %arg4: memref<10112x64xf32, #tpu.memory_space<hbm>>, %arg5: memref<2x10112x64xf32, #tpu.memory_space<hbm>>, %arg6: memref<40x2x128xi32, #tpu.memory_space<vmem>>, %arg7: memref<2x128x64xf32, #tpu.memory_space<vmem>>, %arg8: memref<10000x64xf32, #tpu.memory_space<vmem_shared>>, %arg9: memref<10112x64xf32, #tpu.memory_space<vmem_shared>>, %arg10: memref<!tpu.dma_semaphore, #tpu.memory_space<semaphore_mem>>, %arg11: memref<!tpu.dma_semaphore, #tpu.memory_space<semaphore_mem>>) attributes {dimension_semantics = [#tpu.dimension_semantics<core_parallel>, #tpu.dimension_semantics<subcore_parallel>], iteration_bounds = array<i64: 2, 16>, scalar_prefetch = 0 : i64, scratch_operands = 6 : i64, tpu.core_type = #tpu.core_type<sc_vector_subcore>, window_params = [{transform_indices = #map}, {transform_indices = #map1}, {transform_indices = #map}, {transform_indices = #map1}]} {
    %mul3A = arith.constant 632 : i32
    %mul3A_0 = arith.muli %arg1, %mul3A : i32
    %mul3A_1 = arith.constant 160 : i32
    %mul3A_2 = arith.muli %arg1, %mul3A_1 : i32
    %mul3A_3 = arith.constant 80 : i32
    %mul3A_4 = arith.muli %arg0, %mul3A_3 : i32
    %add3A = arith.addi %mul3A_2, %mul3A_4 : i32
    "tpu.region"() ({
      %run_scoped3A_21 = tpu.sem_alloc : memref<!tpu.dma_semaphore, #tpu.memory_space<semaphore_mem>>
      %dma_start3A = arith.constant 0 : i32
      %dma_start3A_22 = tpu.memref_slice %arg9[%mul3A_0, %dma_start3A] : memref<10112x64xf32, #tpu.memory_space<vmem_shared>> -> memref<632x64xf32, #tpu.memory_space<vmem_shared>>
      %dma_start3A_23 = arith.constant 0 : i32
      %dma_start3A_24 = tpu.memref_slice %arg4[%mul3A_0, %dma_start3A_23] : memref<10112x64xf32, #tpu.memory_space<hbm>> -> memref<632x64xf32, #tpu.memory_space<hbm>>
      tpu.enqueue_dma source(%dma_start3A_24 : memref<632x64xf32, #tpu.memory_space<hbm>>) target(%dma_start3A_22 : memref<632x64xf32, #tpu.memory_space<vmem_shared>>) target_semaphore(%run_scoped3A_21 : memref<!tpu.dma_semaphore, #tpu.memory_space<semaphore_mem>>)
      %dma_wait3A = arith.constant 0 : i32
      %dma_wait3A_25 = tpu.memref_slice %arg9[%mul3A_0, %dma_wait3A] : memref<10112x64xf32, #tpu.memory_space<vmem_shared>> -> memref<632x64xf32, #tpu.memory_space<vmem_shared>>
      %dma_wait3A_26 = arith.constant 0 : i32
      %dma_wait3A_27 = tpu.memref_slice %arg4[%mul3A_0, %dma_wait3A_26] : memref<10112x64xf32, #tpu.memory_space<hbm>> -> memref<632x64xf32, #tpu.memory_space<hbm>>
      tpu.wait_dma2 semaphore(%run_scoped3A_21 : memref<!tpu.dma_semaphore, #tpu.memory_space<semaphore_mem>>) src(%dma_wait3A_27 : memref<632x64xf32, #tpu.memory_space<hbm>>) dst(%dma_wait3A_25 : memref<632x64xf32, #tpu.memory_space<vmem_shared>>)
      tpu.yield
    }) : () -> ()
    %run_scoped3A = arith.constant 0 : i32
    "tpu.region"() ({
      %run_scoped3A_21 = tpu.sem_alloc : memref<!tpu.dma_semaphore, #tpu.memory_space<semaphore_mem>>
      %dma_start3A = arith.constant 0 : i32
      %dma_start3A_22 = arith.constant 0 : i32
      %dma_start3A_23 = tpu.memref_slice %arg7[%run_scoped3A, %dma_start3A, %dma_start3A_22] : memref<2x128x64xf32, #tpu.memory_space<vmem>> -> memref<1x128x64xf32, #tpu.memory_space<vmem>>
      %dma_start3A_24 = tpu.memref_squeeze %dma_start3A_23 : memref<1x128x64xf32, #tpu.memory_space<vmem>> -> memref<128x64xf32, #tpu.memory_space<vmem>>
      %dma_start3A_25 = arith.constant 0 : i32
      %dma_start3A_26 = arith.constant 0 : i32
      %dma_start3A_27 = tpu.memref_slice %arg2[%dma_start3A_25, %dma_start3A_26] : memref<128x64xf32, #tpu.memory_space<hbm>> -> memref<128x64xf32, #tpu.memory_space<hbm>>
      %dma_start3A_28 = arith.constant 0 : i32
      %dma_start3A_29 = arith.constant 0 : i32
      %dma_start3A_30 = tpu.memref_slice %arg7[%run_scoped3A, %dma_start3A_28, %dma_start3A_29] : memref<2x128x64xf32, #tpu.memory_space<vmem>> -> memref<1x128x64xf32, #tpu.memory_space<vmem>>
      %dma_start3A_31 = tpu.memref_squeeze %dma_start3A_30 : memref<1x128x64xf32, #tpu.memory_space<vmem>> -> memref<128x64xf32, #tpu.memory_space<vmem>>
      %dma_start3A_32 = arith.constant 0 : i32
      %dma_start3A_33 = arith.constant 0 : i32
      %dma_start3A_34 = tpu.memref_slice %arg2[%dma_start3A_32, %dma_start3A_33] : memref<128x64xf32, #tpu.memory_space<hbm>> -> memref<128x64xf32, #tpu.memory_space<hbm>>
      tpu.enqueue_dma source(%dma_start3A_34 : memref<128x64xf32, #tpu.memory_space<hbm>>) target(%dma_start3A_31 : memref<128x64xf32, #tpu.memory_space<vmem>>) target_semaphore(%run_scoped3A_21 : memref<!tpu.dma_semaphore, #tpu.memory_space<semaphore_mem>>)
      %dma_wait3A = arith.constant 0 : i32
      %dma_wait3A_35 = arith.constant 0 : i32
      %dma_wait3A_36 = tpu.memref_slice %arg7[%run_scoped3A, %dma_wait3A, %dma_wait3A_35] : memref<2x128x64xf32, #tpu.memory_space<vmem>> -> memref<1x128x64xf32, #tpu.memory_space<vmem>>
      %dma_wait3A_37 = tpu.memref_squeeze %dma_wait3A_36 : memref<1x128x64xf32, #tpu.memory_space<vmem>> -> memref<128x64xf32, #tpu.memory_space<vmem>>
      %dma_wait3A_38 = arith.constant 0 : i32
      %dma_wait3A_39 = arith.constant 0 : i32
      %dma_wait3A_40 = tpu.memref_slice %arg2[%dma_wait3A_38, %dma_wait3A_39] : memref<128x64xf32, #tpu.memory_space<hbm>> -> memref<128x64xf32, #tpu.memory_space<hbm>>
      %dma_wait3A_41 = arith.constant 0 : i32
      %dma_wait3A_42 = arith.constant 0 : i32
      %dma_wait3A_43 = tpu.memref_slice %arg7[%run_scoped3A, %dma_wait3A_41, %dma_wait3A_42] : memref<2x128x64xf32, #tpu.memory_space<vmem>> -> memref<1x128x64xf32, #tpu.memory_space<vmem>>
      %dma_wait3A_44 = tpu.memref_squeeze %dma_wait3A_43 : memref<1x128x64xf32, #tpu.memory_space<vmem>> -> memref<128x64xf32, #tpu.memory_space<vmem>>
      %dma_wait3A_45 = arith.constant 0 : i32
      %dma_wait3A_46 = arith.constant 0 : i32
      %dma_wait3A_47 = tpu.memref_slice %arg2[%dma_wait3A_45, %dma_wait3A_46] : memref<128x64xf32, #tpu.memory_space<hbm>> -> memref<128x64xf32, #tpu.memory_space<hbm>>
      tpu.wait_dma2 semaphore(%run_scoped3A_21 : memref<!tpu.dma_semaphore, #tpu.memory_space<semaphore_mem>>) src(%dma_wait3A_47 : memref<128x64xf32, #tpu.memory_space<hbm>>) dst(%dma_wait3A_44 : memref<128x64xf32, #tpu.memory_space<vmem>>)
      tpu.yield
    }) : () -> ()
    %barrier3A = arith.constant 0 : index
    tpu.barrier barrier_id(%barrier3A)
    %add3A_5 = arith.constant 0 : i32
    %add3A_6 = arith.addi %add3A, %add3A_5 : i32
    "tpu.region"() ({
      %run_scoped3A_21 = tpu.sem_alloc : memref<!tpu.dma_semaphore, #tpu.memory_space<semaphore_mem>>
      %dma_start3A = arith.constant 0 : i32
      %dma_start3A_22 = arith.constant 0 : i32
      %dma_start3A_23 = tpu.memref_slice %arg3[%add3A_6, %dma_start3A, %dma_start3A_22] : memref<2560x2x128xi32, #tpu.memory_space<hbm>> -> memref<40x2x128xi32, #tpu.memory_space<hbm>>
      %dma_start3A_24 = arith.constant 0 : i32
      %dma_start3A_25 = arith.constant 0 : i32
      %dma_start3A_26 = tpu.memref_slice %arg3[%add3A_6, %dma_start3A_24, %dma_start3A_25] : memref<2560x2x128xi32, #tpu.memory_space<hbm>> -> memref<40x2x128xi32, #tpu.memory_space<hbm>>
      tpu.enqueue_dma source(%dma_start3A_26 : memref<40x2x128xi32, #tpu.memory_space<hbm>>) target(%arg6 : memref<40x2x128xi32, #tpu.memory_space<vmem>>) target_semaphore(%run_scoped3A_21 : memref<!tpu.dma_semaphore, #tpu.memory_space<semaphore_mem>>)
      %dma_wait3A = arith.constant 0 : i32
      %dma_wait3A_27 = arith.constant 0 : i32
      %dma_wait3A_28 = tpu.memref_slice %arg3[%add3A_6, %dma_wait3A, %dma_wait3A_27] : memref<2560x2x128xi32, #tpu.memory_space<hbm>> -> memref<40x2x128xi32, #tpu.memory_space<hbm>>
      %dma_wait3A_29 = arith.constant 0 : i32
      %dma_wait3A_30 = arith.constant 0 : i32
      %dma_wait3A_31 = tpu.memref_slice %arg3[%add3A_6, %dma_wait3A_29, %dma_wait3A_30] : memref<2560x2x128xi32, #tpu.memory_space<hbm>> -> memref<40x2x128xi32, #tpu.memory_space<hbm>>
      tpu.wait_dma2 semaphore(%run_scoped3A_21 : memref<!tpu.dma_semaphore, #tpu.memory_space<semaphore_mem>>) src(%dma_wait3A_31 : memref<40x2x128xi32, #tpu.memory_space<hbm>>) dst(%arg6 : memref<40x2x128xi32, #tpu.memory_space<vmem>>)
      tpu.yield
    }) : () -> ()
    %scan3A = arith.constant 0 : i32
    %scan3A_7 = arith.constant 0 : i32
    %scan3A_8 = arith.constant 40 : i32
    %scan3A_9 = arith.addi %scan3A_7, %scan3A_8 : i32
    %scan3A_10 = arith.constant 1 : i32
    scf.for %scan3A_21 = %scan3A_7 to %scan3A_9 step %scan3A_10  : i32 {
      %run_scoped3A_22 = arith.constant 0 : i32
      %run_scoped3A_23 = arith.constant 1 : i32
      "tpu.region"() ({
        %run_scoped3A_24 = tpu.sem_alloc : memref<!tpu.dma_semaphore, #tpu.memory_space<semaphore_mem>>
        %dma_start3A = arith.constant 0 : i32
        %dma_start3A_25 = arith.constant 0 : i32
        %dma_start3A_26 = tpu.memref_slice %arg7[%run_scoped3A_22, %dma_start3A, %dma_start3A_25] : memref<2x128x64xf32, #tpu.memory_space<vmem>> -> memref<1x128x64xf32, #tpu.memory_space<vmem>>
        %dma_start3A_27 = tpu.memref_squeeze %dma_start3A_26 : memref<1x128x64xf32, #tpu.memory_space<vmem>> -> memref<128x64xf32, #tpu.memory_space<vmem>>
        %dma_start3A_28 = arith.constant 0 : i32
        %dma_start3A_29 = tpu.memref_slice %arg6[%scan3A_21, %run_scoped3A_23, %dma_start3A_28] : memref<40x2x128xi32, #tpu.memory_space<vmem>> -> memref<1x1x128xi32, #tpu.memory_space<vmem>>
        %dma_start3A_30 = tpu.memref_squeeze %dma_start3A_29 : memref<1x1x128xi32, #tpu.memory_space<vmem>> -> memref<128xi32, #tpu.memory_space<vmem>>
        %dma_start3A_31 = arith.constant 0 : i32
        %dma_start3A_32 = arith.constant 0 : i32
        %dma_start3A_33 = tpu.memref_slice %arg9[%dma_start3A_31, %dma_start3A_32] : memref<10112x64xf32, #tpu.memory_space<vmem_shared>> -> memref<10112x64xf32, #tpu.memory_space<vmem_shared>>
        tpu.enqueue_indirect_dma source(%dma_start3A_27 : memref<128x64xf32, #tpu.memory_space<vmem>>) target(%dma_start3A_33 : memref<10112x64xf32, #tpu.memory_space<vmem_shared>>) offsets(%dma_start3A_30 : memref<128xi32, #tpu.memory_space<vmem>>) semaphore(%run_scoped3A_24 : memref<!tpu.dma_semaphore, #tpu.memory_space<semaphore_mem>>) {add = true}
        %dma_wait3A = arith.constant 0 : i32
        %dma_wait3A_34 = arith.constant 0 : i32
        %dma_wait3A_35 = tpu.memref_slice %arg7[%run_scoped3A_22, %dma_wait3A, %dma_wait3A_34] : memref<2x128x64xf32, #tpu.memory_space<vmem>> -> memref<1x128x64xf32, #tpu.memory_space<vmem>>
        %dma_wait3A_36 = tpu.memref_squeeze %dma_wait3A_35 : memref<1x128x64xf32, #tpu.memory_space<vmem>> -> memref<128x64xf32, #tpu.memory_space<vmem>>
        %dma_wait3A_37 = arith.constant 0 : i32
        %dma_wait3A_38 = tpu.memref_slice %arg6[%scan3A_21, %run_scoped3A_23, %dma_wait3A_37] : memref<40x2x128xi32, #tpu.memory_space<vmem>> -> memref<1x1x128xi32, #tpu.memory_space<vmem>>
        %dma_wait3A_39 = tpu.memref_squeeze %dma_wait3A_38 : memref<1x1x128xi32, #tpu.memory_space<vmem>> -> memref<128xi32, #tpu.memory_space<vmem>>
        %dma_wait3A_40 = arith.constant 0 : i32
        %dma_wait3A_41 = arith.constant 0 : i32
        %dma_wait3A_42 = tpu.memref_slice %arg9[%dma_wait3A_40, %dma_wait3A_41] : memref<10112x64xf32, #tpu.memory_space<vmem_shared>> -> memref<10112x64xf32, #tpu.memory_space<vmem_shared>>
        tpu.wait_indirect_dma semaphore(%run_scoped3A_24 : memref<!tpu.dma_semaphore, #tpu.memory_space<semaphore_mem>>) src(%dma_wait3A_36 : memref<128x64xf32, #tpu.memory_space<vmem>>) dst(%dma_wait3A_42 : memref<10112x64xf32, #tpu.memory_space<vmem_shared>>)
        tpu.yield
      }) : () -> ()
    }
    %scan3A_11 = arith.constant 40 : i32
    %add3A_12 = arith.constant 40 : i32
    %add3A_13 = arith.addi %add3A, %add3A_12 : i32
    "tpu.region"() ({
      %run_scoped3A_21 = tpu.sem_alloc : memref<!tpu.dma_semaphore, #tpu.memory_space<semaphore_mem>>
      %dma_start3A = arith.constant 0 : i32
      %dma_start3A_22 = arith.constant 0 : i32
      %dma_start3A_23 = tpu.memref_slice %arg3[%add3A_13, %dma_start3A, %dma_start3A_22] : memref<2560x2x128xi32, #tpu.memory_space<hbm>> -> memref<40x2x128xi32, #tpu.memory_space<hbm>>
      %dma_start3A_24 = arith.constant 0 : i32
      %dma_start3A_25 = arith.constant 0 : i32
      %dma_start3A_26 = tpu.memref_slice %arg3[%add3A_13, %dma_start3A_24, %dma_start3A_25] : memref<2560x2x128xi32, #tpu.memory_space<hbm>> -> memref<40x2x128xi32, #tpu.memory_space<hbm>>
      tpu.enqueue_dma source(%dma_start3A_26 : memref<40x2x128xi32, #tpu.memory_space<hbm>>) target(%arg6 : memref<40x2x128xi32, #tpu.memory_space<vmem>>) target_semaphore(%run_scoped3A_21 : memref<!tpu.dma_semaphore, #tpu.memory_space<semaphore_mem>>)
      %dma_wait3A = arith.constant 0 : i32
      %dma_wait3A_27 = arith.constant 0 : i32
      %dma_wait3A_28 = tpu.memref_slice %arg3[%add3A_13, %dma_wait3A, %dma_wait3A_27] : memref<2560x2x128xi32, #tpu.memory_space<hbm>> -> memref<40x2x128xi32, #tpu.memory_space<hbm>>
      %dma_wait3A_29 = arith.constant 0 : i32
      %dma_wait3A_30 = arith.constant 0 : i32
      %dma_wait3A_31 = tpu.memref_slice %arg3[%add3A_13, %dma_wait3A_29, %dma_wait3A_30] : memref<2560x2x128xi32, #tpu.memory_space<hbm>> -> memref<40x2x128xi32, #tpu.memory_space<hbm>>
      tpu.wait_dma2 semaphore(%run_scoped3A_21 : memref<!tpu.dma_semaphore, #tpu.memory_space<semaphore_mem>>) src(%dma_wait3A_31 : memref<40x2x128xi32, #tpu.memory_space<hbm>>) dst(%arg6 : memref<40x2x128xi32, #tpu.memory_space<vmem>>)
      tpu.yield
    }) : () -> ()
    %scan3A_14 = arith.constant 0 : i32
    %scan3A_15 = arith.constant 0 : i32
    %scan3A_16 = arith.constant 40 : i32
    %scan3A_17 = arith.addi %scan3A_15, %scan3A_16 : i32
    %scan3A_18 = arith.constant 1 : i32
    scf.for %scan3A_21 = %scan3A_15 to %scan3A_17 step %scan3A_18  : i32 {
      %run_scoped3A_22 = arith.constant 0 : i32
      %run_scoped3A_23 = arith.constant 1 : i32
      "tpu.region"() ({
        %run_scoped3A_24 = tpu.sem_alloc : memref<!tpu.dma_semaphore, #tpu.memory_space<semaphore_mem>>
        %dma_start3A = arith.constant 0 : i32
        %dma_start3A_25 = arith.constant 0 : i32
        %dma_start3A_26 = tpu.memref_slice %arg7[%run_scoped3A_22, %dma_start3A, %dma_start3A_25] : memref<2x128x64xf32, #tpu.memory_space<vmem>> -> memref<1x128x64xf32, #tpu.memory_space<vmem>>
        %dma_start3A_27 = tpu.memref_squeeze %dma_start3A_26 : memref<1x128x64xf32, #tpu.memory_space<vmem>> -> memref<128x64xf32, #tpu.memory_space<vmem>>
        %dma_start3A_28 = arith.constant 0 : i32
        %dma_start3A_29 = tpu.memref_slice %arg6[%scan3A_21, %run_scoped3A_23, %dma_start3A_28] : memref<40x2x128xi32, #tpu.memory_space<vmem>> -> memref<1x1x128xi32, #tpu.memory_space<vmem>>
        %dma_start3A_30 = tpu.memref_squeeze %dma_start3A_29 : memref<1x1x128xi32, #tpu.memory_space<vmem>> -> memref<128xi32, #tpu.memory_space<vmem>>
        %dma_start3A_31 = arith.constant 0 : i32
        %dma_start3A_32 = arith.constant 0 : i32
        %dma_start3A_33 = tpu.memref_slice %arg9[%dma_start3A_31, %dma_start3A_32] : memref<10112x64xf32, #tpu.memory_space<vmem_shared>> -> memref<10112x64xf32, #tpu.memory_space<vmem_shared>>
        tpu.enqueue_indirect_dma source(%dma_start3A_27 : memref<128x64xf32, #tpu.memory_space<vmem>>) target(%dma_start3A_33 : memref<10112x64xf32, #tpu.memory_space<vmem_shared>>) offsets(%dma_start3A_30 : memref<128xi32, #tpu.memory_space<vmem>>) semaphore(%run_scoped3A_24 : memref<!tpu.dma_semaphore, #tpu.memory_space<semaphore_mem>>) {add = true}
        %dma_wait3A = arith.constant 0 : i32
        %dma_wait3A_34 = arith.constant 0 : i32
        %dma_wait3A_35 = tpu.memref_slice %arg7[%run_scoped3A_22, %dma_wait3A, %dma_wait3A_34] : memref<2x128x64xf32, #tpu.memory_space<vmem>> -> memref<1x128x64xf32, #tpu.memory_space<vmem>>
        %dma_wait3A_36 = tpu.memref_squeeze %dma_wait3A_35 : memref<1x128x64xf32, #tpu.memory_space<vmem>> -> memref<128x64xf32, #tpu.memory_space<vmem>>
        %dma_wait3A_37 = arith.constant 0 : i32
        %dma_wait3A_38 = tpu.memref_slice %arg6[%scan3A_21, %run_scoped3A_23, %dma_wait3A_37] : memref<40x2x128xi32, #tpu.memory_space<vmem>> -> memref<1x1x128xi32, #tpu.memory_space<vmem>>
        %dma_wait3A_39 = tpu.memref_squeeze %dma_wait3A_38 : memref<1x1x128xi32, #tpu.memory_space<vmem>> -> memref<128xi32, #tpu.memory_space<vmem>>
        %dma_wait3A_40 = arith.constant 0 : i32
        %dma_wait3A_41 = arith.constant 0 : i32
        %dma_wait3A_42 = tpu.memref_slice %arg9[%dma_wait3A_40, %dma_wait3A_41] : memref<10112x64xf32, #tpu.memory_space<vmem_shared>> -> memref<10112x64xf32, #tpu.memory_space<vmem_shared>>
        tpu.wait_indirect_dma semaphore(%run_scoped3A_24 : memref<!tpu.dma_semaphore, #tpu.memory_space<semaphore_mem>>) src(%dma_wait3A_36 : memref<128x64xf32, #tpu.memory_space<vmem>>) dst(%dma_wait3A_42 : memref<10112x64xf32, #tpu.memory_space<vmem_shared>>)
        tpu.yield
      }) : () -> ()
    }
    %scan3A_19 = arith.constant 40 : i32
    %barrier3A_20 = arith.constant 0 : index
    tpu.barrier barrier_id(%barrier3A_20)
    "tpu.region"() ({
      %run_scoped3A_21 = tpu.sem_alloc : memref<!tpu.dma_semaphore, #tpu.memory_space<semaphore_mem>>
      %dma_start3A = arith.constant 0 : i32
      %dma_start3A_22 = tpu.memref_slice %arg5[%arg0, %mul3A_0, %dma_start3A] : memref<2x10112x64xf32, #tpu.memory_space<hbm>> -> memref<1x632x64xf32, #tpu.memory_space<hbm>>
      %dma_start3A_23 = tpu.memref_squeeze %dma_start3A_22 : memref<1x632x64xf32, #tpu.memory_space<hbm>> -> memref<632x64xf32, #tpu.memory_space<hbm>>
      %dma_start3A_24 = arith.constant 0 : i32
      %dma_start3A_25 = tpu.memref_slice %arg9[%mul3A_0, %dma_start3A_24] : memref<10112x64xf32, #tpu.memory_space<vmem_shared>> -> memref<632x64xf32, #tpu.memory_space<vmem_shared>>
      tpu.enqueue_dma source(%dma_start3A_25 : memref<632x64xf32, #tpu.memory_space<vmem_shared>>) target(%dma_start3A_23 : memref<632x64xf32, #tpu.memory_space<hbm>>) target_semaphore(%run_scoped3A_21 : memref<!tpu.dma_semaphore, #tpu.memory_space<semaphore_mem>>)
      %dma_wait3A = arith.constant 0 : i32
      %dma_wait3A_26 = tpu.memref_slice %arg5[%arg0, %mul3A_0, %dma_wait3A] : memref<2x10112x64xf32, #tpu.memory_space<hbm>> -> memref<1x632x64xf32, #tpu.memory_space<hbm>>
      %dma_wait3A_27 = tpu.memref_squeeze %dma_wait3A_26 : memref<1x632x64xf32, #tpu.memory_space<hbm>> -> memref<632x64xf32, #tpu.memory_space<hbm>>
      %dma_wait3A_28 = arith.constant 0 : i32
      %dma_wait3A_29 = tpu.memref_slice %arg9[%mul3A_0, %dma_wait3A_28] : memref<10112x64xf32, #tpu.memory_space<vmem_shared>> -> memref<632x64xf32, #tpu.memory_space<vmem_shared>>
      tpu.wait_dma2 semaphore(%run_scoped3A_21 : memref<!tpu.dma_semaphore, #tpu.memory_space<semaphore_mem>>) src(%dma_wait3A_29 : memref<632x64xf32, #tpu.memory_space<vmem_shared>>) dst(%dma_wait3A_27 : memref<632x64xf32, #tpu.memory_space<hbm>>)
      tpu.yield
    }) : () -> ()
    return
  }
}

#map = affine_map<(d0, d1) -> (0, 0)>
#map1 = affine_map<(d0, d1) -> (0, 0, 0)>
module attributes {stable_mosaic.version = 14 : i64} {
  func.func @scat(%arg0: i32, %arg1: i32, %arg2: memref<10000x64xf32, #tpu.memory_space<hbm>>, %arg3: memref<2560x2x128xi32, #tpu.memory_space<hbm>>, %arg4: memref<10112x64xf32, #tpu.memory_space<hbm>>, %arg5: memref<2x10112x64xf32, #tpu.memory_space<hbm>>, %arg6: memref<40x2x128xi32, #tpu.memory_space<vmem>>, %arg7: memref<2x128x64xf32, #tpu.memory_space<vmem>>, %arg8: memref<10000x64xf32, #tpu.memory_space<vmem_shared>>, %arg9: memref<10112x64xf32, #tpu.memory_space<vmem_shared>>, %arg10: memref<!tpu.dma_semaphore, #tpu.memory_space<semaphore_mem>>, %arg11: memref<!tpu.dma_semaphore, #tpu.memory_space<semaphore_mem>>) attributes {dimension_semantics = [#tpu.dimension_semantics<core_parallel>, #tpu.dimension_semantics<subcore_parallel>], iteration_bounds = array<i64: 2, 16>, scalar_prefetch = 0 : i64, scratch_operands = 6 : i64, tpu.core_type = #tpu.core_type<sc_vector_subcore>, window_params = [{transform_indices = #map}, {transform_indices = #map1}, {transform_indices = #map}, {transform_indices = #map1}]} {
    %mul3A = arith.constant 632 : i32
    %mul3A_0 = arith.muli %arg1, %mul3A : i32
    %mul3A_1 = arith.constant 160 : i32
    %mul3A_2 = arith.muli %arg1, %mul3A_1 : i32
    %mul3A_3 = arith.constant 80 : i32
    %mul3A_4 = arith.muli %arg0, %mul3A_3 : i32
    %add3A = arith.addi %mul3A_2, %mul3A_4 : i32
    "tpu.region"() ({
      %run_scoped3A = tpu.sem_alloc : memref<!tpu.dma_semaphore, #tpu.memory_space<semaphore_mem>>
      %dma_start3A_127 = arith.constant 0 : i32
      %dma_start3A_128 = tpu.memref_slice %arg9[%mul3A_0, %dma_start3A_127] : memref<10112x64xf32, #tpu.memory_space<vmem_shared>> -> memref<632x64xf32, #tpu.memory_space<vmem_shared>>
      %dma_start3A_129 = arith.constant 0 : i32
      %dma_start3A_130 = tpu.memref_slice %arg4[%mul3A_0, %dma_start3A_129] : memref<10112x64xf32, #tpu.memory_space<hbm>> -> memref<632x64xf32, #tpu.memory_space<hbm>>
      tpu.enqueue_dma source(%dma_start3A_130 : memref<632x64xf32, #tpu.memory_space<hbm>>) target(%dma_start3A_128 : memref<632x64xf32, #tpu.memory_space<vmem_shared>>) target_semaphore(%run_scoped3A : memref<!tpu.dma_semaphore, #tpu.memory_space<semaphore_mem>>)
      %dma_wait3A_131 = arith.constant 0 : i32
      %dma_wait3A_132 = tpu.memref_slice %arg9[%mul3A_0, %dma_wait3A_131] : memref<10112x64xf32, #tpu.memory_space<vmem_shared>> -> memref<632x64xf32, #tpu.memory_space<vmem_shared>>
      %dma_wait3A_133 = arith.constant 0 : i32
      %dma_wait3A_134 = tpu.memref_slice %arg4[%mul3A_0, %dma_wait3A_133] : memref<10112x64xf32, #tpu.memory_space<hbm>> -> memref<632x64xf32, #tpu.memory_space<hbm>>
      tpu.wait_dma2 semaphore(%run_scoped3A : memref<!tpu.dma_semaphore, #tpu.memory_space<semaphore_mem>>) src(%dma_wait3A_134 : memref<632x64xf32, #tpu.memory_space<hbm>>) dst(%dma_wait3A_132 : memref<632x64xf32, #tpu.memory_space<vmem_shared>>)
      tpu.yield
    }) : () -> ()
    %mul3A_5 = arith.constant 625 : i32
    %mul3A_6 = arith.muli %arg1, %mul3A_5 : i32
    %mul3A_7 = arith.constant 625 : i32
    %mul3A_8 = arith.muli %arg1, %mul3A_7 : i32
    "tpu.region"() ({
      %run_scoped3A = tpu.sem_alloc : memref<!tpu.dma_semaphore, #tpu.memory_space<semaphore_mem>>
      %dma_start3A_127 = arith.constant 0 : i32
      %dma_start3A_128 = tpu.memref_slice %arg8[%mul3A_8, %dma_start3A_127] : memref<10000x64xf32, #tpu.memory_space<vmem_shared>> -> memref<625x64xf32, #tpu.memory_space<vmem_shared>>
      %dma_start3A_129 = arith.constant 0 : i32
      %dma_start3A_130 = tpu.memref_slice %arg2[%mul3A_6, %dma_start3A_129] : memref<10000x64xf32, #tpu.memory_space<hbm>> -> memref<625x64xf32, #tpu.memory_space<hbm>>
      tpu.enqueue_dma source(%dma_start3A_130 : memref<625x64xf32, #tpu.memory_space<hbm>>) target(%dma_start3A_128 : memref<625x64xf32, #tpu.memory_space<vmem_shared>>) target_semaphore(%run_scoped3A : memref<!tpu.dma_semaphore, #tpu.memory_space<semaphore_mem>>)
      %dma_wait3A_131 = arith.constant 0 : i32
      %dma_wait3A_132 = tpu.memref_slice %arg8[%mul3A_8, %dma_wait3A_131] : memref<10000x64xf32, #tpu.memory_space<vmem_shared>> -> memref<625x64xf32, #tpu.memory_space<vmem_shared>>
      %dma_wait3A_133 = arith.constant 0 : i32
      %dma_wait3A_134 = tpu.memref_slice %arg2[%mul3A_6, %dma_wait3A_133] : memref<10000x64xf32, #tpu.memory_space<hbm>> -> memref<625x64xf32, #tpu.memory_space<hbm>>
      tpu.wait_dma2 semaphore(%run_scoped3A : memref<!tpu.dma_semaphore, #tpu.memory_space<semaphore_mem>>) src(%dma_wait3A_134 : memref<625x64xf32, #tpu.memory_space<hbm>>) dst(%dma_wait3A_132 : memref<625x64xf32, #tpu.memory_space<vmem_shared>>)
      tpu.yield
    }) : () -> ()
    %barrier3A = arith.constant 0 : index
    tpu.barrier barrier_id(%barrier3A)
    %add3A_9 = arith.constant 0 : i32
    %add3A_10 = arith.addi %add3A, %add3A_9 : i32
    "tpu.region"() ({
      %run_scoped3A = tpu.sem_alloc : memref<!tpu.dma_semaphore, #tpu.memory_space<semaphore_mem>>
      %dma_start3A_127 = arith.constant 0 : i32
      %dma_start3A_128 = arith.constant 0 : i32
      %dma_start3A_129 = tpu.memref_slice %arg3[%add3A_10, %dma_start3A_127, %dma_start3A_128] : memref<2560x2x128xi32, #tpu.memory_space<hbm>> -> memref<40x2x128xi32, #tpu.memory_space<hbm>>
      %dma_start3A_130 = arith.constant 0 : i32
      %dma_start3A_131 = arith.constant 0 : i32
      %dma_start3A_132 = tpu.memref_slice %arg3[%add3A_10, %dma_start3A_130, %dma_start3A_131] : memref<2560x2x128xi32, #tpu.memory_space<hbm>> -> memref<40x2x128xi32, #tpu.memory_space<hbm>>
      tpu.enqueue_dma source(%dma_start3A_132 : memref<40x2x128xi32, #tpu.memory_space<hbm>>) target(%arg6 : memref<40x2x128xi32, #tpu.memory_space<vmem>>) target_semaphore(%run_scoped3A : memref<!tpu.dma_semaphore, #tpu.memory_space<semaphore_mem>>)
      %dma_wait3A_133 = arith.constant 0 : i32
      %dma_wait3A_134 = arith.constant 0 : i32
      %dma_wait3A_135 = tpu.memref_slice %arg3[%add3A_10, %dma_wait3A_133, %dma_wait3A_134] : memref<2560x2x128xi32, #tpu.memory_space<hbm>> -> memref<40x2x128xi32, #tpu.memory_space<hbm>>
      %dma_wait3A_136 = arith.constant 0 : i32
      %dma_wait3A_137 = arith.constant 0 : i32
      %dma_wait3A_138 = tpu.memref_slice %arg3[%add3A_10, %dma_wait3A_136, %dma_wait3A_137] : memref<2560x2x128xi32, #tpu.memory_space<hbm>> -> memref<40x2x128xi32, #tpu.memory_space<hbm>>
      tpu.wait_dma2 semaphore(%run_scoped3A : memref<!tpu.dma_semaphore, #tpu.memory_space<semaphore_mem>>) src(%dma_wait3A_138 : memref<40x2x128xi32, #tpu.memory_space<hbm>>) dst(%arg6 : memref<40x2x128xi32, #tpu.memory_space<vmem>>)
      tpu.yield
    }) : () -> ()
    %dma_start3A = arith.constant 0 : i32
    %dma_start3A_11 = arith.constant 0 : i32
    %dma_start3A_12 = arith.constant 0 : i32
    %dma_start3A_13 = arith.constant 0 : i32
    %dma_start3A_14 = arith.constant 0 : i32
    %dma_start3A_15 = tpu.memref_slice %arg7[%dma_start3A_12, %dma_start3A_13, %dma_start3A_14] : memref<2x128x64xf32, #tpu.memory_space<vmem>> -> memref<1x128x64xf32, #tpu.memory_space<vmem>>
    %dma_start3A_16 = tpu.memref_squeeze %dma_start3A_15 : memref<1x128x64xf32, #tpu.memory_space<vmem>> -> memref<128x64xf32, #tpu.memory_space<vmem>>
    %dma_start3A_17 = arith.constant 0 : i32
    %dma_start3A_18 = tpu.memref_slice %arg6[%dma_start3A, %dma_start3A_11, %dma_start3A_17] : memref<40x2x128xi32, #tpu.memory_space<vmem>> -> memref<1x1x128xi32, #tpu.memory_space<vmem>>
    %dma_start3A_19 = tpu.memref_squeeze %dma_start3A_18 : memref<1x1x128xi32, #tpu.memory_space<vmem>> -> memref<128xi32, #tpu.memory_space<vmem>>
    %dma_start3A_20 = arith.constant 0 : i32
    %dma_start3A_21 = arith.constant 0 : i32
    %dma_start3A_22 = tpu.memref_slice %arg8[%dma_start3A_20, %dma_start3A_21] : memref<10000x64xf32, #tpu.memory_space<vmem_shared>> -> memref<10000x64xf32, #tpu.memory_space<vmem_shared>>
    tpu.enqueue_indirect_dma source(%dma_start3A_22 : memref<10000x64xf32, #tpu.memory_space<vmem_shared>>) target(%dma_start3A_16 : memref<128x64xf32, #tpu.memory_space<vmem>>) offsets(%dma_start3A_19 : memref<128xi32, #tpu.memory_space<vmem>>) semaphore(%arg10 : memref<!tpu.dma_semaphore, #tpu.memory_space<semaphore_mem>>)
    %dma_start3A_23 = arith.constant 1 : i32
    %dma_start3A_24 = arith.constant 0 : i32
    %dma_start3A_25 = arith.constant 1 : i32
    %dma_start3A_26 = arith.constant 0 : i32
    %dma_start3A_27 = arith.constant 0 : i32
    %dma_start3A_28 = tpu.memref_slice %arg7[%dma_start3A_25, %dma_start3A_26, %dma_start3A_27] : memref<2x128x64xf32, #tpu.memory_space<vmem>> -> memref<1x128x64xf32, #tpu.memory_space<vmem>>
    %dma_start3A_29 = tpu.memref_squeeze %dma_start3A_28 : memref<1x128x64xf32, #tpu.memory_space<vmem>> -> memref<128x64xf32, #tpu.memory_space<vmem>>
    %dma_start3A_30 = arith.constant 0 : i32
    %dma_start3A_31 = tpu.memref_slice %arg6[%dma_start3A_23, %dma_start3A_24, %dma_start3A_30] : memref<40x2x128xi32, #tpu.memory_space<vmem>> -> memref<1x1x128xi32, #tpu.memory_space<vmem>>
    %dma_start3A_32 = tpu.memref_squeeze %dma_start3A_31 : memref<1x1x128xi32, #tpu.memory_space<vmem>> -> memref<128xi32, #tpu.memory_space<vmem>>
    %dma_start3A_33 = arith.constant 0 : i32
    %dma_start3A_34 = arith.constant 0 : i32
    %dma_start3A_35 = tpu.memref_slice %arg8[%dma_start3A_33, %dma_start3A_34] : memref<10000x64xf32, #tpu.memory_space<vmem_shared>> -> memref<10000x64xf32, #tpu.memory_space<vmem_shared>>
    tpu.enqueue_indirect_dma source(%dma_start3A_35 : memref<10000x64xf32, #tpu.memory_space<vmem_shared>>) target(%dma_start3A_29 : memref<128x64xf32, #tpu.memory_space<vmem>>) offsets(%dma_start3A_32 : memref<128xi32, #tpu.memory_space<vmem>>) semaphore(%arg11 : memref<!tpu.dma_semaphore, #tpu.memory_space<semaphore_mem>>)
    %scan3A = arith.constant 0 : i32
    %scan3A_36 = arith.constant 0 : i32
    %scan3A_37 = arith.constant 20 : i32
    %scan3A_38 = arith.addi %scan3A_36, %scan3A_37 : i32
    %scan3A_39 = arith.constant 1 : i32
    scf.for %scan3A_127 = %scan3A_36 to %scan3A_38 step %scan3A_39  : i32 {
      %mul3A_128 = arith.constant 2 : i32
      %mul3A_129 = arith.muli %scan3A_127, %mul3A_128 : i32
      %add3A_130 = arith.constant 0 : i32
      %add3A_131 = arith.addi %mul3A_129, %add3A_130 : i32
      %dma_wait3A_132 = arith.constant 0 : i32
      %dma_wait3A_133 = arith.constant 0 : i32
      %dma_wait3A_134 = arith.constant 0 : i32
      %dma_wait3A_135 = arith.constant 0 : i32
      %dma_wait3A_136 = arith.constant 0 : i32
      %dma_wait3A_137 = tpu.memref_slice %arg7[%dma_wait3A_134, %dma_wait3A_135, %dma_wait3A_136] : memref<2x128x64xf32, #tpu.memory_space<vmem>> -> memref<1x128x64xf32, #tpu.memory_space<vmem>>
      %dma_wait3A_138 = tpu.memref_squeeze %dma_wait3A_137 : memref<1x128x64xf32, #tpu.memory_space<vmem>> -> memref<128x64xf32, #tpu.memory_space<vmem>>
      %dma_wait3A_139 = arith.constant 0 : i32
      %dma_wait3A_140 = tpu.memref_slice %arg6[%dma_wait3A_132, %dma_wait3A_133, %dma_wait3A_139] : memref<40x2x128xi32, #tpu.memory_space<vmem>> -> memref<1x1x128xi32, #tpu.memory_space<vmem>>
      %dma_wait3A_141 = tpu.memref_squeeze %dma_wait3A_140 : memref<1x1x128xi32, #tpu.memory_space<vmem>> -> memref<128xi32, #tpu.memory_space<vmem>>
      %dma_wait3A_142 = arith.constant 0 : i32
      %dma_wait3A_143 = arith.constant 0 : i32
      %dma_wait3A_144 = tpu.memref_slice %arg8[%dma_wait3A_142, %dma_wait3A_143] : memref<10000x64xf32, #tpu.memory_space<vmem_shared>> -> memref<10000x64xf32, #tpu.memory_space<vmem_shared>>
      tpu.wait_indirect_dma semaphore(%arg10 : memref<!tpu.dma_semaphore, #tpu.memory_space<semaphore_mem>>) src(%dma_wait3A_144 : memref<10000x64xf32, #tpu.memory_space<vmem_shared>>) dst(%dma_wait3A_138 : memref<128x64xf32, #tpu.memory_space<vmem>>)
      %run_scoped3A = arith.constant 0 : i32
      %run_scoped3A_145 = arith.constant 1 : i32
      "tpu.region"() ({
        %run_scoped3A_196 = tpu.sem_alloc : memref<!tpu.dma_semaphore, #tpu.memory_space<semaphore_mem>>
        %dma_start3A_197 = arith.constant 0 : i32
        %dma_start3A_198 = arith.constant 0 : i32
        %dma_start3A_199 = tpu.memref_slice %arg7[%run_scoped3A, %dma_start3A_197, %dma_start3A_198] : memref<2x128x64xf32, #tpu.memory_space<vmem>> -> memref<1x128x64xf32, #tpu.memory_space<vmem>>
        %dma_start3A_200 = tpu.memref_squeeze %dma_start3A_199 : memref<1x128x64xf32, #tpu.memory_space<vmem>> -> memref<128x64xf32, #tpu.memory_space<vmem>>
        %dma_start3A_201 = arith.constant 0 : i32
        %dma_start3A_202 = tpu.memref_slice %arg6[%add3A_131, %run_scoped3A_145, %dma_start3A_201] : memref<40x2x128xi32, #tpu.memory_space<vmem>> -> memref<1x1x128xi32, #tpu.memory_space<vmem>>
        %dma_start3A_203 = tpu.memref_squeeze %dma_start3A_202 : memref<1x1x128xi32, #tpu.memory_space<vmem>> -> memref<128xi32, #tpu.memory_space<vmem>>
        %dma_start3A_204 = arith.constant 0 : i32
        %dma_start3A_205 = arith.constant 0 : i32
        %dma_start3A_206 = tpu.memref_slice %arg9[%dma_start3A_204, %dma_start3A_205] : memref<10112x64xf32, #tpu.memory_space<vmem_shared>> -> memref<10112x64xf32, #tpu.memory_space<vmem_shared>>
        tpu.enqueue_indirect_dma source(%dma_start3A_200 : memref<128x64xf32, #tpu.memory_space<vmem>>) target(%dma_start3A_206 : memref<10112x64xf32, #tpu.memory_space<vmem_shared>>) offsets(%dma_start3A_203 : memref<128xi32, #tpu.memory_space<vmem>>) semaphore(%run_scoped3A_196 : memref<!tpu.dma_semaphore, #tpu.memory_space<semaphore_mem>>) {add = true}
        %dma_wait3A_207 = arith.constant 0 : i32
        %dma_wait3A_208 = arith.constant 0 : i32
        %dma_wait3A_209 = tpu.memref_slice %arg7[%run_scoped3A, %dma_wait3A_207, %dma_wait3A_208] : memref<2x128x64xf32, #tpu.memory_space<vmem>> -> memref<1x128x64xf32, #tpu.memory_space<vmem>>
        %dma_wait3A_210 = tpu.memref_squeeze %dma_wait3A_209 : memref<1x128x64xf32, #tpu.memory_space<vmem>> -> memref<128x64xf32, #tpu.memory_space<vmem>>
        %dma_wait3A_211 = arith.constant 0 : i32
        %dma_wait3A_212 = tpu.memref_slice %arg6[%add3A_131, %run_scoped3A_145, %dma_wait3A_211] : memref<40x2x128xi32, #tpu.memory_space<vmem>> -> memref<1x1x128xi32, #tpu.memory_space<vmem>>
        %dma_wait3A_213 = tpu.memref_squeeze %dma_wait3A_212 : memref<1x1x128xi32, #tpu.memory_space<vmem>> -> memref<128xi32, #tpu.memory_space<vmem>>
        %dma_wait3A_214 = arith.constant 0 : i32
        %dma_wait3A_215 = arith.constant 0 : i32
        %dma_wait3A_216 = tpu.memref_slice %arg9[%dma_wait3A_214, %dma_wait3A_215] : memref<10112x64xf32, #tpu.memory_space<vmem_shared>> -> memref<10112x64xf32, #tpu.memory_space<vmem_shared>>
        tpu.wait_indirect_dma semaphore(%run_scoped3A_196 : memref<!tpu.dma_semaphore, #tpu.memory_space<semaphore_mem>>) src(%dma_wait3A_210 : memref<128x64xf32, #tpu.memory_space<vmem>>) dst(%dma_wait3A_216 : memref<10112x64xf32, #tpu.memory_space<vmem_shared>>)
        tpu.yield
      }) : () -> ()
      %add3A_146 = arith.constant 2 : i32
      %add3A_147 = arith.addi %add3A_131, %add3A_146 : i32
      %min3A = arith.constant 39 : i32
      %min3A_148 = arith.minsi %add3A_147, %min3A : i32
      %dma_start3A_149 = arith.constant 0 : i32
      %dma_start3A_150 = arith.constant 0 : i32
      %dma_start3A_151 = arith.constant 0 : i32
      %dma_start3A_152 = arith.constant 0 : i32
      %dma_start3A_153 = tpu.memref_slice %arg7[%dma_start3A_150, %dma_start3A_151, %dma_start3A_152] : memref<2x128x64xf32, #tpu.memory_space<vmem>> -> memref<1x128x64xf32, #tpu.memory_space<vmem>>
      %dma_start3A_154 = tpu.memref_squeeze %dma_start3A_153 : memref<1x128x64xf32, #tpu.memory_space<vmem>> -> memref<128x64xf32, #tpu.memory_space<vmem>>
      %dma_start3A_155 = arith.constant 0 : i32
      %dma_start3A_156 = tpu.memref_slice %arg6[%min3A_148, %dma_start3A_149, %dma_start3A_155] : memref<40x2x128xi32, #tpu.memory_space<vmem>> -> memref<1x1x128xi32, #tpu.memory_space<vmem>>
      %dma_start3A_157 = tpu.memref_squeeze %dma_start3A_156 : memref<1x1x128xi32, #tpu.memory_space<vmem>> -> memref<128xi32, #tpu.memory_space<vmem>>
      %dma_start3A_158 = arith.constant 0 : i32
      %dma_start3A_159 = arith.constant 0 : i32
      %dma_start3A_160 = tpu.memref_slice %arg8[%dma_start3A_158, %dma_start3A_159] : memref<10000x64xf32, #tpu.memory_space<vmem_shared>> -> memref<10000x64xf32, #tpu.memory_space<vmem_shared>>
      tpu.enqueue_indirect_dma source(%dma_start3A_160 : memref<10000x64xf32, #tpu.memory_space<vmem_shared>>) target(%dma_start3A_154 : memref<128x64xf32, #tpu.memory_space<vmem>>) offsets(%dma_start3A_157 : memref<128xi32, #tpu.memory_space<vmem>>) semaphore(%arg10 : memref<!tpu.dma_semaphore, #tpu.memory_space<semaphore_mem>>)
      %mul3A_161 = arith.constant 2 : i32
      %mul3A_162 = arith.muli %scan3A_127, %mul3A_161 : i32
      %add3A_163 = arith.constant 1 : i32
      %add3A_164 = arith.addi %mul3A_162, %add3A_163 : i32
      %dma_wait3A_165 = arith.constant 0 : i32
      %dma_wait3A_166 = arith.constant 0 : i32
      %dma_wait3A_167 = arith.constant 1 : i32
      %dma_wait3A_168 = arith.constant 0 : i32
      %dma_wait3A_169 = arith.constant 0 : i32
      %dma_wait3A_170 = tpu.memref_slice %arg7[%dma_wait3A_167, %dma_wait3A_168, %dma_wait3A_169] : memref<2x128x64xf32, #tpu.memory_space<vmem>> -> memref<1x128x64xf32, #tpu.memory_space<vmem>>
      %dma_wait3A_171 = tpu.memref_squeeze %dma_wait3A_170 : memref<1x128x64xf32, #tpu.memory_space<vmem>> -> memref<128x64xf32, #tpu.memory_space<vmem>>
      %dma_wait3A_172 = arith.constant 0 : i32
      %dma_wait3A_173 = tpu.memref_slice %arg6[%dma_wait3A_165, %dma_wait3A_166, %dma_wait3A_172] : memref<40x2x128xi32, #tpu.memory_space<vmem>> -> memref<1x1x128xi32, #tpu.memory_space<vmem>>
      %dma_wait3A_174 = tpu.memref_squeeze %dma_wait3A_173 : memref<1x1x128xi32, #tpu.memory_space<vmem>> -> memref<128xi32, #tpu.memory_space<vmem>>
      %dma_wait3A_175 = arith.constant 0 : i32
      %dma_wait3A_176 = arith.constant 0 : i32
      %dma_wait3A_177 = tpu.memref_slice %arg8[%dma_wait3A_175, %dma_wait3A_176] : memref<10000x64xf32, #tpu.memory_space<vmem_shared>> -> memref<10000x64xf32, #tpu.memory_space<vmem_shared>>
      tpu.wait_indirect_dma semaphore(%arg11 : memref<!tpu.dma_semaphore, #tpu.memory_space<semaphore_mem>>) src(%dma_wait3A_177 : memref<10000x64xf32, #tpu.memory_space<vmem_shared>>) dst(%dma_wait3A_171 : memref<128x64xf32, #tpu.memory_space<vmem>>)
      %run_scoped3A_178 = arith.constant 1 : i32
      %run_scoped3A_179 = arith.constant 1 : i32
      "tpu.region"() ({
        %run_scoped3A_196 = tpu.sem_alloc : memref<!tpu.dma_semaphore, #tpu.memory_space<semaphore_mem>>
        %dma_start3A_197 = arith.constant 0 : i32
        %dma_start3A_198 = arith.constant 0 : i32
        %dma_start3A_199 = tpu.memref_slice %arg7[%run_scoped3A_178, %dma_start3A_197, %dma_start3A_198] : memref<2x128x64xf32, #tpu.memory_space<vmem>> -> memref<1x128x64xf32, #tpu.memory_space<vmem>>
        %dma_start3A_200 = tpu.memref_squeeze %dma_start3A_199 : memref<1x128x64xf32, #tpu.memory_space<vmem>> -> memref<128x64xf32, #tpu.memory_space<vmem>>
        %dma_start3A_201 = arith.constant 0 : i32
        %dma_start3A_202 = tpu.memref_slice %arg6[%add3A_164, %run_scoped3A_179, %dma_start3A_201] : memref<40x2x128xi32, #tpu.memory_space<vmem>> -> memref<1x1x128xi32, #tpu.memory_space<vmem>>
        %dma_start3A_203 = tpu.memref_squeeze %dma_start3A_202 : memref<1x1x128xi32, #tpu.memory_space<vmem>> -> memref<128xi32, #tpu.memory_space<vmem>>
        %dma_start3A_204 = arith.constant 0 : i32
        %dma_start3A_205 = arith.constant 0 : i32
        %dma_start3A_206 = tpu.memref_slice %arg9[%dma_start3A_204, %dma_start3A_205] : memref<10112x64xf32, #tpu.memory_space<vmem_shared>> -> memref<10112x64xf32, #tpu.memory_space<vmem_shared>>
        tpu.enqueue_indirect_dma source(%dma_start3A_200 : memref<128x64xf32, #tpu.memory_space<vmem>>) target(%dma_start3A_206 : memref<10112x64xf32, #tpu.memory_space<vmem_shared>>) offsets(%dma_start3A_203 : memref<128xi32, #tpu.memory_space<vmem>>) semaphore(%run_scoped3A_196 : memref<!tpu.dma_semaphore, #tpu.memory_space<semaphore_mem>>) {add = true}
        %dma_wait3A_207 = arith.constant 0 : i32
        %dma_wait3A_208 = arith.constant 0 : i32
        %dma_wait3A_209 = tpu.memref_slice %arg7[%run_scoped3A_178, %dma_wait3A_207, %dma_wait3A_208] : memref<2x128x64xf32, #tpu.memory_space<vmem>> -> memref<1x128x64xf32, #tpu.memory_space<vmem>>
        %dma_wait3A_210 = tpu.memref_squeeze %dma_wait3A_209 : memref<1x128x64xf32, #tpu.memory_space<vmem>> -> memref<128x64xf32, #tpu.memory_space<vmem>>
        %dma_wait3A_211 = arith.constant 0 : i32
        %dma_wait3A_212 = tpu.memref_slice %arg6[%add3A_164, %run_scoped3A_179, %dma_wait3A_211] : memref<40x2x128xi32, #tpu.memory_space<vmem>> -> memref<1x1x128xi32, #tpu.memory_space<vmem>>
        %dma_wait3A_213 = tpu.memref_squeeze %dma_wait3A_212 : memref<1x1x128xi32, #tpu.memory_space<vmem>> -> memref<128xi32, #tpu.memory_space<vmem>>
        %dma_wait3A_214 = arith.constant 0 : i32
        %dma_wait3A_215 = arith.constant 0 : i32
        %dma_wait3A_216 = tpu.memref_slice %arg9[%dma_wait3A_214, %dma_wait3A_215] : memref<10112x64xf32, #tpu.memory_space<vmem_shared>> -> memref<10112x64xf32, #tpu.memory_space<vmem_shared>>
        tpu.wait_indirect_dma semaphore(%run_scoped3A_196 : memref<!tpu.dma_semaphore, #tpu.memory_space<semaphore_mem>>) src(%dma_wait3A_210 : memref<128x64xf32, #tpu.memory_space<vmem>>) dst(%dma_wait3A_216 : memref<10112x64xf32, #tpu.memory_space<vmem_shared>>)
        tpu.yield
      }) : () -> ()
      %add3A_180 = arith.constant 2 : i32
      %add3A_181 = arith.addi %add3A_164, %add3A_180 : i32
      %min3A_182 = arith.constant 39 : i32
      %min3A_183 = arith.minsi %add3A_181, %min3A_182 : i32
      %dma_start3A_184 = arith.constant 0 : i32
      %dma_start3A_185 = arith.constant 1 : i32
      %dma_start3A_186 = arith.constant 0 : i32
      %dma_start3A_187 = arith.constant 0 : i32
      %dma_start3A_188 = tpu.memref_slice %arg7[%dma_start3A_185, %dma_start3A_186, %dma_start3A_187] : memref<2x128x64xf32, #tpu.memory_space<vmem>> -> memref<1x128x64xf32, #tpu.memory_space<vmem>>
      %dma_start3A_189 = tpu.memref_squeeze %dma_start3A_188 : memref<1x128x64xf32, #tpu.memory_space<vmem>> -> memref<128x64xf32, #tpu.memory_space<vmem>>
      %dma_start3A_190 = arith.constant 0 : i32
      %dma_start3A_191 = tpu.memref_slice %arg6[%min3A_183, %dma_start3A_184, %dma_start3A_190] : memref<40x2x128xi32, #tpu.memory_space<vmem>> -> memref<1x1x128xi32, #tpu.memory_space<vmem>>
      %dma_start3A_192 = tpu.memref_squeeze %dma_start3A_191 : memref<1x1x128xi32, #tpu.memory_space<vmem>> -> memref<128xi32, #tpu.memory_space<vmem>>
      %dma_start3A_193 = arith.constant 0 : i32
      %dma_start3A_194 = arith.constant 0 : i32
      %dma_start3A_195 = tpu.memref_slice %arg8[%dma_start3A_193, %dma_start3A_194] : memref<10000x64xf32, #tpu.memory_space<vmem_shared>> -> memref<10000x64xf32, #tpu.memory_space<vmem_shared>>
      tpu.enqueue_indirect_dma source(%dma_start3A_195 : memref<10000x64xf32, #tpu.memory_space<vmem_shared>>) target(%dma_start3A_189 : memref<128x64xf32, #tpu.memory_space<vmem>>) offsets(%dma_start3A_192 : memref<128xi32, #tpu.memory_space<vmem>>) semaphore(%arg11 : memref<!tpu.dma_semaphore, #tpu.memory_space<semaphore_mem>>)
    }
    %scan3A_40 = arith.constant 20 : i32
    %dma_wait3A = arith.constant 0 : i32
    %dma_wait3A_41 = arith.constant 0 : i32
    %dma_wait3A_42 = arith.constant 0 : i32
    %dma_wait3A_43 = arith.constant 0 : i32
    %dma_wait3A_44 = arith.constant 0 : i32
    %dma_wait3A_45 = tpu.memref_slice %arg7[%dma_wait3A_42, %dma_wait3A_43, %dma_wait3A_44] : memref<2x128x64xf32, #tpu.memory_space<vmem>> -> memref<1x128x64xf32, #tpu.memory_space<vmem>>
    %dma_wait3A_46 = tpu.memref_squeeze %dma_wait3A_45 : memref<1x128x64xf32, #tpu.memory_space<vmem>> -> memref<128x64xf32, #tpu.memory_space<vmem>>
    %dma_wait3A_47 = arith.constant 0 : i32
    %dma_wait3A_48 = tpu.memref_slice %arg6[%dma_wait3A, %dma_wait3A_41, %dma_wait3A_47] : memref<40x2x128xi32, #tpu.memory_space<vmem>> -> memref<1x1x128xi32, #tpu.memory_space<vmem>>
    %dma_wait3A_49 = tpu.memref_squeeze %dma_wait3A_48 : memref<1x1x128xi32, #tpu.memory_space<vmem>> -> memref<128xi32, #tpu.memory_space<vmem>>
    %dma_wait3A_50 = arith.constant 0 : i32
    %dma_wait3A_51 = arith.constant 0 : i32
    %dma_wait3A_52 = tpu.memref_slice %arg8[%dma_wait3A_50, %dma_wait3A_51] : memref<10000x64xf32, #tpu.memory_space<vmem_shared>> -> memref<10000x64xf32, #tpu.memory_space<vmem_shared>>
    tpu.wait_indirect_dma semaphore(%arg10 : memref<!tpu.dma_semaphore, #tpu.memory_space<semaphore_mem>>) src(%dma_wait3A_52 : memref<10000x64xf32, #tpu.memory_space<vmem_shared>>) dst(%dma_wait3A_46 : memref<128x64xf32, #tpu.memory_space<vmem>>)
    %dma_wait3A_53 = arith.constant 0 : i32
    %dma_wait3A_54 = arith.constant 0 : i32
    %dma_wait3A_55 = arith.constant 1 : i32
    %dma_wait3A_56 = arith.constant 0 : i32
    %dma_wait3A_57 = arith.constant 0 : i32
    %dma_wait3A_58 = tpu.memref_slice %arg7[%dma_wait3A_55, %dma_wait3A_56, %dma_wait3A_57] : memref<2x128x64xf32, #tpu.memory_space<vmem>> -> memref<1x128x64xf32, #tpu.memory_space<vmem>>
    %dma_wait3A_59 = tpu.memref_squeeze %dma_wait3A_58 : memref<1x128x64xf32, #tpu.memory_space<vmem>> -> memref<128x64xf32, #tpu.memory_space<vmem>>
    %dma_wait3A_60 = arith.constant 0 : i32
    %dma_wait3A_61 = tpu.memref_slice %arg6[%dma_wait3A_53, %dma_wait3A_54, %dma_wait3A_60] : memref<40x2x128xi32, #tpu.memory_space<vmem>> -> memref<1x1x128xi32, #tpu.memory_space<vmem>>
    %dma_wait3A_62 = tpu.memref_squeeze %dma_wait3A_61 : memref<1x1x128xi32, #tpu.memory_space<vmem>> -> memref<128xi32, #tpu.memory_space<vmem>>
    %dma_wait3A_63 = arith.constant 0 : i32
    %dma_wait3A_64 = arith.constant 0 : i32
    %dma_wait3A_65 = tpu.memref_slice %arg8[%dma_wait3A_63, %dma_wait3A_64] : memref<10000x64xf32, #tpu.memory_space<vmem_shared>> -> memref<10000x64xf32, #tpu.memory_space<vmem_shared>>
    tpu.wait_indirect_dma semaphore(%arg11 : memref<!tpu.dma_semaphore, #tpu.memory_space<semaphore_mem>>) src(%dma_wait3A_65 : memref<10000x64xf32, #tpu.memory_space<vmem_shared>>) dst(%dma_wait3A_59 : memref<128x64xf32, #tpu.memory_space<vmem>>)
    %add3A_66 = arith.constant 40 : i32
    %add3A_67 = arith.addi %add3A, %add3A_66 : i32
    "tpu.region"() ({
      %run_scoped3A = tpu.sem_alloc : memref<!tpu.dma_semaphore, #tpu.memory_space<semaphore_mem>>
      %dma_start3A_127 = arith.constant 0 : i32
      %dma_start3A_128 = arith.constant 0 : i32
      %dma_start3A_129 = tpu.memref_slice %arg3[%add3A_67, %dma_start3A_127, %dma_start3A_128] : memref<2560x2x128xi32, #tpu.memory_space<hbm>> -> memref<40x2x128xi32, #tpu.memory_space<hbm>>
      %dma_start3A_130 = arith.constant 0 : i32
      %dma_start3A_131 = arith.constant 0 : i32
      %dma_start3A_132 = tpu.memref_slice %arg3[%add3A_67, %dma_start3A_130, %dma_start3A_131] : memref<2560x2x128xi32, #tpu.memory_space<hbm>> -> memref<40x2x128xi32, #tpu.memory_space<hbm>>
      tpu.enqueue_dma source(%dma_start3A_132 : memref<40x2x128xi32, #tpu.memory_space<hbm>>) target(%arg6 : memref<40x2x128xi32, #tpu.memory_space<vmem>>) target_semaphore(%run_scoped3A : memref<!tpu.dma_semaphore, #tpu.memory_space<semaphore_mem>>)
      %dma_wait3A_133 = arith.constant 0 : i32
      %dma_wait3A_134 = arith.constant 0 : i32
      %dma_wait3A_135 = tpu.memref_slice %arg3[%add3A_67, %dma_wait3A_133, %dma_wait3A_134] : memref<2560x2x128xi32, #tpu.memory_space<hbm>> -> memref<40x2x128xi32, #tpu.memory_space<hbm>>
      %dma_wait3A_136 = arith.constant 0 : i32
      %dma_wait3A_137 = arith.constant 0 : i32
      %dma_wait3A_138 = tpu.memref_slice %arg3[%add3A_67, %dma_wait3A_136, %dma_wait3A_137] : memref<2560x2x128xi32, #tpu.memory_space<hbm>> -> memref<40x2x128xi32, #tpu.memory_space<hbm>>
      tpu.wait_dma2 semaphore(%run_scoped3A : memref<!tpu.dma_semaphore, #tpu.memory_space<semaphore_mem>>) src(%dma_wait3A_138 : memref<40x2x128xi32, #tpu.memory_space<hbm>>) dst(%arg6 : memref<40x2x128xi32, #tpu.memory_space<vmem>>)
      tpu.yield
    }) : () -> ()
    %dma_start3A_68 = arith.constant 0 : i32
    %dma_start3A_69 = arith.constant 0 : i32
    %dma_start3A_70 = arith.constant 0 : i32
    %dma_start3A_71 = arith.constant 0 : i32
    %dma_start3A_72 = arith.constant 0 : i32
    %dma_start3A_73 = tpu.memref_slice %arg7[%dma_start3A_70, %dma_start3A_71, %dma_start3A_72] : memref<2x128x64xf32, #tpu.memory_space<vmem>> -> memref<1x128x64xf32, #tpu.memory_space<vmem>>
    %dma_start3A_74 = tpu.memref_squeeze %dma_start3A_73 : memref<1x128x64xf32, #tpu.memory_space<vmem>> -> memref<128x64xf32, #tpu.memory_space<vmem>>
    %dma_start3A_75 = arith.constant 0 : i32
    %dma_start3A_76 = tpu.memref_slice %arg6[%dma_start3A_68, %dma_start3A_69, %dma_start3A_75] : memref<40x2x128xi32, #tpu.memory_space<vmem>> -> memref<1x1x128xi32, #tpu.memory_space<vmem>>
    %dma_start3A_77 = tpu.memref_squeeze %dma_start3A_76 : memref<1x1x128xi32, #tpu.memory_space<vmem>> -> memref<128xi32, #tpu.memory_space<vmem>>
    %dma_start3A_78 = arith.constant 0 : i32
    %dma_start3A_79 = arith.constant 0 : i32
    %dma_start3A_80 = tpu.memref_slice %arg8[%dma_start3A_78, %dma_start3A_79] : memref<10000x64xf32, #tpu.memory_space<vmem_shared>> -> memref<10000x64xf32, #tpu.memory_space<vmem_shared>>
    tpu.enqueue_indirect_dma source(%dma_start3A_80 : memref<10000x64xf32, #tpu.memory_space<vmem_shared>>) target(%dma_start3A_74 : memref<128x64xf32, #tpu.memory_space<vmem>>) offsets(%dma_start3A_77 : memref<128xi32, #tpu.memory_space<vmem>>) semaphore(%arg10 : memref<!tpu.dma_semaphore, #tpu.memory_space<semaphore_mem>>)
    %dma_start3A_81 = arith.constant 1 : i32
    %dma_start3A_82 = arith.constant 0 : i32
    %dma_start3A_83 = arith.constant 1 : i32
    %dma_start3A_84 = arith.constant 0 : i32
    %dma_start3A_85 = arith.constant 0 : i32
    %dma_start3A_86 = tpu.memref_slice %arg7[%dma_start3A_83, %dma_start3A_84, %dma_start3A_85] : memref<2x128x64xf32, #tpu.memory_space<vmem>> -> memref<1x128x64xf32, #tpu.memory_space<vmem>>
    %dma_start3A_87 = tpu.memref_squeeze %dma_start3A_86 : memref<1x128x64xf32, #tpu.memory_space<vmem>> -> memref<128x64xf32, #tpu.memory_space<vmem>>
    %dma_start3A_88 = arith.constant 0 : i32
    %dma_start3A_89 = tpu.memref_slice %arg6[%dma_start3A_81, %dma_start3A_82, %dma_start3A_88] : memref<40x2x128xi32, #tpu.memory_space<vmem>> -> memref<1x1x128xi32, #tpu.memory_space<vmem>>
    %dma_start3A_90 = tpu.memref_squeeze %dma_start3A_89 : memref<1x1x128xi32, #tpu.memory_space<vmem>> -> memref<128xi32, #tpu.memory_space<vmem>>
    %dma_start3A_91 = arith.constant 0 : i32
    %dma_start3A_92 = arith.constant 0 : i32
    %dma_start3A_93 = tpu.memref_slice %arg8[%dma_start3A_91, %dma_start3A_92] : memref<10000x64xf32, #tpu.memory_space<vmem_shared>> -> memref<10000x64xf32, #tpu.memory_space<vmem_shared>>
    tpu.enqueue_indirect_dma source(%dma_start3A_93 : memref<10000x64xf32, #tpu.memory_space<vmem_shared>>) target(%dma_start3A_87 : memref<128x64xf32, #tpu.memory_space<vmem>>) offsets(%dma_start3A_90 : memref<128xi32, #tpu.memory_space<vmem>>) semaphore(%arg11 : memref<!tpu.dma_semaphore, #tpu.memory_space<semaphore_mem>>)
    %scan3A_94 = arith.constant 0 : i32
    %scan3A_95 = arith.constant 0 : i32
    %scan3A_96 = arith.constant 20 : i32
    %scan3A_97 = arith.addi %scan3A_95, %scan3A_96 : i32
    %scan3A_98 = arith.constant 1 : i32
    scf.for %scan3A_127 = %scan3A_95 to %scan3A_97 step %scan3A_98  : i32 {
      %mul3A_128 = arith.constant 2 : i32
      %mul3A_129 = arith.muli %scan3A_127, %mul3A_128 : i32
      %add3A_130 = arith.constant 0 : i32
      %add3A_131 = arith.addi %mul3A_129, %add3A_130 : i32
      %dma_wait3A_132 = arith.constant 0 : i32
      %dma_wait3A_133 = arith.constant 0 : i32
      %dma_wait3A_134 = arith.constant 0 : i32
      %dma_wait3A_135 = arith.constant 0 : i32
      %dma_wait3A_136 = arith.constant 0 : i32
      %dma_wait3A_137 = tpu.memref_slice %arg7[%dma_wait3A_134, %dma_wait3A_135, %dma_wait3A_136] : memref<2x128x64xf32, #tpu.memory_space<vmem>> -> memref<1x128x64xf32, #tpu.memory_space<vmem>>
      %dma_wait3A_138 = tpu.memref_squeeze %dma_wait3A_137 : memref<1x128x64xf32, #tpu.memory_space<vmem>> -> memref<128x64xf32, #tpu.memory_space<vmem>>
      %dma_wait3A_139 = arith.constant 0 : i32
      %dma_wait3A_140 = tpu.memref_slice %arg6[%dma_wait3A_132, %dma_wait3A_133, %dma_wait3A_139] : memref<40x2x128xi32, #tpu.memory_space<vmem>> -> memref<1x1x128xi32, #tpu.memory_space<vmem>>
      %dma_wait3A_141 = tpu.memref_squeeze %dma_wait3A_140 : memref<1x1x128xi32, #tpu.memory_space<vmem>> -> memref<128xi32, #tpu.memory_space<vmem>>
      %dma_wait3A_142 = arith.constant 0 : i32
      %dma_wait3A_143 = arith.constant 0 : i32
      %dma_wait3A_144 = tpu.memref_slice %arg8[%dma_wait3A_142, %dma_wait3A_143] : memref<10000x64xf32, #tpu.memory_space<vmem_shared>> -> memref<10000x64xf32, #tpu.memory_space<vmem_shared>>
      tpu.wait_indirect_dma semaphore(%arg10 : memref<!tpu.dma_semaphore, #tpu.memory_space<semaphore_mem>>) src(%dma_wait3A_144 : memref<10000x64xf32, #tpu.memory_space<vmem_shared>>) dst(%dma_wait3A_138 : memref<128x64xf32, #tpu.memory_space<vmem>>)
      %run_scoped3A = arith.constant 0 : i32
      %run_scoped3A_145 = arith.constant 1 : i32
      "tpu.region"() ({
        %run_scoped3A_196 = tpu.sem_alloc : memref<!tpu.dma_semaphore, #tpu.memory_space<semaphore_mem>>
        %dma_start3A_197 = arith.constant 0 : i32
        %dma_start3A_198 = arith.constant 0 : i32
        %dma_start3A_199 = tpu.memref_slice %arg7[%run_scoped3A, %dma_start3A_197, %dma_start3A_198] : memref<2x128x64xf32, #tpu.memory_space<vmem>> -> memref<1x128x64xf32, #tpu.memory_space<vmem>>
        %dma_start3A_200 = tpu.memref_squeeze %dma_start3A_199 : memref<1x128x64xf32, #tpu.memory_space<vmem>> -> memref<128x64xf32, #tpu.memory_space<vmem>>
        %dma_start3A_201 = arith.constant 0 : i32
        %dma_start3A_202 = tpu.memref_slice %arg6[%add3A_131, %run_scoped3A_145, %dma_start3A_201] : memref<40x2x128xi32, #tpu.memory_space<vmem>> -> memref<1x1x128xi32, #tpu.memory_space<vmem>>
        %dma_start3A_203 = tpu.memref_squeeze %dma_start3A_202 : memref<1x1x128xi32, #tpu.memory_space<vmem>> -> memref<128xi32, #tpu.memory_space<vmem>>
        %dma_start3A_204 = arith.constant 0 : i32
        %dma_start3A_205 = arith.constant 0 : i32
        %dma_start3A_206 = tpu.memref_slice %arg9[%dma_start3A_204, %dma_start3A_205] : memref<10112x64xf32, #tpu.memory_space<vmem_shared>> -> memref<10112x64xf32, #tpu.memory_space<vmem_shared>>
        tpu.enqueue_indirect_dma source(%dma_start3A_200 : memref<128x64xf32, #tpu.memory_space<vmem>>) target(%dma_start3A_206 : memref<10112x64xf32, #tpu.memory_space<vmem_shared>>) offsets(%dma_start3A_203 : memref<128xi32, #tpu.memory_space<vmem>>) semaphore(%run_scoped3A_196 : memref<!tpu.dma_semaphore, #tpu.memory_space<semaphore_mem>>) {add = true}
        %dma_wait3A_207 = arith.constant 0 : i32
        %dma_wait3A_208 = arith.constant 0 : i32
        %dma_wait3A_209 = tpu.memref_slice %arg7[%run_scoped3A, %dma_wait3A_207, %dma_wait3A_208] : memref<2x128x64xf32, #tpu.memory_space<vmem>> -> memref<1x128x64xf32, #tpu.memory_space<vmem>>
        %dma_wait3A_210 = tpu.memref_squeeze %dma_wait3A_209 : memref<1x128x64xf32, #tpu.memory_space<vmem>> -> memref<128x64xf32, #tpu.memory_space<vmem>>
        %dma_wait3A_211 = arith.constant 0 : i32
        %dma_wait3A_212 = tpu.memref_slice %arg6[%add3A_131, %run_scoped3A_145, %dma_wait3A_211] : memref<40x2x128xi32, #tpu.memory_space<vmem>> -> memref<1x1x128xi32, #tpu.memory_space<vmem>>
        %dma_wait3A_213 = tpu.memref_squeeze %dma_wait3A_212 : memref<1x1x128xi32, #tpu.memory_space<vmem>> -> memref<128xi32, #tpu.memory_space<vmem>>
        %dma_wait3A_214 = arith.constant 0 : i32
        %dma_wait3A_215 = arith.constant 0 : i32
        %dma_wait3A_216 = tpu.memref_slice %arg9[%dma_wait3A_214, %dma_wait3A_215] : memref<10112x64xf32, #tpu.memory_space<vmem_shared>> -> memref<10112x64xf32, #tpu.memory_space<vmem_shared>>
        tpu.wait_indirect_dma semaphore(%run_scoped3A_196 : memref<!tpu.dma_semaphore, #tpu.memory_space<semaphore_mem>>) src(%dma_wait3A_210 : memref<128x64xf32, #tpu.memory_space<vmem>>) dst(%dma_wait3A_216 : memref<10112x64xf32, #tpu.memory_space<vmem_shared>>)
        tpu.yield
      }) : () -> ()
      %add3A_146 = arith.constant 2 : i32
      %add3A_147 = arith.addi %add3A_131, %add3A_146 : i32
      %min3A = arith.constant 39 : i32
      %min3A_148 = arith.minsi %add3A_147, %min3A : i32
      %dma_start3A_149 = arith.constant 0 : i32
      %dma_start3A_150 = arith.constant 0 : i32
      %dma_start3A_151 = arith.constant 0 : i32
      %dma_start3A_152 = arith.constant 0 : i32
      %dma_start3A_153 = tpu.memref_slice %arg7[%dma_start3A_150, %dma_start3A_151, %dma_start3A_152] : memref<2x128x64xf32, #tpu.memory_space<vmem>> -> memref<1x128x64xf32, #tpu.memory_space<vmem>>
      %dma_start3A_154 = tpu.memref_squeeze %dma_start3A_153 : memref<1x128x64xf32, #tpu.memory_space<vmem>> -> memref<128x64xf32, #tpu.memory_space<vmem>>
      %dma_start3A_155 = arith.constant 0 : i32
      %dma_start3A_156 = tpu.memref_slice %arg6[%min3A_148, %dma_start3A_149, %dma_start3A_155] : memref<40x2x128xi32, #tpu.memory_space<vmem>> -> memref<1x1x128xi32, #tpu.memory_space<vmem>>
      %dma_start3A_157 = tpu.memref_squeeze %dma_start3A_156 : memref<1x1x128xi32, #tpu.memory_space<vmem>> -> memref<128xi32, #tpu.memory_space<vmem>>
      %dma_start3A_158 = arith.constant 0 : i32
      %dma_start3A_159 = arith.constant 0 : i32
      %dma_start3A_160 = tpu.memref_slice %arg8[%dma_start3A_158, %dma_start3A_159] : memref<10000x64xf32, #tpu.memory_space<vmem_shared>> -> memref<10000x64xf32, #tpu.memory_space<vmem_shared>>
      tpu.enqueue_indirect_dma source(%dma_start3A_160 : memref<10000x64xf32, #tpu.memory_space<vmem_shared>>) target(%dma_start3A_154 : memref<128x64xf32, #tpu.memory_space<vmem>>) offsets(%dma_start3A_157 : memref<128xi32, #tpu.memory_space<vmem>>) semaphore(%arg10 : memref<!tpu.dma_semaphore, #tpu.memory_space<semaphore_mem>>)
      %mul3A_161 = arith.constant 2 : i32
      %mul3A_162 = arith.muli %scan3A_127, %mul3A_161 : i32
      %add3A_163 = arith.constant 1 : i32
      %add3A_164 = arith.addi %mul3A_162, %add3A_163 : i32
      %dma_wait3A_165 = arith.constant 0 : i32
      %dma_wait3A_166 = arith.constant 0 : i32
      %dma_wait3A_167 = arith.constant 1 : i32
      %dma_wait3A_168 = arith.constant 0 : i32
      %dma_wait3A_169 = arith.constant 0 : i32
      %dma_wait3A_170 = tpu.memref_slice %arg7[%dma_wait3A_167, %dma_wait3A_168, %dma_wait3A_169] : memref<2x128x64xf32, #tpu.memory_space<vmem>> -> memref<1x128x64xf32, #tpu.memory_space<vmem>>
      %dma_wait3A_171 = tpu.memref_squeeze %dma_wait3A_170 : memref<1x128x64xf32, #tpu.memory_space<vmem>> -> memref<128x64xf32, #tpu.memory_space<vmem>>
      %dma_wait3A_172 = arith.constant 0 : i32
      %dma_wait3A_173 = tpu.memref_slice %arg6[%dma_wait3A_165, %dma_wait3A_166, %dma_wait3A_172] : memref<40x2x128xi32, #tpu.memory_space<vmem>> -> memref<1x1x128xi32, #tpu.memory_space<vmem>>
      %dma_wait3A_174 = tpu.memref_squeeze %dma_wait3A_173 : memref<1x1x128xi32, #tpu.memory_space<vmem>> -> memref<128xi32, #tpu.memory_space<vmem>>
      %dma_wait3A_175 = arith.constant 0 : i32
      %dma_wait3A_176 = arith.constant 0 : i32
      %dma_wait3A_177 = tpu.memref_slice %arg8[%dma_wait3A_175, %dma_wait3A_176] : memref<10000x64xf32, #tpu.memory_space<vmem_shared>> -> memref<10000x64xf32, #tpu.memory_space<vmem_shared>>
      tpu.wait_indirect_dma semaphore(%arg11 : memref<!tpu.dma_semaphore, #tpu.memory_space<semaphore_mem>>) src(%dma_wait3A_177 : memref<10000x64xf32, #tpu.memory_space<vmem_shared>>) dst(%dma_wait3A_171 : memref<128x64xf32, #tpu.memory_space<vmem>>)
      %run_scoped3A_178 = arith.constant 1 : i32
      %run_scoped3A_179 = arith.constant 1 : i32
      "tpu.region"() ({
        %run_scoped3A_196 = tpu.sem_alloc : memref<!tpu.dma_semaphore, #tpu.memory_space<semaphore_mem>>
        %dma_start3A_197 = arith.constant 0 : i32
        %dma_start3A_198 = arith.constant 0 : i32
        %dma_start3A_199 = tpu.memref_slice %arg7[%run_scoped3A_178, %dma_start3A_197, %dma_start3A_198] : memref<2x128x64xf32, #tpu.memory_space<vmem>> -> memref<1x128x64xf32, #tpu.memory_space<vmem>>
        %dma_start3A_200 = tpu.memref_squeeze %dma_start3A_199 : memref<1x128x64xf32, #tpu.memory_space<vmem>> -> memref<128x64xf32, #tpu.memory_space<vmem>>
        %dma_start3A_201 = arith.constant 0 : i32
        %dma_start3A_202 = tpu.memref_slice %arg6[%add3A_164, %run_scoped3A_179, %dma_start3A_201] : memref<40x2x128xi32, #tpu.memory_space<vmem>> -> memref<1x1x128xi32, #tpu.memory_space<vmem>>
        %dma_start3A_203 = tpu.memref_squeeze %dma_start3A_202 : memref<1x1x128xi32, #tpu.memory_space<vmem>> -> memref<128xi32, #tpu.memory_space<vmem>>
        %dma_start3A_204 = arith.constant 0 : i32
        %dma_start3A_205 = arith.constant 0 : i32
        %dma_start3A_206 = tpu.memref_slice %arg9[%dma_start3A_204, %dma_start3A_205] : memref<10112x64xf32, #tpu.memory_space<vmem_shared>> -> memref<10112x64xf32, #tpu.memory_space<vmem_shared>>
        tpu.enqueue_indirect_dma source(%dma_start3A_200 : memref<128x64xf32, #tpu.memory_space<vmem>>) target(%dma_start3A_206 : memref<10112x64xf32, #tpu.memory_space<vmem_shared>>) offsets(%dma_start3A_203 : memref<128xi32, #tpu.memory_space<vmem>>) semaphore(%run_scoped3A_196 : memref<!tpu.dma_semaphore, #tpu.memory_space<semaphore_mem>>) {add = true}
        %dma_wait3A_207 = arith.constant 0 : i32
        %dma_wait3A_208 = arith.constant 0 : i32
        %dma_wait3A_209 = tpu.memref_slice %arg7[%run_scoped3A_178, %dma_wait3A_207, %dma_wait3A_208] : memref<2x128x64xf32, #tpu.memory_space<vmem>> -> memref<1x128x64xf32, #tpu.memory_space<vmem>>
        %dma_wait3A_210 = tpu.memref_squeeze %dma_wait3A_209 : memref<1x128x64xf32, #tpu.memory_space<vmem>> -> memref<128x64xf32, #tpu.memory_space<vmem>>
        %dma_wait3A_211 = arith.constant 0 : i32
        %dma_wait3A_212 = tpu.memref_slice %arg6[%add3A_164, %run_scoped3A_179, %dma_wait3A_211] : memref<40x2x128xi32, #tpu.memory_space<vmem>> -> memref<1x1x128xi32, #tpu.memory_space<vmem>>
        %dma_wait3A_213 = tpu.memref_squeeze %dma_wait3A_212 : memref<1x1x128xi32, #tpu.memory_space<vmem>> -> memref<128xi32, #tpu.memory_space<vmem>>
        %dma_wait3A_214 = arith.constant 0 : i32
        %dma_wait3A_215 = arith.constant 0 : i32
        %dma_wait3A_216 = tpu.memref_slice %arg9[%dma_wait3A_214, %dma_wait3A_215] : memref<10112x64xf32, #tpu.memory_space<vmem_shared>> -> memref<10112x64xf32, #tpu.memory_space<vmem_shared>>
        tpu.wait_indirect_dma semaphore(%run_scoped3A_196 : memref<!tpu.dma_semaphore, #tpu.memory_space<semaphore_mem>>) src(%dma_wait3A_210 : memref<128x64xf32, #tpu.memory_space<vmem>>) dst(%dma_wait3A_216 : memref<10112x64xf32, #tpu.memory_space<vmem_shared>>)
        tpu.yield
      }) : () -> ()
      %add3A_180 = arith.constant 2 : i32
      %add3A_181 = arith.addi %add3A_164, %add3A_180 : i32
      %min3A_182 = arith.constant 39 : i32
      %min3A_183 = arith.minsi %add3A_181, %min3A_182 : i32
      %dma_start3A_184 = arith.constant 0 : i32
      %dma_start3A_185 = arith.constant 1 : i32
      %dma_start3A_186 = arith.constant 0 : i32
      %dma_start3A_187 = arith.constant 0 : i32
      %dma_start3A_188 = tpu.memref_slice %arg7[%dma_start3A_185, %dma_start3A_186, %dma_start3A_187] : memref<2x128x64xf32, #tpu.memory_space<vmem>> -> memref<1x128x64xf32, #tpu.memory_space<vmem>>
      %dma_start3A_189 = tpu.memref_squeeze %dma_start3A_188 : memref<1x128x64xf32, #tpu.memory_space<vmem>> -> memref<128x64xf32, #tpu.memory_space<vmem>>
      %dma_start3A_190 = arith.constant 0 : i32
      %dma_start3A_191 = tpu.memref_slice %arg6[%min3A_183, %dma_start3A_184, %dma_start3A_190] : memref<40x2x128xi32, #tpu.memory_space<vmem>> -> memref<1x1x128xi32, #tpu.memory_space<vmem>>
      %dma_start3A_192 = tpu.memref_squeeze %dma_start3A_191 : memref<1x1x128xi32, #tpu.memory_space<vmem>> -> memref<128xi32, #tpu.memory_space<vmem>>
      %dma_start3A_193 = arith.constant 0 : i32
      %dma_start3A_194 = arith.constant 0 : i32
      %dma_start3A_195 = tpu.memref_slice %arg8[%dma_start3A_193, %dma_start3A_194] : memref<10000x64xf32, #tpu.memory_space<vmem_shared>> -> memref<10000x64xf32, #tpu.memory_space<vmem_shared>>
      tpu.enqueue_indirect_dma source(%dma_start3A_195 : memref<10000x64xf32, #tpu.memory_space<vmem_shared>>) target(%dma_start3A_189 : memref<128x64xf32, #tpu.memory_space<vmem>>) offsets(%dma_start3A_192 : memref<128xi32, #tpu.memory_space<vmem>>) semaphore(%arg11 : memref<!tpu.dma_semaphore, #tpu.memory_space<semaphore_mem>>)
    }
    %scan3A_99 = arith.constant 20 : i32
    %dma_wait3A_100 = arith.constant 0 : i32
    %dma_wait3A_101 = arith.constant 0 : i32
    %dma_wait3A_102 = arith.constant 0 : i32
    %dma_wait3A_103 = arith.constant 0 : i32
    %dma_wait3A_104 = arith.constant 0 : i32
    %dma_wait3A_105 = tpu.memref_slice %arg7[%dma_wait3A_102, %dma_wait3A_103, %dma_wait3A_104] : memref<2x128x64xf32, #tpu.memory_space<vmem>> -> memref<1x128x64xf32, #tpu.memory_space<vmem>>
    %dma_wait3A_106 = tpu.memref_squeeze %dma_wait3A_105 : memref<1x128x64xf32, #tpu.memory_space<vmem>> -> memref<128x64xf32, #tpu.memory_space<vmem>>
    %dma_wait3A_107 = arith.constant 0 : i32
    %dma_wait3A_108 = tpu.memref_slice %arg6[%dma_wait3A_100, %dma_wait3A_101, %dma_wait3A_107] : memref<40x2x128xi32, #tpu.memory_space<vmem>> -> memref<1x1x128xi32, #tpu.memory_space<vmem>>
    %dma_wait3A_109 = tpu.memref_squeeze %dma_wait3A_108 : memref<1x1x128xi32, #tpu.memory_space<vmem>> -> memref<128xi32, #tpu.memory_space<vmem>>
    %dma_wait3A_110 = arith.constant 0 : i32
    %dma_wait3A_111 = arith.constant 0 : i32
    %dma_wait3A_112 = tpu.memref_slice %arg8[%dma_wait3A_110, %dma_wait3A_111] : memref<10000x64xf32, #tpu.memory_space<vmem_shared>> -> memref<10000x64xf32, #tpu.memory_space<vmem_shared>>
    tpu.wait_indirect_dma semaphore(%arg10 : memref<!tpu.dma_semaphore, #tpu.memory_space<semaphore_mem>>) src(%dma_wait3A_112 : memref<10000x64xf32, #tpu.memory_space<vmem_shared>>) dst(%dma_wait3A_106 : memref<128x64xf32, #tpu.memory_space<vmem>>)
    %dma_wait3A_113 = arith.constant 0 : i32
    %dma_wait3A_114 = arith.constant 0 : i32
    %dma_wait3A_115 = arith.constant 1 : i32
    %dma_wait3A_116 = arith.constant 0 : i32
    %dma_wait3A_117 = arith.constant 0 : i32
    %dma_wait3A_118 = tpu.memref_slice %arg7[%dma_wait3A_115, %dma_wait3A_116, %dma_wait3A_117] : memref<2x128x64xf32, #tpu.memory_space<vmem>> -> memref<1x128x64xf32, #tpu.memory_space<vmem>>
    %dma_wait3A_119 = tpu.memref_squeeze %dma_wait3A_118 : memref<1x128x64xf32, #tpu.memory_space<vmem>> -> memref<128x64xf32, #tpu.memory_space<vmem>>
    %dma_wait3A_120 = arith.constant 0 : i32
    %dma_wait3A_121 = tpu.memref_slice %arg6[%dma_wait3A_113, %dma_wait3A_114, %dma_wait3A_120] : memref<40x2x128xi32, #tpu.memory_space<vmem>> -> memref<1x1x128xi32, #tpu.memory_space<vmem>>
    %dma_wait3A_122 = tpu.memref_squeeze %dma_wait3A_121 : memref<1x1x128xi32, #tpu.memory_space<vmem>> -> memref<128xi32, #tpu.memory_space<vmem>>
    %dma_wait3A_123 = arith.constant 0 : i32
    %dma_wait3A_124 = arith.constant 0 : i32
    %dma_wait3A_125 = tpu.memref_slice %arg8[%dma_wait3A_123, %dma_wait3A_124] : memref<10000x64xf32, #tpu.memory_space<vmem_shared>> -> memref<10000x64xf32, #tpu.memory_space<vmem_shared>>
    tpu.wait_indirect_dma semaphore(%arg11 : memref<!tpu.dma_semaphore, #tpu.memory_space<semaphore_mem>>) src(%dma_wait3A_125 : memref<10000x64xf32, #tpu.memory_space<vmem_shared>>) dst(%dma_wait3A_119 : memref<128x64xf32, #tpu.memory_space<vmem>>)
    %barrier3A_126 = arith.constant 0 : index
    tpu.barrier barrier_id(%barrier3A_126)
    "tpu.region"() ({
      %run_scoped3A = tpu.sem_alloc : memref<!tpu.dma_semaphore, #tpu.memory_space<semaphore_mem>>
      %dma_start3A_127 = arith.constant 0 : i32
      %dma_start3A_128 = tpu.memref_slice %arg5[%arg0, %mul3A_0, %dma_start3A_127] : memref<2x10112x64xf32, #tpu.memory_space<hbm>> -> memref<1x632x64xf32, #tpu.memory_space<hbm>>
      %dma_start3A_129 = tpu.memref_squeeze %dma_start3A_128 : memref<1x632x64xf32, #tpu.memory_space<hbm>> -> memref<632x64xf32, #tpu.memory_space<hbm>>
      %dma_start3A_130 = arith.constant 0 : i32
      %dma_start3A_131 = tpu.memref_slice %arg9[%mul3A_0, %dma_start3A_130] : memref<10112x64xf32, #tpu.memory_space<vmem_shared>> -> memref<632x64xf32, #tpu.memory_space<vmem_shared>>
      tpu.enqueue_dma source(%dma_start3A_131 : memref<632x64xf32, #tpu.memory_space<vmem_shared>>) target(%dma_start3A_129 : memref<632x64xf32, #tpu.memory_space<hbm>>) target_semaphore(%run_scoped3A : memref<!tpu.dma_semaphore, #tpu.memory_space<semaphore_mem>>)
      %dma_wait3A_132 = arith.constant 0 : i32
      %dma_wait3A_133 = tpu.memref_slice %arg5[%arg0, %mul3A_0, %dma_wait3A_132] : memref<2x10112x64xf32, #tpu.memory_space<hbm>> -> memref<1x632x64xf32, #tpu.memory_space<hbm>>
      %dma_wait3A_134 = tpu.memref_squeeze %dma_wait3A_133 : memref<1x632x64xf32, #tpu.memory_space<hbm>> -> memref<632x64xf32, #tpu.memory_space<hbm>>
      %dma_wait3A_135 = arith.constant 0 : i32
      %dma_wait3A_136 = tpu.memref_slice %arg9[%mul3A_0, %dma_wait3A_135] : memref<10112x64xf32, #tpu.memory_space<vmem_shared>> -> memref<632x64xf32, #tpu.memory_space<vmem_shared>>
      tpu.wait_dma2 semaphore(%run_scoped3A : memref<!tpu.dma_semaphore, #tpu.memory_space<semaphore_mem>>) src(%dma_wait3A_136 : memref<632x64xf32, #tpu.memory_space<vmem_shared>>) dst(%dma_wait3A_134 : memref<632x64xf32, #tpu.memory_space<hbm>>)
      tpu.yield
    }) : () -> ()
    return
  }
}

#map = affine_map<(d0, d1) -> (0, 0)>
#map1 = affine_map<(d0, d1) -> (0, 0, 0)>
module attributes {stable_mosaic.version = 14 : i64} {
  func.func @scat(%arg0: i32, %arg1: i32, %arg2: memref<10000x64xf32, #tpu.memory_space<hbm>>, %arg3: memref<2560x2x128xi32, #tpu.memory_space<hbm>>, %arg4: memref<10112x64xf32, #tpu.memory_space<hbm>>, %arg5: memref<2x10112x64xf32, #tpu.memory_space<hbm>>, %arg6: memref<40x2x128xi32, #tpu.memory_space<vmem>>, %arg7: memref<2x128x64xf32, #tpu.memory_space<vmem>>, %arg8: memref<10000x64xf32, #tpu.memory_space<vmem_shared>>, %arg9: memref<10112x64xf32, #tpu.memory_space<vmem_shared>>, %arg10: memref<!tpu.dma_semaphore, #tpu.memory_space<semaphore_mem>>, %arg11: memref<!tpu.dma_semaphore, #tpu.memory_space<semaphore_mem>>) attributes {dimension_semantics = [#tpu.dimension_semantics<core_parallel>, #tpu.dimension_semantics<subcore_parallel>], iteration_bounds = array<i64: 2, 16>, scalar_prefetch = 0 : i64, scratch_operands = 6 : i64, tpu.core_type = #tpu.core_type<sc_vector_subcore>, window_params = [{transform_indices = #map}, {transform_indices = #map1}, {transform_indices = #map}, {transform_indices = #map1}]} {
    %mul3A = arith.constant 632 : i32
    %mul3A_0 = arith.muli %arg1, %mul3A : i32
    %mul3A_1 = arith.constant 160 : i32
    %mul3A_2 = arith.muli %arg1, %mul3A_1 : i32
    %mul3A_3 = arith.constant 80 : i32
    %mul3A_4 = arith.muli %arg0, %mul3A_3 : i32
    %add3A = arith.addi %mul3A_2, %mul3A_4 : i32
    "tpu.region"() ({
      %run_scoped3A = tpu.sem_alloc : memref<!tpu.dma_semaphore, #tpu.memory_space<semaphore_mem>>
      %dma_start3A_127 = arith.constant 0 : i32
      %dma_start3A_128 = tpu.memref_slice %arg9[%mul3A_0, %dma_start3A_127] : memref<10112x64xf32, #tpu.memory_space<vmem_shared>> -> memref<632x64xf32, #tpu.memory_space<vmem_shared>>
      %dma_start3A_129 = arith.constant 0 : i32
      %dma_start3A_130 = tpu.memref_slice %arg4[%mul3A_0, %dma_start3A_129] : memref<10112x64xf32, #tpu.memory_space<hbm>> -> memref<632x64xf32, #tpu.memory_space<hbm>>
      tpu.enqueue_dma source(%dma_start3A_130 : memref<632x64xf32, #tpu.memory_space<hbm>>) target(%dma_start3A_128 : memref<632x64xf32, #tpu.memory_space<vmem_shared>>) target_semaphore(%run_scoped3A : memref<!tpu.dma_semaphore, #tpu.memory_space<semaphore_mem>>)
      %dma_wait3A_131 = arith.constant 0 : i32
      %dma_wait3A_132 = tpu.memref_slice %arg9[%mul3A_0, %dma_wait3A_131] : memref<10112x64xf32, #tpu.memory_space<vmem_shared>> -> memref<632x64xf32, #tpu.memory_space<vmem_shared>>
      %dma_wait3A_133 = arith.constant 0 : i32
      %dma_wait3A_134 = tpu.memref_slice %arg4[%mul3A_0, %dma_wait3A_133] : memref<10112x64xf32, #tpu.memory_space<hbm>> -> memref<632x64xf32, #tpu.memory_space<hbm>>
      tpu.wait_dma2 semaphore(%run_scoped3A : memref<!tpu.dma_semaphore, #tpu.memory_space<semaphore_mem>>) src(%dma_wait3A_134 : memref<632x64xf32, #tpu.memory_space<hbm>>) dst(%dma_wait3A_132 : memref<632x64xf32, #tpu.memory_space<vmem_shared>>)
      tpu.yield
    }) : () -> ()
    %mul3A_5 = arith.constant 625 : i32
    %mul3A_6 = arith.muli %arg1, %mul3A_5 : i32
    %mul3A_7 = arith.constant 625 : i32
    %mul3A_8 = arith.muli %arg1, %mul3A_7 : i32
    "tpu.region"() ({
      %run_scoped3A = tpu.sem_alloc : memref<!tpu.dma_semaphore, #tpu.memory_space<semaphore_mem>>
      %dma_start3A_127 = arith.constant 0 : i32
      %dma_start3A_128 = tpu.memref_slice %arg8[%mul3A_8, %dma_start3A_127] : memref<10000x64xf32, #tpu.memory_space<vmem_shared>> -> memref<625x64xf32, #tpu.memory_space<vmem_shared>>
      %dma_start3A_129 = arith.constant 0 : i32
      %dma_start3A_130 = tpu.memref_slice %arg2[%mul3A_6, %dma_start3A_129] : memref<10000x64xf32, #tpu.memory_space<hbm>> -> memref<625x64xf32, #tpu.memory_space<hbm>>
      tpu.enqueue_dma source(%dma_start3A_130 : memref<625x64xf32, #tpu.memory_space<hbm>>) target(%dma_start3A_128 : memref<625x64xf32, #tpu.memory_space<vmem_shared>>) target_semaphore(%run_scoped3A : memref<!tpu.dma_semaphore, #tpu.memory_space<semaphore_mem>>)
      %dma_wait3A_131 = arith.constant 0 : i32
      %dma_wait3A_132 = tpu.memref_slice %arg8[%mul3A_8, %dma_wait3A_131] : memref<10000x64xf32, #tpu.memory_space<vmem_shared>> -> memref<625x64xf32, #tpu.memory_space<vmem_shared>>
      %dma_wait3A_133 = arith.constant 0 : i32
      %dma_wait3A_134 = tpu.memref_slice %arg2[%mul3A_6, %dma_wait3A_133] : memref<10000x64xf32, #tpu.memory_space<hbm>> -> memref<625x64xf32, #tpu.memory_space<hbm>>
      tpu.wait_dma2 semaphore(%run_scoped3A : memref<!tpu.dma_semaphore, #tpu.memory_space<semaphore_mem>>) src(%dma_wait3A_134 : memref<625x64xf32, #tpu.memory_space<hbm>>) dst(%dma_wait3A_132 : memref<625x64xf32, #tpu.memory_space<vmem_shared>>)
      tpu.yield
    }) : () -> ()
    %barrier3A = arith.constant 0 : index
    tpu.barrier barrier_id(%barrier3A)
    %add3A_9 = arith.constant 0 : i32
    %add3A_10 = arith.addi %add3A, %add3A_9 : i32
    "tpu.region"() ({
      %run_scoped3A = tpu.sem_alloc : memref<!tpu.dma_semaphore, #tpu.memory_space<semaphore_mem>>
      %dma_start3A_127 = arith.constant 0 : i32
      %dma_start3A_128 = arith.constant 0 : i32
      %dma_start3A_129 = tpu.memref_slice %arg3[%add3A_10, %dma_start3A_127, %dma_start3A_128] : memref<2560x2x128xi32, #tpu.memory_space<hbm>> -> memref<40x2x128xi32, #tpu.memory_space<hbm>>
      %dma_start3A_130 = arith.constant 0 : i32
      %dma_start3A_131 = arith.constant 0 : i32
      %dma_start3A_132 = tpu.memref_slice %arg3[%add3A_10, %dma_start3A_130, %dma_start3A_131] : memref<2560x2x128xi32, #tpu.memory_space<hbm>> -> memref<40x2x128xi32, #tpu.memory_space<hbm>>
      tpu.enqueue_dma source(%dma_start3A_132 : memref<40x2x128xi32, #tpu.memory_space<hbm>>) target(%arg6 : memref<40x2x128xi32, #tpu.memory_space<vmem>>) target_semaphore(%run_scoped3A : memref<!tpu.dma_semaphore, #tpu.memory_space<semaphore_mem>>)
      %dma_wait3A_133 = arith.constant 0 : i32
      %dma_wait3A_134 = arith.constant 0 : i32
      %dma_wait3A_135 = tpu.memref_slice %arg3[%add3A_10, %dma_wait3A_133, %dma_wait3A_134] : memref<2560x2x128xi32, #tpu.memory_space<hbm>> -> memref<40x2x128xi32, #tpu.memory_space<hbm>>
      %dma_wait3A_136 = arith.constant 0 : i32
      %dma_wait3A_137 = arith.constant 0 : i32
      %dma_wait3A_138 = tpu.memref_slice %arg3[%add3A_10, %dma_wait3A_136, %dma_wait3A_137] : memref<2560x2x128xi32, #tpu.memory_space<hbm>> -> memref<40x2x128xi32, #tpu.memory_space<hbm>>
      tpu.wait_dma2 semaphore(%run_scoped3A : memref<!tpu.dma_semaphore, #tpu.memory_space<semaphore_mem>>) src(%dma_wait3A_138 : memref<40x2x128xi32, #tpu.memory_space<hbm>>) dst(%arg6 : memref<40x2x128xi32, #tpu.memory_space<vmem>>)
      tpu.yield
    }) : () -> ()
    %dma_start3A = arith.constant 0 : i32
    %dma_start3A_11 = arith.constant 0 : i32
    %dma_start3A_12 = arith.constant 0 : i32
    %dma_start3A_13 = arith.constant 0 : i32
    %dma_start3A_14 = arith.constant 0 : i32
    %dma_start3A_15 = tpu.memref_slice %arg7[%dma_start3A_12, %dma_start3A_13, %dma_start3A_14] : memref<2x128x64xf32, #tpu.memory_space<vmem>> -> memref<1x128x64xf32, #tpu.memory_space<vmem>>
    %dma_start3A_16 = tpu.memref_squeeze %dma_start3A_15 : memref<1x128x64xf32, #tpu.memory_space<vmem>> -> memref<128x64xf32, #tpu.memory_space<vmem>>
    %dma_start3A_17 = arith.constant 0 : i32
    %dma_start3A_18 = tpu.memref_slice %arg6[%dma_start3A, %dma_start3A_11, %dma_start3A_17] : memref<40x2x128xi32, #tpu.memory_space<vmem>> -> memref<1x1x128xi32, #tpu.memory_space<vmem>>
    %dma_start3A_19 = tpu.memref_squeeze %dma_start3A_18 : memref<1x1x128xi32, #tpu.memory_space<vmem>> -> memref<128xi32, #tpu.memory_space<vmem>>
    %dma_start3A_20 = arith.constant 0 : i32
    %dma_start3A_21 = arith.constant 0 : i32
    %dma_start3A_22 = tpu.memref_slice %arg8[%dma_start3A_20, %dma_start3A_21] : memref<10000x64xf32, #tpu.memory_space<vmem_shared>> -> memref<10000x64xf32, #tpu.memory_space<vmem_shared>>
    tpu.enqueue_indirect_dma source(%dma_start3A_22 : memref<10000x64xf32, #tpu.memory_space<vmem_shared>>) target(%dma_start3A_16 : memref<128x64xf32, #tpu.memory_space<vmem>>) offsets(%dma_start3A_19 : memref<128xi32, #tpu.memory_space<vmem>>) semaphore(%arg10 : memref<!tpu.dma_semaphore, #tpu.memory_space<semaphore_mem>>)
    %dma_start3A_23 = arith.constant 1 : i32
    %dma_start3A_24 = arith.constant 0 : i32
    %dma_start3A_25 = arith.constant 1 : i32
    %dma_start3A_26 = arith.constant 0 : i32
    %dma_start3A_27 = arith.constant 0 : i32
    %dma_start3A_28 = tpu.memref_slice %arg7[%dma_start3A_25, %dma_start3A_26, %dma_start3A_27] : memref<2x128x64xf32, #tpu.memory_space<vmem>> -> memref<1x128x64xf32, #tpu.memory_space<vmem>>
    %dma_start3A_29 = tpu.memref_squeeze %dma_start3A_28 : memref<1x128x64xf32, #tpu.memory_space<vmem>> -> memref<128x64xf32, #tpu.memory_space<vmem>>
    %dma_start3A_30 = arith.constant 0 : i32
    %dma_start3A_31 = tpu.memref_slice %arg6[%dma_start3A_23, %dma_start3A_24, %dma_start3A_30] : memref<40x2x128xi32, #tpu.memory_space<vmem>> -> memref<1x1x128xi32, #tpu.memory_space<vmem>>
    %dma_start3A_32 = tpu.memref_squeeze %dma_start3A_31 : memref<1x1x128xi32, #tpu.memory_space<vmem>> -> memref<128xi32, #tpu.memory_space<vmem>>
    %dma_start3A_33 = arith.constant 0 : i32
    %dma_start3A_34 = arith.constant 0 : i32
    %dma_start3A_35 = tpu.memref_slice %arg8[%dma_start3A_33, %dma_start3A_34] : memref<10000x64xf32, #tpu.memory_space<vmem_shared>> -> memref<10000x64xf32, #tpu.memory_space<vmem_shared>>
    tpu.enqueue_indirect_dma source(%dma_start3A_35 : memref<10000x64xf32, #tpu.memory_space<vmem_shared>>) target(%dma_start3A_29 : memref<128x64xf32, #tpu.memory_space<vmem>>) offsets(%dma_start3A_32 : memref<128xi32, #tpu.memory_space<vmem>>) semaphore(%arg11 : memref<!tpu.dma_semaphore, #tpu.memory_space<semaphore_mem>>)
    %scan3A = arith.constant 0 : i32
    %scan3A_36 = arith.constant 0 : i32
    %scan3A_37 = arith.constant 20 : i32
    %scan3A_38 = arith.addi %scan3A_36, %scan3A_37 : i32
    %scan3A_39 = arith.constant 1 : i32
    scf.for %scan3A_127 = %scan3A_36 to %scan3A_38 step %scan3A_39  : i32 {
      %mul3A_128 = arith.constant 2 : i32
      %mul3A_129 = arith.muli %scan3A_127, %mul3A_128 : i32
      %add3A_130 = arith.constant 0 : i32
      %add3A_131 = arith.addi %mul3A_129, %add3A_130 : i32
      %dma_wait3A_132 = arith.constant 0 : i32
      %dma_wait3A_133 = arith.constant 0 : i32
      %dma_wait3A_134 = arith.constant 0 : i32
      %dma_wait3A_135 = arith.constant 0 : i32
      %dma_wait3A_136 = arith.constant 0 : i32
      %dma_wait3A_137 = tpu.memref_slice %arg7[%dma_wait3A_134, %dma_wait3A_135, %dma_wait3A_136] : memref<2x128x64xf32, #tpu.memory_space<vmem>> -> memref<1x128x64xf32, #tpu.memory_space<vmem>>
      %dma_wait3A_138 = tpu.memref_squeeze %dma_wait3A_137 : memref<1x128x64xf32, #tpu.memory_space<vmem>> -> memref<128x64xf32, #tpu.memory_space<vmem>>
      %dma_wait3A_139 = arith.constant 0 : i32
      %dma_wait3A_140 = tpu.memref_slice %arg6[%dma_wait3A_132, %dma_wait3A_133, %dma_wait3A_139] : memref<40x2x128xi32, #tpu.memory_space<vmem>> -> memref<1x1x128xi32, #tpu.memory_space<vmem>>
      %dma_wait3A_141 = tpu.memref_squeeze %dma_wait3A_140 : memref<1x1x128xi32, #tpu.memory_space<vmem>> -> memref<128xi32, #tpu.memory_space<vmem>>
      %dma_wait3A_142 = arith.constant 0 : i32
      %dma_wait3A_143 = arith.constant 0 : i32
      %dma_wait3A_144 = tpu.memref_slice %arg8[%dma_wait3A_142, %dma_wait3A_143] : memref<10000x64xf32, #tpu.memory_space<vmem_shared>> -> memref<10000x64xf32, #tpu.memory_space<vmem_shared>>
      tpu.wait_indirect_dma semaphore(%arg10 : memref<!tpu.dma_semaphore, #tpu.memory_space<semaphore_mem>>) src(%dma_wait3A_144 : memref<10000x64xf32, #tpu.memory_space<vmem_shared>>) dst(%dma_wait3A_138 : memref<128x64xf32, #tpu.memory_space<vmem>>)
      %run_scoped3A = arith.constant 0 : i32
      %run_scoped3A_145 = arith.constant 1 : i32
      "tpu.region"() ({
        %run_scoped3A_196 = tpu.sem_alloc : memref<!tpu.dma_semaphore, #tpu.memory_space<semaphore_mem>>
        %dma_start3A_197 = arith.constant 0 : i32
        %dma_start3A_198 = arith.constant 0 : i32
        %dma_start3A_199 = tpu.memref_slice %arg7[%run_scoped3A, %dma_start3A_197, %dma_start3A_198] : memref<2x128x64xf32, #tpu.memory_space<vmem>> -> memref<1x128x64xf32, #tpu.memory_space<vmem>>
        %dma_start3A_200 = tpu.memref_squeeze %dma_start3A_199 : memref<1x128x64xf32, #tpu.memory_space<vmem>> -> memref<128x64xf32, #tpu.memory_space<vmem>>
        %dma_start3A_201 = arith.constant 0 : i32
        %dma_start3A_202 = tpu.memref_slice %arg6[%add3A_131, %run_scoped3A_145, %dma_start3A_201] : memref<40x2x128xi32, #tpu.memory_space<vmem>> -> memref<1x1x128xi32, #tpu.memory_space<vmem>>
        %dma_start3A_203 = tpu.memref_squeeze %dma_start3A_202 : memref<1x1x128xi32, #tpu.memory_space<vmem>> -> memref<128xi32, #tpu.memory_space<vmem>>
        %dma_start3A_204 = arith.constant 0 : i32
        %dma_start3A_205 = arith.constant 0 : i32
        %dma_start3A_206 = tpu.memref_slice %arg9[%dma_start3A_204, %dma_start3A_205] : memref<10112x64xf32, #tpu.memory_space<vmem_shared>> -> memref<10112x64xf32, #tpu.memory_space<vmem_shared>>
        tpu.enqueue_indirect_dma source(%dma_start3A_200 : memref<128x64xf32, #tpu.memory_space<vmem>>) target(%dma_start3A_206 : memref<10112x64xf32, #tpu.memory_space<vmem_shared>>) offsets(%dma_start3A_203 : memref<128xi32, #tpu.memory_space<vmem>>) semaphore(%run_scoped3A_196 : memref<!tpu.dma_semaphore, #tpu.memory_space<semaphore_mem>>) {add = true}
        %dma_wait3A_207 = arith.constant 0 : i32
        %dma_wait3A_208 = arith.constant 0 : i32
        %dma_wait3A_209 = tpu.memref_slice %arg7[%run_scoped3A, %dma_wait3A_207, %dma_wait3A_208] : memref<2x128x64xf32, #tpu.memory_space<vmem>> -> memref<1x128x64xf32, #tpu.memory_space<vmem>>
        %dma_wait3A_210 = tpu.memref_squeeze %dma_wait3A_209 : memref<1x128x64xf32, #tpu.memory_space<vmem>> -> memref<128x64xf32, #tpu.memory_space<vmem>>
        %dma_wait3A_211 = arith.constant 0 : i32
        %dma_wait3A_212 = tpu.memref_slice %arg6[%add3A_131, %run_scoped3A_145, %dma_wait3A_211] : memref<40x2x128xi32, #tpu.memory_space<vmem>> -> memref<1x1x128xi32, #tpu.memory_space<vmem>>
        %dma_wait3A_213 = tpu.memref_squeeze %dma_wait3A_212 : memref<1x1x128xi32, #tpu.memory_space<vmem>> -> memref<128xi32, #tpu.memory_space<vmem>>
        %dma_wait3A_214 = arith.constant 0 : i32
        %dma_wait3A_215 = arith.constant 0 : i32
        %dma_wait3A_216 = tpu.memref_slice %arg9[%dma_wait3A_214, %dma_wait3A_215] : memref<10112x64xf32, #tpu.memory_space<vmem_shared>> -> memref<10112x64xf32, #tpu.memory_space<vmem_shared>>
        tpu.wait_indirect_dma semaphore(%run_scoped3A_196 : memref<!tpu.dma_semaphore, #tpu.memory_space<semaphore_mem>>) src(%dma_wait3A_210 : memref<128x64xf32, #tpu.memory_space<vmem>>) dst(%dma_wait3A_216 : memref<10112x64xf32, #tpu.memory_space<vmem_shared>>)
        tpu.yield
      }) : () -> ()
      %add3A_146 = arith.constant 2 : i32
      %add3A_147 = arith.addi %add3A_131, %add3A_146 : i32
      %min3A = arith.constant 39 : i32
      %min3A_148 = arith.minsi %add3A_147, %min3A : i32
      %dma_start3A_149 = arith.constant 0 : i32
      %dma_start3A_150 = arith.constant 0 : i32
      %dma_start3A_151 = arith.constant 0 : i32
      %dma_start3A_152 = arith.constant 0 : i32
      %dma_start3A_153 = tpu.memref_slice %arg7[%dma_start3A_150, %dma_start3A_151, %dma_start3A_152] : memref<2x128x64xf32, #tpu.memory_space<vmem>> -> memref<1x128x64xf32, #tpu.memory_space<vmem>>
      %dma_start3A_154 = tpu.memref_squeeze %dma_start3A_153 : memref<1x128x64xf32, #tpu.memory_space<vmem>> -> memref<128x64xf32, #tpu.memory_space<vmem>>
      %dma_start3A_155 = arith.constant 0 : i32
      %dma_start3A_156 = tpu.memref_slice %arg6[%min3A_148, %dma_start3A_149, %dma_start3A_155] : memref<40x2x128xi32, #tpu.memory_space<vmem>> -> memref<1x1x128xi32, #tpu.memory_space<vmem>>
      %dma_start3A_157 = tpu.memref_squeeze %dma_start3A_156 : memref<1x1x128xi32, #tpu.memory_space<vmem>> -> memref<128xi32, #tpu.memory_space<vmem>>
      %dma_start3A_158 = arith.constant 0 : i32
      %dma_start3A_159 = arith.constant 0 : i32
      %dma_start3A_160 = tpu.memref_slice %arg8[%dma_start3A_158, %dma_start3A_159] : memref<10000x64xf32, #tpu.memory_space<vmem_shared>> -> memref<10000x64xf32, #tpu.memory_space<vmem_shared>>
      tpu.enqueue_indirect_dma source(%dma_start3A_160 : memref<10000x64xf32, #tpu.memory_space<vmem_shared>>) target(%dma_start3A_154 : memref<128x64xf32, #tpu.memory_space<vmem>>) offsets(%dma_start3A_157 : memref<128xi32, #tpu.memory_space<vmem>>) semaphore(%arg10 : memref<!tpu.dma_semaphore, #tpu.memory_space<semaphore_mem>>)
      %mul3A_161 = arith.constant 2 : i32
      %mul3A_162 = arith.muli %scan3A_127, %mul3A_161 : i32
      %add3A_163 = arith.constant 1 : i32
      %add3A_164 = arith.addi %mul3A_162, %add3A_163 : i32
      %dma_wait3A_165 = arith.constant 0 : i32
      %dma_wait3A_166 = arith.constant 0 : i32
      %dma_wait3A_167 = arith.constant 1 : i32
      %dma_wait3A_168 = arith.constant 0 : i32
      %dma_wait3A_169 = arith.constant 0 : i32
      %dma_wait3A_170 = tpu.memref_slice %arg7[%dma_wait3A_167, %dma_wait3A_168, %dma_wait3A_169] : memref<2x128x64xf32, #tpu.memory_space<vmem>> -> memref<1x128x64xf32, #tpu.memory_space<vmem>>
      %dma_wait3A_171 = tpu.memref_squeeze %dma_wait3A_170 : memref<1x128x64xf32, #tpu.memory_space<vmem>> -> memref<128x64xf32, #tpu.memory_space<vmem>>
      %dma_wait3A_172 = arith.constant 0 : i32
      %dma_wait3A_173 = tpu.memref_slice %arg6[%dma_wait3A_165, %dma_wait3A_166, %dma_wait3A_172] : memref<40x2x128xi32, #tpu.memory_space<vmem>> -> memref<1x1x128xi32, #tpu.memory_space<vmem>>
      %dma_wait3A_174 = tpu.memref_squeeze %dma_wait3A_173 : memref<1x1x128xi32, #tpu.memory_space<vmem>> -> memref<128xi32, #tpu.memory_space<vmem>>
      %dma_wait3A_175 = arith.constant 0 : i32
      %dma_wait3A_176 = arith.constant 0 : i32
      %dma_wait3A_177 = tpu.memref_slice %arg8[%dma_wait3A_175, %dma_wait3A_176] : memref<10000x64xf32, #tpu.memory_space<vmem_shared>> -> memref<10000x64xf32, #tpu.memory_space<vmem_shared>>
      tpu.wait_indirect_dma semaphore(%arg11 : memref<!tpu.dma_semaphore, #tpu.memory_space<semaphore_mem>>) src(%dma_wait3A_177 : memref<10000x64xf32, #tpu.memory_space<vmem_shared>>) dst(%dma_wait3A_171 : memref<128x64xf32, #tpu.memory_space<vmem>>)
      %run_scoped3A_178 = arith.constant 1 : i32
      %run_scoped3A_179 = arith.constant 1 : i32
      "tpu.region"() ({
        %run_scoped3A_196 = tpu.sem_alloc : memref<!tpu.dma_semaphore, #tpu.memory_space<semaphore_mem>>
        %dma_start3A_197 = arith.constant 0 : i32
        %dma_start3A_198 = arith.constant 0 : i32
        %dma_start3A_199 = tpu.memref_slice %arg7[%run_scoped3A_178, %dma_start3A_197, %dma_start3A_198] : memref<2x128x64xf32, #tpu.memory_space<vmem>> -> memref<1x128x64xf32, #tpu.memory_space<vmem>>
        %dma_start3A_200 = tpu.memref_squeeze %dma_start3A_199 : memref<1x128x64xf32, #tpu.memory_space<vmem>> -> memref<128x64xf32, #tpu.memory_space<vmem>>
        %dma_start3A_201 = arith.constant 0 : i32
        %dma_start3A_202 = tpu.memref_slice %arg6[%add3A_164, %run_scoped3A_179, %dma_start3A_201] : memref<40x2x128xi32, #tpu.memory_space<vmem>> -> memref<1x1x128xi32, #tpu.memory_space<vmem>>
        %dma_start3A_203 = tpu.memref_squeeze %dma_start3A_202 : memref<1x1x128xi32, #tpu.memory_space<vmem>> -> memref<128xi32, #tpu.memory_space<vmem>>
        %dma_start3A_204 = arith.constant 0 : i32
        %dma_start3A_205 = arith.constant 0 : i32
        %dma_start3A_206 = tpu.memref_slice %arg9[%dma_start3A_204, %dma_start3A_205] : memref<10112x64xf32, #tpu.memory_space<vmem_shared>> -> memref<10112x64xf32, #tpu.memory_space<vmem_shared>>
        tpu.enqueue_indirect_dma source(%dma_start3A_200 : memref<128x64xf32, #tpu.memory_space<vmem>>) target(%dma_start3A_206 : memref<10112x64xf32, #tpu.memory_space<vmem_shared>>) offsets(%dma_start3A_203 : memref<128xi32, #tpu.memory_space<vmem>>) semaphore(%run_scoped3A_196 : memref<!tpu.dma_semaphore, #tpu.memory_space<semaphore_mem>>) {add = true}
        %dma_wait3A_207 = arith.constant 0 : i32
        %dma_wait3A_208 = arith.constant 0 : i32
        %dma_wait3A_209 = tpu.memref_slice %arg7[%run_scoped3A_178, %dma_wait3A_207, %dma_wait3A_208] : memref<2x128x64xf32, #tpu.memory_space<vmem>> -> memref<1x128x64xf32, #tpu.memory_space<vmem>>
        %dma_wait3A_210 = tpu.memref_squeeze %dma_wait3A_209 : memref<1x128x64xf32, #tpu.memory_space<vmem>> -> memref<128x64xf32, #tpu.memory_space<vmem>>
        %dma_wait3A_211 = arith.constant 0 : i32
        %dma_wait3A_212 = tpu.memref_slice %arg6[%add3A_164, %run_scoped3A_179, %dma_wait3A_211] : memref<40x2x128xi32, #tpu.memory_space<vmem>> -> memref<1x1x128xi32, #tpu.memory_space<vmem>>
        %dma_wait3A_213 = tpu.memref_squeeze %dma_wait3A_212 : memref<1x1x128xi32, #tpu.memory_space<vmem>> -> memref<128xi32, #tpu.memory_space<vmem>>
        %dma_wait3A_214 = arith.constant 0 : i32
        %dma_wait3A_215 = arith.constant 0 : i32
        %dma_wait3A_216 = tpu.memref_slice %arg9[%dma_wait3A_214, %dma_wait3A_215] : memref<10112x64xf32, #tpu.memory_space<vmem_shared>> -> memref<10112x64xf32, #tpu.memory_space<vmem_shared>>
        tpu.wait_indirect_dma semaphore(%run_scoped3A_196 : memref<!tpu.dma_semaphore, #tpu.memory_space<semaphore_mem>>) src(%dma_wait3A_210 : memref<128x64xf32, #tpu.memory_space<vmem>>) dst(%dma_wait3A_216 : memref<10112x64xf32, #tpu.memory_space<vmem_shared>>)
        tpu.yield
      }) : () -> ()
      %add3A_180 = arith.constant 2 : i32
      %add3A_181 = arith.addi %add3A_164, %add3A_180 : i32
      %min3A_182 = arith.constant 39 : i32
      %min3A_183 = arith.minsi %add3A_181, %min3A_182 : i32
      %dma_start3A_184 = arith.constant 0 : i32
      %dma_start3A_185 = arith.constant 1 : i32
      %dma_start3A_186 = arith.constant 0 : i32
      %dma_start3A_187 = arith.constant 0 : i32
      %dma_start3A_188 = tpu.memref_slice %arg7[%dma_start3A_185, %dma_start3A_186, %dma_start3A_187] : memref<2x128x64xf32, #tpu.memory_space<vmem>> -> memref<1x128x64xf32, #tpu.memory_space<vmem>>
      %dma_start3A_189 = tpu.memref_squeeze %dma_start3A_188 : memref<1x128x64xf32, #tpu.memory_space<vmem>> -> memref<128x64xf32, #tpu.memory_space<vmem>>
      %dma_start3A_190 = arith.constant 0 : i32
      %dma_start3A_191 = tpu.memref_slice %arg6[%min3A_183, %dma_start3A_184, %dma_start3A_190] : memref<40x2x128xi32, #tpu.memory_space<vmem>> -> memref<1x1x128xi32, #tpu.memory_space<vmem>>
      %dma_start3A_192 = tpu.memref_squeeze %dma_start3A_191 : memref<1x1x128xi32, #tpu.memory_space<vmem>> -> memref<128xi32, #tpu.memory_space<vmem>>
      %dma_start3A_193 = arith.constant 0 : i32
      %dma_start3A_194 = arith.constant 0 : i32
      %dma_start3A_195 = tpu.memref_slice %arg8[%dma_start3A_193, %dma_start3A_194] : memref<10000x64xf32, #tpu.memory_space<vmem_shared>> -> memref<10000x64xf32, #tpu.memory_space<vmem_shared>>
      tpu.enqueue_indirect_dma source(%dma_start3A_195 : memref<10000x64xf32, #tpu.memory_space<vmem_shared>>) target(%dma_start3A_189 : memref<128x64xf32, #tpu.memory_space<vmem>>) offsets(%dma_start3A_192 : memref<128xi32, #tpu.memory_space<vmem>>) semaphore(%arg11 : memref<!tpu.dma_semaphore, #tpu.memory_space<semaphore_mem>>)
    }
    %scan3A_40 = arith.constant 20 : i32
    %dma_wait3A = arith.constant 0 : i32
    %dma_wait3A_41 = arith.constant 0 : i32
    %dma_wait3A_42 = arith.constant 0 : i32
    %dma_wait3A_43 = arith.constant 0 : i32
    %dma_wait3A_44 = arith.constant 0 : i32
    %dma_wait3A_45 = tpu.memref_slice %arg7[%dma_wait3A_42, %dma_wait3A_43, %dma_wait3A_44] : memref<2x128x64xf32, #tpu.memory_space<vmem>> -> memref<1x128x64xf32, #tpu.memory_space<vmem>>
    %dma_wait3A_46 = tpu.memref_squeeze %dma_wait3A_45 : memref<1x128x64xf32, #tpu.memory_space<vmem>> -> memref<128x64xf32, #tpu.memory_space<vmem>>
    %dma_wait3A_47 = arith.constant 0 : i32
    %dma_wait3A_48 = tpu.memref_slice %arg6[%dma_wait3A, %dma_wait3A_41, %dma_wait3A_47] : memref<40x2x128xi32, #tpu.memory_space<vmem>> -> memref<1x1x128xi32, #tpu.memory_space<vmem>>
    %dma_wait3A_49 = tpu.memref_squeeze %dma_wait3A_48 : memref<1x1x128xi32, #tpu.memory_space<vmem>> -> memref<128xi32, #tpu.memory_space<vmem>>
    %dma_wait3A_50 = arith.constant 0 : i32
    %dma_wait3A_51 = arith.constant 0 : i32
    %dma_wait3A_52 = tpu.memref_slice %arg8[%dma_wait3A_50, %dma_wait3A_51] : memref<10000x64xf32, #tpu.memory_space<vmem_shared>> -> memref<10000x64xf32, #tpu.memory_space<vmem_shared>>
    tpu.wait_indirect_dma semaphore(%arg10 : memref<!tpu.dma_semaphore, #tpu.memory_space<semaphore_mem>>) src(%dma_wait3A_52 : memref<10000x64xf32, #tpu.memory_space<vmem_shared>>) dst(%dma_wait3A_46 : memref<128x64xf32, #tpu.memory_space<vmem>>)
    %dma_wait3A_53 = arith.constant 0 : i32
    %dma_wait3A_54 = arith.constant 0 : i32
    %dma_wait3A_55 = arith.constant 1 : i32
    %dma_wait3A_56 = arith.constant 0 : i32
    %dma_wait3A_57 = arith.constant 0 : i32
    %dma_wait3A_58 = tpu.memref_slice %arg7[%dma_wait3A_55, %dma_wait3A_56, %dma_wait3A_57] : memref<2x128x64xf32, #tpu.memory_space<vmem>> -> memref<1x128x64xf32, #tpu.memory_space<vmem>>
    %dma_wait3A_59 = tpu.memref_squeeze %dma_wait3A_58 : memref<1x128x64xf32, #tpu.memory_space<vmem>> -> memref<128x64xf32, #tpu.memory_space<vmem>>
    %dma_wait3A_60 = arith.constant 0 : i32
    %dma_wait3A_61 = tpu.memref_slice %arg6[%dma_wait3A_53, %dma_wait3A_54, %dma_wait3A_60] : memref<40x2x128xi32, #tpu.memory_space<vmem>> -> memref<1x1x128xi32, #tpu.memory_space<vmem>>
    %dma_wait3A_62 = tpu.memref_squeeze %dma_wait3A_61 : memref<1x1x128xi32, #tpu.memory_space<vmem>> -> memref<128xi32, #tpu.memory_space<vmem>>
    %dma_wait3A_63 = arith.constant 0 : i32
    %dma_wait3A_64 = arith.constant 0 : i32
    %dma_wait3A_65 = tpu.memref_slice %arg8[%dma_wait3A_63, %dma_wait3A_64] : memref<10000x64xf32, #tpu.memory_space<vmem_shared>> -> memref<10000x64xf32, #tpu.memory_space<vmem_shared>>
    tpu.wait_indirect_dma semaphore(%arg11 : memref<!tpu.dma_semaphore, #tpu.memory_space<semaphore_mem>>) src(%dma_wait3A_65 : memref<10000x64xf32, #tpu.memory_space<vmem_shared>>) dst(%dma_wait3A_59 : memref<128x64xf32, #tpu.memory_space<vmem>>)
    %add3A_66 = arith.constant 40 : i32
    %add3A_67 = arith.addi %add3A, %add3A_66 : i32
    "tpu.region"() ({
      %run_scoped3A = tpu.sem_alloc : memref<!tpu.dma_semaphore, #tpu.memory_space<semaphore_mem>>
      %dma_start3A_127 = arith.constant 0 : i32
      %dma_start3A_128 = arith.constant 0 : i32
      %dma_start3A_129 = tpu.memref_slice %arg3[%add3A_67, %dma_start3A_127, %dma_start3A_128] : memref<2560x2x128xi32, #tpu.memory_space<hbm>> -> memref<40x2x128xi32, #tpu.memory_space<hbm>>
      %dma_start3A_130 = arith.constant 0 : i32
      %dma_start3A_131 = arith.constant 0 : i32
      %dma_start3A_132 = tpu.memref_slice %arg3[%add3A_67, %dma_start3A_130, %dma_start3A_131] : memref<2560x2x128xi32, #tpu.memory_space<hbm>> -> memref<40x2x128xi32, #tpu.memory_space<hbm>>
      tpu.enqueue_dma source(%dma_start3A_132 : memref<40x2x128xi32, #tpu.memory_space<hbm>>) target(%arg6 : memref<40x2x128xi32, #tpu.memory_space<vmem>>) target_semaphore(%run_scoped3A : memref<!tpu.dma_semaphore, #tpu.memory_space<semaphore_mem>>)
      %dma_wait3A_133 = arith.constant 0 : i32
      %dma_wait3A_134 = arith.constant 0 : i32
      %dma_wait3A_135 = tpu.memref_slice %arg3[%add3A_67, %dma_wait3A_133, %dma_wait3A_134] : memref<2560x2x128xi32, #tpu.memory_space<hbm>> -> memref<40x2x128xi32, #tpu.memory_space<hbm>>
      %dma_wait3A_136 = arith.constant 0 : i32
      %dma_wait3A_137 = arith.constant 0 : i32
      %dma_wait3A_138 = tpu.memref_slice %arg3[%add3A_67, %dma_wait3A_136, %dma_wait3A_137] : memref<2560x2x128xi32, #tpu.memory_space<hbm>> -> memref<40x2x128xi32, #tpu.memory_space<hbm>>
      tpu.wait_dma2 semaphore(%run_scoped3A : memref<!tpu.dma_semaphore, #tpu.memory_space<semaphore_mem>>) src(%dma_wait3A_138 : memref<40x2x128xi32, #tpu.memory_space<hbm>>) dst(%arg6 : memref<40x2x128xi32, #tpu.memory_space<vmem>>)
      tpu.yield
    }) : () -> ()
    %dma_start3A_68 = arith.constant 0 : i32
    %dma_start3A_69 = arith.constant 0 : i32
    %dma_start3A_70 = arith.constant 0 : i32
    %dma_start3A_71 = arith.constant 0 : i32
    %dma_start3A_72 = arith.constant 0 : i32
    %dma_start3A_73 = tpu.memref_slice %arg7[%dma_start3A_70, %dma_start3A_71, %dma_start3A_72] : memref<2x128x64xf32, #tpu.memory_space<vmem>> -> memref<1x128x64xf32, #tpu.memory_space<vmem>>
    %dma_start3A_74 = tpu.memref_squeeze %dma_start3A_73 : memref<1x128x64xf32, #tpu.memory_space<vmem>> -> memref<128x64xf32, #tpu.memory_space<vmem>>
    %dma_start3A_75 = arith.constant 0 : i32
    %dma_start3A_76 = tpu.memref_slice %arg6[%dma_start3A_68, %dma_start3A_69, %dma_start3A_75] : memref<40x2x128xi32, #tpu.memory_space<vmem>> -> memref<1x1x128xi32, #tpu.memory_space<vmem>>
    %dma_start3A_77 = tpu.memref_squeeze %dma_start3A_76 : memref<1x1x128xi32, #tpu.memory_space<vmem>> -> memref<128xi32, #tpu.memory_space<vmem>>
    %dma_start3A_78 = arith.constant 0 : i32
    %dma_start3A_79 = arith.constant 0 : i32
    %dma_start3A_80 = tpu.memref_slice %arg8[%dma_start3A_78, %dma_start3A_79] : memref<10000x64xf32, #tpu.memory_space<vmem_shared>> -> memref<10000x64xf32, #tpu.memory_space<vmem_shared>>
    tpu.enqueue_indirect_dma source(%dma_start3A_80 : memref<10000x64xf32, #tpu.memory_space<vmem_shared>>) target(%dma_start3A_74 : memref<128x64xf32, #tpu.memory_space<vmem>>) offsets(%dma_start3A_77 : memref<128xi32, #tpu.memory_space<vmem>>) semaphore(%arg10 : memref<!tpu.dma_semaphore, #tpu.memory_space<semaphore_mem>>)
    %dma_start3A_81 = arith.constant 1 : i32
    %dma_start3A_82 = arith.constant 0 : i32
    %dma_start3A_83 = arith.constant 1 : i32
    %dma_start3A_84 = arith.constant 0 : i32
    %dma_start3A_85 = arith.constant 0 : i32
    %dma_start3A_86 = tpu.memref_slice %arg7[%dma_start3A_83, %dma_start3A_84, %dma_start3A_85] : memref<2x128x64xf32, #tpu.memory_space<vmem>> -> memref<1x128x64xf32, #tpu.memory_space<vmem>>
    %dma_start3A_87 = tpu.memref_squeeze %dma_start3A_86 : memref<1x128x64xf32, #tpu.memory_space<vmem>> -> memref<128x64xf32, #tpu.memory_space<vmem>>
    %dma_start3A_88 = arith.constant 0 : i32
    %dma_start3A_89 = tpu.memref_slice %arg6[%dma_start3A_81, %dma_start3A_82, %dma_start3A_88] : memref<40x2x128xi32, #tpu.memory_space<vmem>> -> memref<1x1x128xi32, #tpu.memory_space<vmem>>
    %dma_start3A_90 = tpu.memref_squeeze %dma_start3A_89 : memref<1x1x128xi32, #tpu.memory_space<vmem>> -> memref<128xi32, #tpu.memory_space<vmem>>
    %dma_start3A_91 = arith.constant 0 : i32
    %dma_start3A_92 = arith.constant 0 : i32
    %dma_start3A_93 = tpu.memref_slice %arg8[%dma_start3A_91, %dma_start3A_92] : memref<10000x64xf32, #tpu.memory_space<vmem_shared>> -> memref<10000x64xf32, #tpu.memory_space<vmem_shared>>
    tpu.enqueue_indirect_dma source(%dma_start3A_93 : memref<10000x64xf32, #tpu.memory_space<vmem_shared>>) target(%dma_start3A_87 : memref<128x64xf32, #tpu.memory_space<vmem>>) offsets(%dma_start3A_90 : memref<128xi32, #tpu.memory_space<vmem>>) semaphore(%arg11 : memref<!tpu.dma_semaphore, #tpu.memory_space<semaphore_mem>>)
    %scan3A_94 = arith.constant 0 : i32
    %scan3A_95 = arith.constant 0 : i32
    %scan3A_96 = arith.constant 20 : i32
    %scan3A_97 = arith.addi %scan3A_95, %scan3A_96 : i32
    %scan3A_98 = arith.constant 1 : i32
    scf.for %scan3A_127 = %scan3A_95 to %scan3A_97 step %scan3A_98  : i32 {
      %mul3A_128 = arith.constant 2 : i32
      %mul3A_129 = arith.muli %scan3A_127, %mul3A_128 : i32
      %add3A_130 = arith.constant 0 : i32
      %add3A_131 = arith.addi %mul3A_129, %add3A_130 : i32
      %dma_wait3A_132 = arith.constant 0 : i32
      %dma_wait3A_133 = arith.constant 0 : i32
      %dma_wait3A_134 = arith.constant 0 : i32
      %dma_wait3A_135 = arith.constant 0 : i32
      %dma_wait3A_136 = arith.constant 0 : i32
      %dma_wait3A_137 = tpu.memref_slice %arg7[%dma_wait3A_134, %dma_wait3A_135, %dma_wait3A_136] : memref<2x128x64xf32, #tpu.memory_space<vmem>> -> memref<1x128x64xf32, #tpu.memory_space<vmem>>
      %dma_wait3A_138 = tpu.memref_squeeze %dma_wait3A_137 : memref<1x128x64xf32, #tpu.memory_space<vmem>> -> memref<128x64xf32, #tpu.memory_space<vmem>>
      %dma_wait3A_139 = arith.constant 0 : i32
      %dma_wait3A_140 = tpu.memref_slice %arg6[%dma_wait3A_132, %dma_wait3A_133, %dma_wait3A_139] : memref<40x2x128xi32, #tpu.memory_space<vmem>> -> memref<1x1x128xi32, #tpu.memory_space<vmem>>
      %dma_wait3A_141 = tpu.memref_squeeze %dma_wait3A_140 : memref<1x1x128xi32, #tpu.memory_space<vmem>> -> memref<128xi32, #tpu.memory_space<vmem>>
      %dma_wait3A_142 = arith.constant 0 : i32
      %dma_wait3A_143 = arith.constant 0 : i32
      %dma_wait3A_144 = tpu.memref_slice %arg8[%dma_wait3A_142, %dma_wait3A_143] : memref<10000x64xf32, #tpu.memory_space<vmem_shared>> -> memref<10000x64xf32, #tpu.memory_space<vmem_shared>>
      tpu.wait_indirect_dma semaphore(%arg10 : memref<!tpu.dma_semaphore, #tpu.memory_space<semaphore_mem>>) src(%dma_wait3A_144 : memref<10000x64xf32, #tpu.memory_space<vmem_shared>>) dst(%dma_wait3A_138 : memref<128x64xf32, #tpu.memory_space<vmem>>)
      %run_scoped3A = arith.constant 0 : i32
      %run_scoped3A_145 = arith.constant 1 : i32
      "tpu.region"() ({
        %run_scoped3A_196 = tpu.sem_alloc : memref<!tpu.dma_semaphore, #tpu.memory_space<semaphore_mem>>
        %dma_start3A_197 = arith.constant 0 : i32
        %dma_start3A_198 = arith.constant 0 : i32
        %dma_start3A_199 = tpu.memref_slice %arg7[%run_scoped3A, %dma_start3A_197, %dma_start3A_198] : memref<2x128x64xf32, #tpu.memory_space<vmem>> -> memref<1x128x64xf32, #tpu.memory_space<vmem>>
        %dma_start3A_200 = tpu.memref_squeeze %dma_start3A_199 : memref<1x128x64xf32, #tpu.memory_space<vmem>> -> memref<128x64xf32, #tpu.memory_space<vmem>>
        %dma_start3A_201 = arith.constant 0 : i32
        %dma_start3A_202 = tpu.memref_slice %arg6[%add3A_131, %run_scoped3A_145, %dma_start3A_201] : memref<40x2x128xi32, #tpu.memory_space<vmem>> -> memref<1x1x128xi32, #tpu.memory_space<vmem>>
        %dma_start3A_203 = tpu.memref_squeeze %dma_start3A_202 : memref<1x1x128xi32, #tpu.memory_space<vmem>> -> memref<128xi32, #tpu.memory_space<vmem>>
        %dma_start3A_204 = arith.constant 0 : i32
        %dma_start3A_205 = arith.constant 0 : i32
        %dma_start3A_206 = tpu.memref_slice %arg9[%dma_start3A_204, %dma_start3A_205] : memref<10112x64xf32, #tpu.memory_space<vmem_shared>> -> memref<10112x64xf32, #tpu.memory_space<vmem_shared>>
        tpu.enqueue_indirect_dma source(%dma_start3A_200 : memref<128x64xf32, #tpu.memory_space<vmem>>) target(%dma_start3A_206 : memref<10112x64xf32, #tpu.memory_space<vmem_shared>>) offsets(%dma_start3A_203 : memref<128xi32, #tpu.memory_space<vmem>>) semaphore(%run_scoped3A_196 : memref<!tpu.dma_semaphore, #tpu.memory_space<semaphore_mem>>) {add = true}
        %dma_wait3A_207 = arith.constant 0 : i32
        %dma_wait3A_208 = arith.constant 0 : i32
        %dma_wait3A_209 = tpu.memref_slice %arg7[%run_scoped3A, %dma_wait3A_207, %dma_wait3A_208] : memref<2x128x64xf32, #tpu.memory_space<vmem>> -> memref<1x128x64xf32, #tpu.memory_space<vmem>>
        %dma_wait3A_210 = tpu.memref_squeeze %dma_wait3A_209 : memref<1x128x64xf32, #tpu.memory_space<vmem>> -> memref<128x64xf32, #tpu.memory_space<vmem>>
        %dma_wait3A_211 = arith.constant 0 : i32
        %dma_wait3A_212 = tpu.memref_slice %arg6[%add3A_131, %run_scoped3A_145, %dma_wait3A_211] : memref<40x2x128xi32, #tpu.memory_space<vmem>> -> memref<1x1x128xi32, #tpu.memory_space<vmem>>
        %dma_wait3A_213 = tpu.memref_squeeze %dma_wait3A_212 : memref<1x1x128xi32, #tpu.memory_space<vmem>> -> memref<128xi32, #tpu.memory_space<vmem>>
        %dma_wait3A_214 = arith.constant 0 : i32
        %dma_wait3A_215 = arith.constant 0 : i32
        %dma_wait3A_216 = tpu.memref_slice %arg9[%dma_wait3A_214, %dma_wait3A_215] : memref<10112x64xf32, #tpu.memory_space<vmem_shared>> -> memref<10112x64xf32, #tpu.memory_space<vmem_shared>>
        tpu.wait_indirect_dma semaphore(%run_scoped3A_196 : memref<!tpu.dma_semaphore, #tpu.memory_space<semaphore_mem>>) src(%dma_wait3A_210 : memref<128x64xf32, #tpu.memory_space<vmem>>) dst(%dma_wait3A_216 : memref<10112x64xf32, #tpu.memory_space<vmem_shared>>)
        tpu.yield
      }) : () -> ()
      %add3A_146 = arith.constant 2 : i32
      %add3A_147 = arith.addi %add3A_131, %add3A_146 : i32
      %min3A = arith.constant 39 : i32
      %min3A_148 = arith.minsi %add3A_147, %min3A : i32
      %dma_start3A_149 = arith.constant 0 : i32
      %dma_start3A_150 = arith.constant 0 : i32
      %dma_start3A_151 = arith.constant 0 : i32
      %dma_start3A_152 = arith.constant 0 : i32
      %dma_start3A_153 = tpu.memref_slice %arg7[%dma_start3A_150, %dma_start3A_151, %dma_start3A_152] : memref<2x128x64xf32, #tpu.memory_space<vmem>> -> memref<1x128x64xf32, #tpu.memory_space<vmem>>
      %dma_start3A_154 = tpu.memref_squeeze %dma_start3A_153 : memref<1x128x64xf32, #tpu.memory_space<vmem>> -> memref<128x64xf32, #tpu.memory_space<vmem>>
      %dma_start3A_155 = arith.constant 0 : i32
      %dma_start3A_156 = tpu.memref_slice %arg6[%min3A_148, %dma_start3A_149, %dma_start3A_155] : memref<40x2x128xi32, #tpu.memory_space<vmem>> -> memref<1x1x128xi32, #tpu.memory_space<vmem>>
      %dma_start3A_157 = tpu.memref_squeeze %dma_start3A_156 : memref<1x1x128xi32, #tpu.memory_space<vmem>> -> memref<128xi32, #tpu.memory_space<vmem>>
      %dma_start3A_158 = arith.constant 0 : i32
      %dma_start3A_159 = arith.constant 0 : i32
      %dma_start3A_160 = tpu.memref_slice %arg8[%dma_start3A_158, %dma_start3A_159] : memref<10000x64xf32, #tpu.memory_space<vmem_shared>> -> memref<10000x64xf32, #tpu.memory_space<vmem_shared>>
      tpu.enqueue_indirect_dma source(%dma_start3A_160 : memref<10000x64xf32, #tpu.memory_space<vmem_shared>>) target(%dma_start3A_154 : memref<128x64xf32, #tpu.memory_space<vmem>>) offsets(%dma_start3A_157 : memref<128xi32, #tpu.memory_space<vmem>>) semaphore(%arg10 : memref<!tpu.dma_semaphore, #tpu.memory_space<semaphore_mem>>)
      %mul3A_161 = arith.constant 2 : i32
      %mul3A_162 = arith.muli %scan3A_127, %mul3A_161 : i32
      %add3A_163 = arith.constant 1 : i32
      %add3A_164 = arith.addi %mul3A_162, %add3A_163 : i32
      %dma_wait3A_165 = arith.constant 0 : i32
      %dma_wait3A_166 = arith.constant 0 : i32
      %dma_wait3A_167 = arith.constant 1 : i32
      %dma_wait3A_168 = arith.constant 0 : i32
      %dma_wait3A_169 = arith.constant 0 : i32
      %dma_wait3A_170 = tpu.memref_slice %arg7[%dma_wait3A_167, %dma_wait3A_168, %dma_wait3A_169] : memref<2x128x64xf32, #tpu.memory_space<vmem>> -> memref<1x128x64xf32, #tpu.memory_space<vmem>>
      %dma_wait3A_171 = tpu.memref_squeeze %dma_wait3A_170 : memref<1x128x64xf32, #tpu.memory_space<vmem>> -> memref<128x64xf32, #tpu.memory_space<vmem>>
      %dma_wait3A_172 = arith.constant 0 : i32
      %dma_wait3A_173 = tpu.memref_slice %arg6[%dma_wait3A_165, %dma_wait3A_166, %dma_wait3A_172] : memref<40x2x128xi32, #tpu.memory_space<vmem>> -> memref<1x1x128xi32, #tpu.memory_space<vmem>>
      %dma_wait3A_174 = tpu.memref_squeeze %dma_wait3A_173 : memref<1x1x128xi32, #tpu.memory_space<vmem>> -> memref<128xi32, #tpu.memory_space<vmem>>
      %dma_wait3A_175 = arith.constant 0 : i32
      %dma_wait3A_176 = arith.constant 0 : i32
      %dma_wait3A_177 = tpu.memref_slice %arg8[%dma_wait3A_175, %dma_wait3A_176] : memref<10000x64xf32, #tpu.memory_space<vmem_shared>> -> memref<10000x64xf32, #tpu.memory_space<vmem_shared>>
      tpu.wait_indirect_dma semaphore(%arg11 : memref<!tpu.dma_semaphore, #tpu.memory_space<semaphore_mem>>) src(%dma_wait3A_177 : memref<10000x64xf32, #tpu.memory_space<vmem_shared>>) dst(%dma_wait3A_171 : memref<128x64xf32, #tpu.memory_space<vmem>>)
      %run_scoped3A_178 = arith.constant 1 : i32
      %run_scoped3A_179 = arith.constant 1 : i32
      "tpu.region"() ({
        %run_scoped3A_196 = tpu.sem_alloc : memref<!tpu.dma_semaphore, #tpu.memory_space<semaphore_mem>>
        %dma_start3A_197 = arith.constant 0 : i32
        %dma_start3A_198 = arith.constant 0 : i32
        %dma_start3A_199 = tpu.memref_slice %arg7[%run_scoped3A_178, %dma_start3A_197, %dma_start3A_198] : memref<2x128x64xf32, #tpu.memory_space<vmem>> -> memref<1x128x64xf32, #tpu.memory_space<vmem>>
        %dma_start3A_200 = tpu.memref_squeeze %dma_start3A_199 : memref<1x128x64xf32, #tpu.memory_space<vmem>> -> memref<128x64xf32, #tpu.memory_space<vmem>>
        %dma_start3A_201 = arith.constant 0 : i32
        %dma_start3A_202 = tpu.memref_slice %arg6[%add3A_164, %run_scoped3A_179, %dma_start3A_201] : memref<40x2x128xi32, #tpu.memory_space<vmem>> -> memref<1x1x128xi32, #tpu.memory_space<vmem>>
        %dma_start3A_203 = tpu.memref_squeeze %dma_start3A_202 : memref<1x1x128xi32, #tpu.memory_space<vmem>> -> memref<128xi32, #tpu.memory_space<vmem>>
        %dma_start3A_204 = arith.constant 0 : i32
        %dma_start3A_205 = arith.constant 0 : i32
        %dma_start3A_206 = tpu.memref_slice %arg9[%dma_start3A_204, %dma_start3A_205] : memref<10112x64xf32, #tpu.memory_space<vmem_shared>> -> memref<10112x64xf32, #tpu.memory_space<vmem_shared>>
        tpu.enqueue_indirect_dma source(%dma_start3A_200 : memref<128x64xf32, #tpu.memory_space<vmem>>) target(%dma_start3A_206 : memref<10112x64xf32, #tpu.memory_space<vmem_shared>>) offsets(%dma_start3A_203 : memref<128xi32, #tpu.memory_space<vmem>>) semaphore(%run_scoped3A_196 : memref<!tpu.dma_semaphore, #tpu.memory_space<semaphore_mem>>) {add = true}
        %dma_wait3A_207 = arith.constant 0 : i32
        %dma_wait3A_208 = arith.constant 0 : i32
        %dma_wait3A_209 = tpu.memref_slice %arg7[%run_scoped3A_178, %dma_wait3A_207, %dma_wait3A_208] : memref<2x128x64xf32, #tpu.memory_space<vmem>> -> memref<1x128x64xf32, #tpu.memory_space<vmem>>
        %dma_wait3A_210 = tpu.memref_squeeze %dma_wait3A_209 : memref<1x128x64xf32, #tpu.memory_space<vmem>> -> memref<128x64xf32, #tpu.memory_space<vmem>>
        %dma_wait3A_211 = arith.constant 0 : i32
        %dma_wait3A_212 = tpu.memref_slice %arg6[%add3A_164, %run_scoped3A_179, %dma_wait3A_211] : memref<40x2x128xi32, #tpu.memory_space<vmem>> -> memref<1x1x128xi32, #tpu.memory_space<vmem>>
        %dma_wait3A_213 = tpu.memref_squeeze %dma_wait3A_212 : memref<1x1x128xi32, #tpu.memory_space<vmem>> -> memref<128xi32, #tpu.memory_space<vmem>>
        %dma_wait3A_214 = arith.constant 0 : i32
        %dma_wait3A_215 = arith.constant 0 : i32
        %dma_wait3A_216 = tpu.memref_slice %arg9[%dma_wait3A_214, %dma_wait3A_215] : memref<10112x64xf32, #tpu.memory_space<vmem_shared>> -> memref<10112x64xf32, #tpu.memory_space<vmem_shared>>
        tpu.wait_indirect_dma semaphore(%run_scoped3A_196 : memref<!tpu.dma_semaphore, #tpu.memory_space<semaphore_mem>>) src(%dma_wait3A_210 : memref<128x64xf32, #tpu.memory_space<vmem>>) dst(%dma_wait3A_216 : memref<10112x64xf32, #tpu.memory_space<vmem_shared>>)
        tpu.yield
      }) : () -> ()
      %add3A_180 = arith.constant 2 : i32
      %add3A_181 = arith.addi %add3A_164, %add3A_180 : i32
      %min3A_182 = arith.constant 39 : i32
      %min3A_183 = arith.minsi %add3A_181, %min3A_182 : i32
      %dma_start3A_184 = arith.constant 0 : i32
      %dma_start3A_185 = arith.constant 1 : i32
      %dma_start3A_186 = arith.constant 0 : i32
      %dma_start3A_187 = arith.constant 0 : i32
      %dma_start3A_188 = tpu.memref_slice %arg7[%dma_start3A_185, %dma_start3A_186, %dma_start3A_187] : memref<2x128x64xf32, #tpu.memory_space<vmem>> -> memref<1x128x64xf32, #tpu.memory_space<vmem>>
      %dma_start3A_189 = tpu.memref_squeeze %dma_start3A_188 : memref<1x128x64xf32, #tpu.memory_space<vmem>> -> memref<128x64xf32, #tpu.memory_space<vmem>>
      %dma_start3A_190 = arith.constant 0 : i32
      %dma_start3A_191 = tpu.memref_slice %arg6[%min3A_183, %dma_start3A_184, %dma_start3A_190] : memref<40x2x128xi32, #tpu.memory_space<vmem>> -> memref<1x1x128xi32, #tpu.memory_space<vmem>>
      %dma_start3A_192 = tpu.memref_squeeze %dma_start3A_191 : memref<1x1x128xi32, #tpu.memory_space<vmem>> -> memref<128xi32, #tpu.memory_space<vmem>>
      %dma_start3A_193 = arith.constant 0 : i32
      %dma_start3A_194 = arith.constant 0 : i32
      %dma_start3A_195 = tpu.memref_slice %arg8[%dma_start3A_193, %dma_start3A_194] : memref<10000x64xf32, #tpu.memory_space<vmem_shared>> -> memref<10000x64xf32, #tpu.memory_space<vmem_shared>>
      tpu.enqueue_indirect_dma source(%dma_start3A_195 : memref<10000x64xf32, #tpu.memory_space<vmem_shared>>) target(%dma_start3A_189 : memref<128x64xf32, #tpu.memory_space<vmem>>) offsets(%dma_start3A_192 : memref<128xi32, #tpu.memory_space<vmem>>) semaphore(%arg11 : memref<!tpu.dma_semaphore, #tpu.memory_space<semaphore_mem>>)
    }
    %scan3A_99 = arith.constant 20 : i32
    %dma_wait3A_100 = arith.constant 0 : i32
    %dma_wait3A_101 = arith.constant 0 : i32
    %dma_wait3A_102 = arith.constant 0 : i32
    %dma_wait3A_103 = arith.constant 0 : i32
    %dma_wait3A_104 = arith.constant 0 : i32
    %dma_wait3A_105 = tpu.memref_slice %arg7[%dma_wait3A_102, %dma_wait3A_103, %dma_wait3A_104] : memref<2x128x64xf32, #tpu.memory_space<vmem>> -> memref<1x128x64xf32, #tpu.memory_space<vmem>>
    %dma_wait3A_106 = tpu.memref_squeeze %dma_wait3A_105 : memref<1x128x64xf32, #tpu.memory_space<vmem>> -> memref<128x64xf32, #tpu.memory_space<vmem>>
    %dma_wait3A_107 = arith.constant 0 : i32
    %dma_wait3A_108 = tpu.memref_slice %arg6[%dma_wait3A_100, %dma_wait3A_101, %dma_wait3A_107] : memref<40x2x128xi32, #tpu.memory_space<vmem>> -> memref<1x1x128xi32, #tpu.memory_space<vmem>>
    %dma_wait3A_109 = tpu.memref_squeeze %dma_wait3A_108 : memref<1x1x128xi32, #tpu.memory_space<vmem>> -> memref<128xi32, #tpu.memory_space<vmem>>
    %dma_wait3A_110 = arith.constant 0 : i32
    %dma_wait3A_111 = arith.constant 0 : i32
    %dma_wait3A_112 = tpu.memref_slice %arg8[%dma_wait3A_110, %dma_wait3A_111] : memref<10000x64xf32, #tpu.memory_space<vmem_shared>> -> memref<10000x64xf32, #tpu.memory_space<vmem_shared>>
    tpu.wait_indirect_dma semaphore(%arg10 : memref<!tpu.dma_semaphore, #tpu.memory_space<semaphore_mem>>) src(%dma_wait3A_112 : memref<10000x64xf32, #tpu.memory_space<vmem_shared>>) dst(%dma_wait3A_106 : memref<128x64xf32, #tpu.memory_space<vmem>>)
    %dma_wait3A_113 = arith.constant 0 : i32
    %dma_wait3A_114 = arith.constant 0 : i32
    %dma_wait3A_115 = arith.constant 1 : i32
    %dma_wait3A_116 = arith.constant 0 : i32
    %dma_wait3A_117 = arith.constant 0 : i32
    %dma_wait3A_118 = tpu.memref_slice %arg7[%dma_wait3A_115, %dma_wait3A_116, %dma_wait3A_117] : memref<2x128x64xf32, #tpu.memory_space<vmem>> -> memref<1x128x64xf32, #tpu.memory_space<vmem>>
    %dma_wait3A_119 = tpu.memref_squeeze %dma_wait3A_118 : memref<1x128x64xf32, #tpu.memory_space<vmem>> -> memref<128x64xf32, #tpu.memory_space<vmem>>
    %dma_wait3A_120 = arith.constant 0 : i32
    %dma_wait3A_121 = tpu.memref_slice %arg6[%dma_wait3A_113, %dma_wait3A_114, %dma_wait3A_120] : memref<40x2x128xi32, #tpu.memory_space<vmem>> -> memref<1x1x128xi32, #tpu.memory_space<vmem>>
    %dma_wait3A_122 = tpu.memref_squeeze %dma_wait3A_121 : memref<1x1x128xi32, #tpu.memory_space<vmem>> -> memref<128xi32, #tpu.memory_space<vmem>>
    %dma_wait3A_123 = arith.constant 0 : i32
    %dma_wait3A_124 = arith.constant 0 : i32
    %dma_wait3A_125 = tpu.memref_slice %arg8[%dma_wait3A_123, %dma_wait3A_124] : memref<10000x64xf32, #tpu.memory_space<vmem_shared>> -> memref<10000x64xf32, #tpu.memory_space<vmem_shared>>
    tpu.wait_indirect_dma semaphore(%arg11 : memref<!tpu.dma_semaphore, #tpu.memory_space<semaphore_mem>>) src(%dma_wait3A_125 : memref<10000x64xf32, #tpu.memory_space<vmem_shared>>) dst(%dma_wait3A_119 : memref<128x64xf32, #tpu.memory_space<vmem>>)
    %barrier3A_126 = arith.constant 0 : index
    tpu.barrier barrier_id(%barrier3A_126)
    "tpu.region"() ({
      %run_scoped3A = tpu.sem_alloc : memref<!tpu.dma_semaphore, #tpu.memory_space<semaphore_mem>>
      %dma_start3A_127 = arith.constant 0 : i32
      %dma_start3A_128 = tpu.memref_slice %arg5[%arg0, %mul3A_0, %dma_start3A_127] : memref<2x10112x64xf32, #tpu.memory_space<hbm>> -> memref<1x632x64xf32, #tpu.memory_space<hbm>>
      %dma_start3A_129 = tpu.memref_squeeze %dma_start3A_128 : memref<1x632x64xf32, #tpu.memory_space<hbm>> -> memref<632x64xf32, #tpu.memory_space<hbm>>
      %dma_start3A_130 = arith.constant 0 : i32
      %dma_start3A_131 = tpu.memref_slice %arg9[%mul3A_0, %dma_start3A_130] : memref<10112x64xf32, #tpu.memory_space<vmem_shared>> -> memref<632x64xf32, #tpu.memory_space<vmem_shared>>
      tpu.enqueue_dma source(%dma_start3A_131 : memref<632x64xf32, #tpu.memory_space<vmem_shared>>) target(%dma_start3A_129 : memref<632x64xf32, #tpu.memory_space<hbm>>) target_semaphore(%run_scoped3A : memref<!tpu.dma_semaphore, #tpu.memory_space<semaphore_mem>>)
      %dma_wait3A_132 = arith.constant 0 : i32
      %dma_wait3A_133 = tpu.memref_slice %arg5[%arg0, %mul3A_0, %dma_wait3A_132] : memref<2x10112x64xf32, #tpu.memory_space<hbm>> -> memref<1x632x64xf32, #tpu.memory_space<hbm>>
      %dma_wait3A_134 = tpu.memref_squeeze %dma_wait3A_133 : memref<1x632x64xf32, #tpu.memory_space<hbm>> -> memref<632x64xf32, #tpu.memory_space<hbm>>
      %dma_wait3A_135 = arith.constant 0 : i32
      %dma_wait3A_136 = tpu.memref_slice %arg9[%mul3A_0, %dma_wait3A_135] : memref<10112x64xf32, #tpu.memory_space<vmem_shared>> -> memref<632x64xf32, #tpu.memory_space<vmem_shared>>
      tpu.wait_dma2 semaphore(%run_scoped3A : memref<!tpu.dma_semaphore, #tpu.memory_space<semaphore_mem>>) src(%dma_wait3A_136 : memref<632x64xf32, #tpu.memory_space<vmem_shared>>) dst(%dma_wait3A_134 : memref<632x64xf32, #tpu.memory_space<hbm>>)
      tpu.yield
    }) : () -> ()
    return
  }
}

module attributes {stable_mosaic.version = 14 : i64} {
  func.func @_tc1_body(%arg0: i32, %arg1: memref<1000x128xf32, #tpu.memory_space<vmem>>, %arg2: memref<128x128xf32, #tpu.memory_space<vmem>>, %arg3: memref<2x1000x64xf32, #tpu.memory_space<vmem>>, %arg4: memref<1000x128xf32, #tpu.memory_space<vmem>>) attributes {dimension_semantics = [#tpu.dimension_semantics<arbitrary>], iteration_bounds = array<i64: 10>, scalar_prefetch = 0 : i64, scratch_operands = 0 : i64, tpu.core_type = #tpu.core_type<tc>, window_params = [{transform_indices = @transform_0, window_bounds = array<i64: 1000, 128>}, {pipeline_mode = #tpu.pipeline_mode<synchronous>, transform_indices = @transform_1, window_bounds = array<i64: 128, 128>}, {transform_indices = @transform_2, window_bounds = array<i64: 2, 1000, 64>}, {transform_indices = @transform_3, window_bounds = array<i64: 1000, 128>}]} {
    %get3A = arith.constant 0 : index
    %get3A_0 = arith.constant 0 : index
    %get3A_1 = arith.constant 0 : index
    %get3A_2 = vector.load %arg3[%get3A, %get3A_0, %get3A_1] : memref<2x1000x64xf32, #tpu.memory_space<vmem>>, vector<1x1000x1xf32>
    %get3A_3 = vector.shape_cast %get3A_2 : vector<1x1000x1xf32> to vector<1000x1xf32>
    %get3A_4 = arith.constant 1 : index
    %get3A_5 = arith.constant 0 : index
    %get3A_6 = arith.constant 0 : index
    %get3A_7 = vector.load %arg3[%get3A_4, %get3A_5, %get3A_6] : memref<2x1000x64xf32, #tpu.memory_space<vmem>>, vector<1x1000x1xf32>
    %get3A_8 = vector.shape_cast %get3A_7 : vector<1x1000x1xf32> to vector<1000x1xf32>
    %add3A = arith.addf %get3A_3, %get3A_8 : vector<1000x1xf32>
    %add3A_9 = arith.constant 1.000000e+00 : f32
    %add3A_10 = vector.broadcast %add3A_9 : f32 to vector<1000x1xf32>
    %add3A_11 = arith.addf %add3A, %add3A_10 : vector<1000x1xf32>
    %rsqrt3A = math.rsqrt %add3A_11 : vector<1000x1xf32>
    %get3A_12 = arith.constant 0 : index
    %get3A_13 = arith.constant 0 : index
    %get3A_14 = vector.load %arg1[%get3A_12, %get3A_13] : memref<1000x128xf32, #tpu.memory_space<vmem>>, vector<1000x128xf32>
    %get3A_15 = arith.constant 0 : index
    %get3A_16 = arith.constant 0 : index
    %get3A_17 = vector.load %arg2[%get3A_15, %get3A_16] : memref<128x128xf32, #tpu.memory_space<vmem>>, vector<128x128xf32>
    %dot_general3A = arith.constant dense<0.000000e+00> : vector<1000x128xf32>
    %dot_general3A_18 = tpu.matmul %get3A_14, %get3A_17, %dot_general3A {dimension_numbers = #tpu.dot_dimension_numbers<[1], [0], [0], [1], [0, 0, 1, 1], [], []>, transpose_lhs_hint = false} : vector<1000x128xf32>, vector<128x128xf32>, vector<1000x128xf32> -> vector<1000x128xf32>
    %mul3A = vector.broadcast %rsqrt3A : vector<1000x1xf32> to vector<1000x128xf32>
    %mul3A_19 = arith.mulf %dot_general3A_18, %mul3A : vector<1000x128xf32>
    %swap3A = arith.constant 0 : index
    %swap3A_20 = arith.constant 0 : index
    %swap3A_21 = vector.load %arg4[%swap3A, %swap3A_20] : memref<1000x128xf32, #tpu.memory_space<vmem>>, vector<1000x128xf32>
    tpu.vector_store %arg4[%swap3A, %swap3A_20], %mul3A_19 {strides = array<i32>} : memref<1000x128xf32, #tpu.memory_space<vmem>>, vector<1000x128xf32>,
    return
  }
  func.func @transform_0(%arg0: i32) -> (i32, i32) {
    %c0_i32 = arith.constant 0 : i32
    %c0_i32_0 = arith.constant 0 : i32
    return %arg0, %c0_i32 : i32, i32
  }
  func.func @transform_1(%arg0: i32) -> (i32, i32) {
    %c0_i32 = arith.constant 0 : i32
    %c0_i32_0 = arith.constant 0 : i32
    %c0_i32_1 = arith.constant 0 : i32
    return %c0_i32, %c0_i32_0 : i32, i32
  }
  func.func @transform_2(%arg0: i32) -> (i32, i32, i32) {
    %c0_i32 = arith.constant 0 : i32
    %c0_i32_0 = arith.constant 0 : i32
    %c0_i32_1 = arith.constant 0 : i32
    return %c0_i32, %arg0, %c0_i32_0 : i32, i32, i32
  }
  func.func @transform_3(%arg0: i32) -> (i32, i32) {
    %c0_i32 = arith.constant 0 : i32
    %c0_i32_0 = arith.constant 0 : i32
    return %arg0, %c0_i32 : i32, i32
  }
}

module attributes {stable_mosaic.version = 14 : i64} {
  func.func @_tc2_body(%arg0: i32, %arg1: memref<2x1000x64xf32, #tpu.memory_space<vmem>>, %arg2: memref<2x1000x64xf32, #tpu.memory_space<vmem>>, %arg3: memref<1000x128xf32, #tpu.memory_space<vmem>>, %arg4: memref<2x1000x64xf32, #tpu.memory_space<vmem>>, %arg5: memref<1x128xf32, #tpu.memory_space<vmem>>, %arg6: memref<128x64xf32, #tpu.memory_space<vmem>>, %arg7: memref<1000x64xf32, #tpu.memory_space<vmem>>) attributes {dimension_semantics = [#tpu.dimension_semantics<arbitrary>], iteration_bounds = array<i64: 10>, scalar_prefetch = 0 : i64, scratch_operands = 0 : i64, tpu.core_type = #tpu.core_type<tc>, window_params = [{transform_indices = @transform_0, window_bounds = array<i64: 2, 1000, 64>}, {transform_indices = @transform_1, window_bounds = array<i64: 2, 1000, 64>}, {transform_indices = @transform_2, window_bounds = array<i64: 1000, 128>}, {transform_indices = @transform_3, window_bounds = array<i64: 2, 1000, 64>}, {pipeline_mode = #tpu.pipeline_mode<synchronous>, transform_indices = @transform_4, window_bounds = array<i64: 1, 128>}, {pipeline_mode = #tpu.pipeline_mode<synchronous>, transform_indices = @transform_5, window_bounds = array<i64: 128, 64>}, {transform_indices = @transform_6, window_bounds = array<i64: 1000, 64>}]} {
    %get3A = arith.constant 0 : index
    %get3A_0 = arith.constant 0 : index
    %get3A_1 = arith.constant 0 : index
    %get3A_2 = vector.load %arg4[%get3A, %get3A_0, %get3A_1] : memref<2x1000x64xf32, #tpu.memory_space<vmem>>, vector<1x1000x1xf32>
    %get3A_3 = vector.shape_cast %get3A_2 : vector<1x1000x1xf32> to vector<1000x1xf32>
    %get3A_4 = arith.constant 1 : index
    %get3A_5 = arith.constant 0 : index
    %get3A_6 = arith.constant 0 : index
    %get3A_7 = vector.load %arg4[%get3A_4, %get3A_5, %get3A_6] : memref<2x1000x64xf32, #tpu.memory_space<vmem>>, vector<1x1000x1xf32>
    %get3A_8 = vector.shape_cast %get3A_7 : vector<1x1000x1xf32> to vector<1000x1xf32>
    %add3A = arith.addf %get3A_3, %get3A_8 : vector<1000x1xf32>
    %add3A_9 = arith.constant 1.000000e+00 : f32
    %add3A_10 = vector.broadcast %add3A_9 : f32 to vector<1000x1xf32>
    %add3A_11 = arith.addf %add3A, %add3A_10 : vector<1000x1xf32>
    %rsqrt3A = math.rsqrt %add3A_11 : vector<1000x1xf32>
    %get3A_12 = arith.constant 0 : index
    %get3A_13 = arith.constant 0 : index
    %get3A_14 = vector.load %arg5[%get3A_12, %get3A_13] : memref<1x128xf32, #tpu.memory_space<vmem>>, vector<1x128xf32>
    %get3A_15 = arith.constant 0 : index
    %get3A_16 = arith.constant 0 : index
    %get3A_17 = vector.load %arg3[%get3A_15, %get3A_16] : memref<1000x128xf32, #tpu.memory_space<vmem>>, vector<1000x128xf32>
    %get3A_18 = arith.constant 0 : index
    %get3A_19 = arith.constant 0 : index
    %get3A_20 = arith.constant 0 : index
    %get3A_21 = vector.load %arg1[%get3A_18, %get3A_19, %get3A_20] : memref<2x1000x64xf32, #tpu.memory_space<vmem>>, vector<1x1000x64xf32>
    %get3A_22 = vector.shape_cast %get3A_21 : vector<1x1000x64xf32> to vector<1000x64xf32>
    %get3A_23 = arith.constant 1 : index
    %get3A_24 = arith.constant 0 : index
    %get3A_25 = arith.constant 0 : index
    %get3A_26 = vector.load %arg1[%get3A_23, %get3A_24, %get3A_25] : memref<2x1000x64xf32, #tpu.memory_space<vmem>>, vector<1x1000x64xf32>
    %get3A_27 = vector.shape_cast %get3A_26 : vector<1x1000x64xf32> to vector<1000x64xf32>
    %add3A_28 = arith.addf %get3A_22, %get3A_27 : vector<1000x64xf32>
    %slice3A = vector.extract_strided_slice %get3A_17 {offsets = [0, 0], sizes = [1000, 64], strides = [1, 1]} : vector<1000x128xf32> to vector<1000x64xf32>
    %add3A_29 = arith.addf %add3A_28, %slice3A : vector<1000x64xf32>
    %mul3A = vector.broadcast %rsqrt3A : vector<1000x1xf32> to vector<1000x64xf32>
    %mul3A_30 = arith.mulf %add3A_29, %mul3A : vector<1000x64xf32>
    %slice3A_31 = vector.extract_strided_slice %get3A_14 {offsets = [0, 0], sizes = [1, 64], strides = [1, 1]} : vector<1x128xf32> to vector<1x64xf32>
    %add3A_32 = vector.broadcast %slice3A_31 : vector<1x64xf32> to vector<1000x64xf32>
    %add3A_33 = arith.addf %mul3A_30, %add3A_32 : vector<1000x64xf32>
    %max3A = arith.constant 0.000000e+00 : f32
    %max3A_34 = vector.broadcast %max3A : f32 to vector<1000x64xf32>
    %max3A_35 = arith.maximumf %add3A_33, %max3A_34 : vector<1000x64xf32>
    %get3A_36 = arith.constant 0 : index
    %get3A_37 = arith.constant 0 : index
    %get3A_38 = arith.constant 0 : index
    %get3A_39 = vector.load %arg2[%get3A_36, %get3A_37, %get3A_38] : memref<2x1000x64xf32, #tpu.memory_space<vmem>>, vector<1x1000x64xf32>
    %get3A_40 = vector.shape_cast %get3A_39 : vector<1x1000x64xf32> to vector<1000x64xf32>
    %get3A_41 = arith.constant 1 : index
    %get3A_42 = arith.constant 0 : index
    %get3A_43 = arith.constant 0 : index
    %get3A_44 = vector.load %arg2[%get3A_41, %get3A_42, %get3A_43] : memref<2x1000x64xf32, #tpu.memory_space<vmem>>, vector<1x1000x64xf32>
    %get3A_45 = vector.shape_cast %get3A_44 : vector<1x1000x64xf32> to vector<1000x64xf32>
    %add3A_46 = arith.addf %get3A_40, %get3A_45 : vector<1000x64xf32>
    %slice3A_47 = vector.extract_strided_slice %get3A_17 {offsets = [0, 64], sizes = [1000, 64], strides = [1, 1]} : vector<1000x128xf32> to vector<1000x64xf32>
    %add3A_48 = arith.addf %add3A_46, %slice3A_47 : vector<1000x64xf32>
    %mul3A_49 = vector.broadcast %rsqrt3A : vector<1000x1xf32> to vector<1000x64xf32>
    %mul3A_50 = arith.mulf %add3A_48, %mul3A_49 : vector<1000x64xf32>
    %slice3A_51 = vector.extract_strided_slice %get3A_14 {offsets = [0, 64], sizes = [1, 64], strides = [1, 1]} : vector<1x128xf32> to vector<1x64xf32>
    %add3A_52 = vector.broadcast %slice3A_51 : vector<1x64xf32> to vector<1000x64xf32>
    %add3A_53 = arith.addf %mul3A_50, %add3A_52 : vector<1000x64xf32>
    %max3A_54 = arith.constant 0.000000e+00 : f32
    %max3A_55 = vector.broadcast %max3A_54 : f32 to vector<1000x64xf32>
    %max3A_56 = arith.maximumf %add3A_53, %max3A_55 : vector<1000x64xf32>
    %get3A_57 = arith.constant 0 : index
    %get3A_58 = arith.constant 0 : index
    %get3A_59 = vector.load %arg6[%get3A_57, %get3A_58] : memref<128x64xf32, #tpu.memory_space<vmem>>, vector<64x64xf32>
    %dot_general3A = arith.constant dense<0.000000e+00> : vector<1000x64xf32>
    %dot_general3A_60 = tpu.matmul %max3A_35, %get3A_59, %dot_general3A {dimension_numbers = #tpu.dot_dimension_numbers<[1], [0], [0], [1], [0, 0, 1, 1], [], []>, transpose_lhs_hint = false} : vector<1000x64xf32>, vector<64x64xf32>, vector<1000x64xf32> -> vector<1000x64xf32>
    %get3A_61 = arith.constant 64 : index
    %get3A_62 = arith.constant 0 : index
    %get3A_63 = vector.load %arg6[%get3A_61, %get3A_62] : memref<128x64xf32, #tpu.memory_space<vmem>>, vector<64x64xf32>
    %dot_general3A_64 = arith.constant dense<0.000000e+00> : vector<1000x64xf32>
    %dot_general3A_65 = tpu.matmul %max3A_56, %get3A_63, %dot_general3A_64 {dimension_numbers = #tpu.dot_dimension_numbers<[1], [0], [0], [1], [0, 0, 1, 1], [], []>, transpose_lhs_hint = false} : vector<1000x64xf32>, vector<64x64xf32>, vector<1000x64xf32> -> vector<1000x64xf32>
    %add3A_66 = arith.addf %dot_general3A_60, %dot_general3A_65 : vector<1000x64xf32>
    %mul3A_67 = vector.broadcast %rsqrt3A : vector<1000x1xf32> to vector<1000x64xf32>
    %mul3A_68 = arith.mulf %add3A_66, %mul3A_67 : vector<1000x64xf32>
    %swap3A = arith.constant 0 : index
    %swap3A_69 = arith.constant 0 : index
    %swap3A_70 = vector.load %arg7[%swap3A, %swap3A_69] : memref<1000x64xf32, #tpu.memory_space<vmem>>, vector<1000x64xf32>
    tpu.vector_store %arg7[%swap3A, %swap3A_69], %mul3A_68 {strides = array<i32>} : memref<1000x64xf32, #tpu.memory_space<vmem>>, vector<1000x64xf32>,
    return
  }
  func.func @transform_0(%arg0: i32) -> (i32, i32, i32) {
    %c0_i32 = arith.constant 0 : i32
    %c0_i32_0 = arith.constant 0 : i32
    %c0_i32_1 = arith.constant 0 : i32
    return %c0_i32, %arg0, %c0_i32_0 : i32, i32, i32
  }
  func.func @transform_1(%arg0: i32) -> (i32, i32, i32) {
    %c0_i32 = arith.constant 0 : i32
    %c0_i32_0 = arith.constant 0 : i32
    %c0_i32_1 = arith.constant 0 : i32
    return %c0_i32, %arg0, %c0_i32_0 : i32, i32, i32
  }
  func.func @transform_2(%arg0: i32) -> (i32, i32) {
    %c0_i32 = arith.constant 0 : i32
    %c0_i32_0 = arith.constant 0 : i32
    return %arg0, %c0_i32 : i32, i32
  }
  func.func @transform_3(%arg0: i32) -> (i32, i32, i32) {
    %c0_i32 = arith.constant 0 : i32
    %c0_i32_0 = arith.constant 0 : i32
    %c0_i32_1 = arith.constant 0 : i32
    return %c0_i32, %arg0, %c0_i32_0 : i32, i32, i32
  }
  func.func @transform_4(%arg0: i32) -> (i32, i32) {
    %c0_i32 = arith.constant 0 : i32
    %c0_i32_0 = arith.constant 0 : i32
    %c0_i32_1 = arith.constant 0 : i32
    return %c0_i32, %c0_i32_0 : i32, i32
  }
  func.func @transform_5(%arg0: i32) -> (i32, i32) {
    %c0_i32 = arith.constant 0 : i32
    %c0_i32_0 = arith.constant 0 : i32
    %c0_i32_1 = arith.constant 0 : i32
    return %c0_i32, %c0_i32_0 : i32, i32
  }
  func.func @transform_6(%arg0: i32) -> (i32, i32) {
    %c0_i32 = arith.constant 0 : i32
    %c0_i32_0 = arith.constant 0 : i32
    return %arg0, %c0_i32 : i32, i32
  }
}

module attributes {stable_mosaic.version = 14 : i64} {
  func.func @_tc3_body(%arg0: i32, %arg1: memref<2x1000x64xf32, #tpu.memory_space<vmem>>, %arg2: memref<1000x64xf32, #tpu.memory_space<vmem>>, %arg3: memref<2x1000x64xf32, #tpu.memory_space<vmem>>, %arg4: memref<1x64xf32, #tpu.memory_space<vmem>>, %arg5: memref<1000x64xf32, #tpu.memory_space<vmem>>) attributes {dimension_semantics = [#tpu.dimension_semantics<arbitrary>], iteration_bounds = array<i64: 10>, scalar_prefetch = 0 : i64, scratch_operands = 0 : i64, tpu.core_type = #tpu.core_type<tc>, window_params = [{transform_indices = @transform_0, window_bounds = array<i64: 2, 1000, 64>}, {transform_indices = @transform_1, window_bounds = array<i64: 1000, 64>}, {transform_indices = @transform_2, window_bounds = array<i64: 2, 1000, 64>}, {pipeline_mode = #tpu.pipeline_mode<synchronous>, transform_indices = @transform_3, window_bounds = array<i64: 1, 64>}, {transform_indices = @transform_4, window_bounds = array<i64: 1000, 64>}]} {
    %get3A = arith.constant 0 : index
    %get3A_0 = arith.constant 0 : index
    %get3A_1 = arith.constant 0 : index
    %get3A_2 = vector.load %arg3[%get3A, %get3A_0, %get3A_1] : memref<2x1000x64xf32, #tpu.memory_space<vmem>>, vector<1x1000x1xf32>
    %get3A_3 = vector.shape_cast %get3A_2 : vector<1x1000x1xf32> to vector<1000x1xf32>
    %get3A_4 = arith.constant 1 : index
    %get3A_5 = arith.constant 0 : index
    %get3A_6 = arith.constant 0 : index
    %get3A_7 = vector.load %arg3[%get3A_4, %get3A_5, %get3A_6] : memref<2x1000x64xf32, #tpu.memory_space<vmem>>, vector<1x1000x1xf32>
    %get3A_8 = vector.shape_cast %get3A_7 : vector<1x1000x1xf32> to vector<1000x1xf32>
    %add3A = arith.addf %get3A_3, %get3A_8 : vector<1000x1xf32>
    %add3A_9 = arith.constant 1.000000e+00 : f32
    %add3A_10 = vector.broadcast %add3A_9 : f32 to vector<1000x1xf32>
    %add3A_11 = arith.addf %add3A, %add3A_10 : vector<1000x1xf32>
    %rsqrt3A = math.rsqrt %add3A_11 : vector<1000x1xf32>
    %get3A_12 = arith.constant 0 : index
    %get3A_13 = arith.constant 0 : index
    %get3A_14 = arith.constant 0 : index
    %get3A_15 = vector.load %arg1[%get3A_12, %get3A_13, %get3A_14] : memref<2x1000x64xf32, #tpu.memory_space<vmem>>, vector<1x1000x64xf32>
    %get3A_16 = vector.shape_cast %get3A_15 : vector<1x1000x64xf32> to vector<1000x64xf32>
    %get3A_17 = arith.constant 1 : index
    %get3A_18 = arith.constant 0 : index
    %get3A_19 = arith.constant 0 : index
    %get3A_20 = vector.load %arg1[%get3A_17, %get3A_18, %get3A_19] : memref<2x1000x64xf32, #tpu.memory_space<vmem>>, vector<1x1000x64xf32>
    %get3A_21 = vector.shape_cast %get3A_20 : vector<1x1000x64xf32> to vector<1000x64xf32>
    %add3A_22 = arith.addf %get3A_16, %get3A_21 : vector<1000x64xf32>
    %get3A_23 = arith.constant 0 : index
    %get3A_24 = arith.constant 0 : index
    %get3A_25 = vector.load %arg2[%get3A_23, %get3A_24] : memref<1000x64xf32, #tpu.memory_space<vmem>>, vector<1000x64xf32>
    %add3A_26 = arith.addf %add3A_22, %get3A_25 : vector<1000x64xf32>
    %mul3A = vector.broadcast %rsqrt3A : vector<1000x1xf32> to vector<1000x64xf32>
    %mul3A_27 = arith.mulf %add3A_26, %mul3A : vector<1000x64xf32>
    %get3A_28 = arith.constant 0 : index
    %get3A_29 = arith.constant 0 : index
    %get3A_30 = vector.load %arg4[%get3A_28, %get3A_29] : memref<1x64xf32, #tpu.memory_space<vmem>>, vector<1x64xf32>
    %add3A_31 = vector.broadcast %get3A_30 : vector<1x64xf32> to vector<1000x64xf32>
    %add3A_32 = arith.addf %mul3A_27, %add3A_31 : vector<1000x64xf32>
    %iota3A = tpu.iota {dimensions = array<i32: 1>} : vector<1000x64xi32>
    %lt3A = arith.constant 40 : i32
    %lt3A_33 = vector.broadcast %lt3A : i32 to vector<1000x64xi32>
    %lt3A_34 = arith.cmpi slt, %iota3A, %lt3A_33 : vector<1000x64xi32>
    %jit3A = arith.constant -1.000000e+30 : f32
    %broadcast_in_dim3A = vector.broadcast %jit3A : f32 to vector<1000x64xf32>
    %select_n3A = arith.select %lt3A_34, %add3A_32, %broadcast_in_dim3A : vector<1000x64xi1>, vector<1000x64xf32>
    %reduce_max3A = arith.constant dense<0xFF800000> : vector<1000xf32>
    %reduce_max3A_35 = vector.multi_reduction <maximumf>, %select_n3A, %reduce_max3A [1] : vector<1000x64xf32> to vector<1000xf32>
    %broadcast_in_dim3A_36 = vector.shape_cast %reduce_max3A_35 : vector<1000xf32> to vector<1000x1xf32>
    %sub3A = vector.broadcast %broadcast_in_dim3A_36 : vector<1000x1xf32> to vector<1000x64xf32>
    %sub3A_37 = arith.subf %add3A_32, %sub3A : vector<1000x64xf32>
    %exp3A = math.exp %sub3A_37 : vector<1000x64xf32>
    %jit3A_38 = arith.constant 0.000000e+00 : f32
    %broadcast_in_dim3A_39 = vector.broadcast %jit3A_38 : f32 to vector<1000x64xf32>
    %select_n3A_40 = arith.select %lt3A_34, %exp3A, %broadcast_in_dim3A_39 : vector<1000x64xi1>, vector<1000x64xf32>
    %reduce_sum3A = arith.constant dense<0.000000e+00> : vector<1000xf32>
    %reduce_sum3A_41 = vector.multi_reduction <add>, %select_n3A_40, %reduce_sum3A [1] : vector<1000x64xf32> to vector<1000xf32>
    %broadcast_in_dim3A_42 = vector.shape_cast %reduce_sum3A_41 : vector<1000xf32> to vector<1000x1xf32>
    %log3A = math.log %broadcast_in_dim3A_42 : vector<1000x1xf32>
    %add3A_43 = arith.addf %log3A, %broadcast_in_dim3A_36 : vector<1000x1xf32>
    %sub3A_44 = vector.broadcast %add3A_43 : vector<1000x1xf32> to vector<1000x64xf32>
    %sub3A_45 = arith.subf %add3A_32, %sub3A_44 : vector<1000x64xf32>
    %swap3A = arith.constant 0 : index
    %swap3A_46 = arith.constant 0 : index
    %swap3A_47 = vector.load %arg5[%swap3A, %swap3A_46] : memref<1000x64xf32, #tpu.memory_space<vmem>>, vector<1000x64xf32>
    tpu.vector_store %arg5[%swap3A, %swap3A_46], %sub3A_45 {strides = array<i32>} : memref<1000x64xf32, #tpu.memory_space<vmem>>, vector<1000x64xf32>,
    return
  }
  func.func @transform_0(%arg0: i32) -> (i32, i32, i32) {
    %c0_i32 = arith.constant 0 : i32
    %c0_i32_0 = arith.constant 0 : i32
    %c0_i32_1 = arith.constant 0 : i32
    return %c0_i32, %arg0, %c0_i32_0 : i32, i32, i32
  }
  func.func @transform_1(%arg0: i32) -> (i32, i32) {
    %c0_i32 = arith.constant 0 : i32
    %c0_i32_0 = arith.constant 0 : i32
    return %arg0, %c0_i32 : i32, i32
  }
  func.func @transform_2(%arg0: i32) -> (i32, i32, i32) {
    %c0_i32 = arith.constant 0 : i32
    %c0_i32_0 = arith.constant 0 : i32
    %c0_i32_1 = arith.constant 0 : i32
    return %c0_i32, %arg0, %c0_i32_0 : i32, i32, i32
  }
  func.func @transform_3(%arg0: i32) -> (i32, i32) {
    %c0_i32 = arith.constant 0 : i32
    %c0_i32_0 = arith.constant 0 : i32
    %c0_i32_1 = arith.constant 0 : i32
    return %c0_i32, %c0_i32_0 : i32, i32
  }
  func.func @transform_4(%arg0: i32) -> (i32, i32) {
    %c0_i32 = arith.constant 0 : i32
    %c0_i32_0 = arith.constant 0 : i32
    return %arg0, %c0_i32 : i32, i32
  }
}

</mosaic_0001>

<sc_bundles>
// kernel: kernel.12.cloned.1.call-start
scs
__scs_entry_jumppad:
0x0: {  	(pc) =	sbr.rel $0x88, $3  }
0x1: {  	(tag) =	ssettag $0x0;
	lr =	simm.s32 $0x1  }
0x2: {  	[smem:$0x3F9B] =	sst lr;
	_ =	strace $0xD0000000  }
0x3: {  	_ = 	snop  }
0x4: {  	_ = 	snop  }
0x5: {  	_ = 	snop  }
0x6: {  	_ = 	snop  }
0x7: {  	_ = 	snop  }
__scs_overlays_trampoline_lowered:
0x8: {  	[smem:$0x3FAA] =	sst s0  }
0x9: {  	[smem:$0x3FAB] =	sst s1  }
0xa: {  	[smem:$0x3FAC] =	sst s2  }
0xb: {  	[smem:$0x3FAD] =	sst s3  }
0xc: {  	[smem:$0x3FAE] =	sst s4  }
0xd: {  	[smem:$0x3FAF] =	sst s5  }
0xe: {  	[smem:$0x3FB0] =	sst s6  }
0xf: {  	[smem:$0x3FB1] =	sst s7  }
0x10: {  	[smem:$0x3FB2] =	sst s8  }
0x11: {  	[smem:$0x3FB3] =	sst s9;
	s0 =	simm.s32 @!p0 $0x0  }
0x12: {  	s1 =	sld [smem:$0x3F99];
	s0 =	simm.s32 @p0 $0x1  }
0x13: {  	[smem:$0x3FB4] =	sst s0;
	s0 =	simm.s32 @!p1 $0x0  }
0x14: {  	s2 =	sld [smem:$0x3F98];
	s0 =	simm.s32 @p1 $0x1  }
0x15: {  	[smem:$0x3FB5] =	sst s0;
	s0 =	simm.s32 @!p2 $0x0  }
0x16: {  	s3 =	sld [smem:$0x3FDB];
	s0 =	simm.s32 @p2 $0x1  }
0x17: {  	s4 =	simm.s32 $0x1BF5;
	[smem:$0x3FB7] =	sst s0  }
0x18: {  	s0 =	sld [smem:$0x3F9A];
	_ =	swait.ge [sflag:s4], $0x0  }
0x19: {  	s7 =	sld [smem:$0x3F9B]  }
0x1a: {  	s8 =	sadd.s32 $0xFFFFE003, lr  }
0x1b: {  	s9 =	sadd.s32 $0xFFFFFEF7, lr;
	s5 =	simm.s32 $0xFFFFFFFF;
	p2 =	slt.u32 s8, $0xFFFFF086  }
0x1c: {  	p1 =	slt.u32 s9, $0xF7A;
	s5 =	simm.s32 @!p2 $0x0  }
0x1d: {  	s5 =	simm.s32 @p1 $0x1;
	p0 =	seq.s32 s7, s2  }
0x1e: {  	s7 =	smul.u32 @!p0 $0xF7A, s2;
	p2 =	seq.s32 @!p0 s5, $0x0  }
0x1f: {  	s9 =	smul.u32 $0xF7A, s1;
	s8 =	simm.s32 @!p0 $0x1BF5;
	p2 =	por !p2, p0  }
0x20: {  	[sflag:s8] =	ssyncset.s32 @!p0 $0xFFFFF086;
	s6 =	sadd.s32 @!p0 s3, s7;
	s7 =	simm.s32 @!p0 $0x108  }
0x21: {  	s3 =	sadd.s32 s3, s9;
	s6 =	sadd.s32 @!p0 $0x88, s6;
	s7 =	simm.s32 @p2 $0x1082  }
0x22: {  	[simem:s7], [sflag:s8] =	dma.local @!p0 [hbm:s6], $0xF7A  }
0x23: {  	s9 =	sor.u32 $0xD0000000, s2;
	s6 =	simm.s32 $0x108;
	_ =	swait.ge @!p0 [sflag:s8], $0x0  }
0x24: {  	s3 =	sadd.s32 $0x88, s3;
	s6 =	simm.s32 @!p1 $0x1082;
	[sflag:s4] =	ssyncset.s32 $0xFFFFF086  }
0x25: {  	[simem:s6], [sflag:s4] =	dma.local [hbm:s3], $0xF7A  }
0x26: {  	[smem:$0x3F9B] =	sst s1;
	(tag) =	ssettag s2;
	_ =	strace s9  }
0x27: {  	s1 =	sld [smem:$0x3FAB]  }
0x28: {  	s2 =	sld [smem:$0x3FAC]  }
0x29: {  	s4 =	sld [smem:$0x3FAE]  }
0x2a: {  	p0 =	seq.s32 s5, $0x0;
	s5 =	sld [smem:$0x3FAF]  }
0x2b: {  	s6 =	sld [smem:$0x3FB0]  }
0x2c: {  	s7 =	sld [smem:$0x3FB1]  }
0x2d: {  	s3 =	simm.s32 $0x108;
	s8 =	sld [smem:$0x3FB2]  }
0x2e: {  	s3 =	simm.s32 @!p0 $0x1082;
	s9 =	sld [smem:$0x3FB3]  }
0x2f: {  	lr =	sadd.s32 s0, s3;
	s0 =	sld [smem:$0x3FAA]  }
0x30: {  	s3 =	sld [smem:$0x3FAD]  }
0x31: {  	[smem:$0x3FB6] =	sst s10  }
0x32: {  	s10 =	sld [smem:$0x3FB4];
	_ =	sdelay $0x3  }
0x33: {  	p0 =	seq.s32 s10, $0x1;
	s10 =	sld [smem:$0x3FB6];
	_ =	sdelay $0x3  }
0x34: {  	[smem:$0x3FB6] =	sst s10  }
0x35: {  	s10 =	sld [smem:$0x3FB5];
	_ =	sdelay $0x3  }
0x36: {  	p1 =	seq.s32 s10, $0x1;
	s10 =	sld [smem:$0x3FB6];
	_ =	sdelay $0x3  }
0x37: {  	[smem:$0x3FB6] =	sst s10  }
0x38: {  	s10 =	sld [smem:$0x3FB7]  }
0x39: {  	_ = 	snop;
	(pc) =	sbr.ind lr, $3  }
0x3a: {  	_ = 	snop  }
0x3b: {  	_ = 	snop  }
0x3c: {  	p2 =	seq.s32 s10, $0x1;
	s10 =	sld [smem:$0x3FB6]  }
0x3d: {  	_ =	shalt  }
0x3e: {  	_ =	shalt  }
0x3f: {  	_ =	shalt  }
0x40: {  	_ =	shalt  }
0x41: {  	_ =	shalt  }
0x42: {  	_ =	shalt  }
0x43: {  	_ =	shalt  }
0x44: {  	_ =	shalt  }
0x45: {  	_ =	shalt  }
0x46: {  	_ =	shalt  }
0x47: {  	_ =	shalt  }
0x48: {  	_ =	shalt  }
0x49: {  	_ =	shalt  }
0x4a: {  	_ =	shalt  }
0x4b: {  	_ =	shalt  }
0x4c: {  	_ =	shalt  }
0x4d: {  	_ =	shalt  }
0x4e: {  	_ =	shalt  }
0x4f: {  	_ =	shalt  }
0x50: {  	_ =	shalt  }
0x51: {  	_ =	shalt  }
0x52: {  	_ =	shalt  }
0x53: {  	_ =	shalt  }
0x54: {  	_ =	shalt  }
0x55: {  	_ =	shalt  }
0x56: {  	_ =	shalt  }
0x57: {  	_ =	shalt  }
0x58: {  	_ =	shalt  }
0x59: {  	_ =	shalt  }
0x5a: {  	_ =	shalt  }
0x5b: {  	_ =	shalt  }
0x5c: {  	_ =	shalt  }
0x5d: {  	_ =	shalt  }
0x5e: {  	_ =	shalt  }
0x5f: {  	_ =	shalt  }
0x60: {  	_ =	shalt  }
0x61: {  	_ =	shalt  }
0x62: {  	_ =	shalt  }
0x63: {  	_ =	shalt  }
0x64: {  	_ =	shalt  }
0x65: {  	_ =	shalt  }
0x66: {  	_ =	shalt  }
0x67: {  	_ =	shalt  }
0x68: {  	_ =	shalt  }
0x69: {  	_ =	shalt  }
0x6a: {  	_ =	shalt  }
0x6b: {  	_ =	shalt  }
0x6c: {  	_ =	shalt  }
0x6d: {  	_ =	shalt  }
0x6e: {  	_ =	shalt  }
0x6f: {  	_ =	shalt  }
0x70: {  	_ =	shalt  }
0x71: {  	_ =	shalt  }
0x72: {  	_ =	shalt  }
0x73: {  	_ =	shalt  }
0x74: {  	_ =	shalt  }
0x75: {  	_ =	shalt  }
0x76: {  	_ =	shalt  }
0x77: {  	_ =	shalt  }
0x78: {  	_ =	shalt  }
0x79: {  	_ =	shalt  }
0x7a: {  	_ =	shalt  }
0x7b: {  	_ =	shalt  }
0x7c: {  	_ =	shalt  }
0x7d: {  	_ =	shalt  }
0x7e: {  	_ =	shalt  }
0x7f: {  	_ =	shalt  }
0x80: {  	_ =	shalt  }
0x81: {  	_ =	shalt  }
0x82: {  	_ =	shalt  }
0x83: {  	_ =	shalt  }
0x84: {  	_ =	shalt  }
0x85: {  	_ =	shalt  }
0x86: {  	_ =	shalt  }
0x87: {  	_ =	shalt  }
.Lfunc_end0:
.L_simem_size_0:
called_computation.1_lowered:
.L_overlay_start_0:
0x88: {  	s2 =	sld [smem:$0x3FD9]  }
0x89: {  	s3 =	sld [smem:$0x3FFE];
	_ =	sdelay $0x1  }
0x8a: {  	s1 =	srdreg.scid  }
0x8b: {  	s0 =	sand.u32 $0x1, s1  }
0x8c: {  	s17 =	sshll.u32 s0, $0xA;
	s2 =	sadd.s32 s3, s2  }
0x8d: {  	s2 =	sadd.s32 s2, s17  }
0x8e: {  	[smem:$0x3FC2] =	sst s2  }
0x8f: {  	_ = 	snop  }
0x90: {  	(tm) =	ssettm $0x1  }
0x91: {  	s18 =	sld [smem:$0x3FFB];
	_ =	sdelay $0x3  }
0x92: {  	_ =	strace s18  }
0x93: {  	s2 =	sld [smem:$0x3FFC];
	_ =	sdelay $0x3  }
0x94: {  	_ =	strace s2  }
0x95: {  	s2 =	sld [smem:$0x3FFD];
	_ =	sdelay $0x3  }
0x96: {  	_ =	strace s2  }
0x97: {  	_ =	strace $0x8FFFFFFF  }
0x98: {  	s19 =	sld [smem:$0x3FDB];
	_ =	sdelay $0x1  }
0x99: {  	s20 =	simm.s32 $_scs_section_size  }
0x9a: {  	s4 =	simm.s32 $_size__tile_overlayer_lowered;
	s5 =	simm.s32 $_tile_overlayer_lowered  }
0x9b: {  	s6 =	simm.s32 $0x1BFF;
	s21 =	sshll.u32 s5, $0x1;
	s3 =	sadd.s32 s20, s19  }
0x9c: {  	s22 =	simm.s32 $0x0;
	s4 =	sshll.u32 s4, $0x1;
	s5 =	sadd.s32 s21, s3  }
0x9d: {  	[timem:s22], [sflag:s6] =	dma.local [hbm:s5], s4  }
0x9e: {  	_ =	swait.ge [sflag:s6], s4  }
0x9f: {  	s4 =	ssub.s32 $0x0, s4;
	[sflag:s6] =	ssyncset.done $0x0  }
0xa0: {  	[sflag:s6] =	ssyncadd.s32 s4;
	_ =	sdelay $0x1  }
0xa1: {  	s23 =	simm.s32 $0x1B8B  }
0xa2: {  	_ =	swait.ge [sflag:s23], $0x1  }
0xa3: {  	[sflag:s23] =	ssyncset.done $0x0  }
0xa4: {  	[sflag:s23] =	ssyncadd.s32 $0xFFFFFFFF  }
0xa5: {  	s4 =	sld [smem:$0x0]  }
0xa6: {  	s5 =	sand.u32 $0xFFFFFFFE, s1  }
0xa7: {  	p0 =	sne.s32 s1, s5  }
0xa8: {  	s5 =	sshll.u32 @p0 s5, $0xE  }
0xa9: {  	s5 =	sadd.s32 @p0 $0x11B8D, s5;
	s6 =	sshll.u32 @p0 s4, $0x11  }
0xaa: {  	s5 =	sor.u32 @p0 s6, s5  }
0xab: {  	[sflag:s5] =	ssyncadd.remote.s32 @p0 $0x1;
	_ =	sdelay $0x1  }
0xac: {  	s5 =	simm.s32 @p0 $0x1B8D  }
0xad: {  	_ =	swait.eq @p0 [sflag:s5], $0x1  }
0xae: {  	[sflag:s5] =	ssyncadd.s32 @p0 $0xFFFFFFFF  }
0xaf: {  	s6 =	sshll.u32 @!p0 s1, $0xE  }
0xb0: {  	s6 =	sor.u32 @!p0 $0x4000, s6;
	s5 =	simm.s32 @!p0 $0x1B8D  }
0xb1: {  	s4 =	sshll.u32 @!p0 s4, $0x11;
	s6 =	sadd.s32 @!p0 $0x11B8D, s6;
	_ =	swait.eq @!p0 [sflag:s5], $0x1  }
0xb2: {  	s4 =	sor.u32 @!p0 s4, s6;
	[sflag:s5] =	ssyncadd.s32 @!p0 $0xFFFFFFFF  }
0xb3: {  	s25 =	simm.s32 $0x1B8E;
	s24 =	sld [smem:$0x3FFE];
	[sflag:s4] =	ssyncadd.remote.s32 @!p0 $0x1  }
0xb4: {  	s26 =	simm.s32 $execute0_lowered;
	[smem:$0x3FD2] =	sst s25  }
0xb5: {  	s5 =	sshll.u32 s26, $0x1;
	_ =	strace $0x8000004C;
	[dreg:$0x1] =	wrdreg $0xFFFFFFFF  }
0xb6: {  	s28 =	simm.s32 $_size_execute0_lowered;
	s3 =	sadd.s32 s3, s5;
	[dreg:$0x0] =	wrdreg $0x0  }
0xb7: {  	s5 =	sshll.u32 s28, $0x1;
	[dreg:$0x2] =	wrdreg s3  }
0xb8: {  	[dreg:$0x3] =	wrdreg s5  }
0xb9: {  	[dreg:$0x4] =	wrdreg $0xC0  }
0xba: {  	_ =	task [dreg:s22], $0x5FFFF  }
0xbb: {  	[dreg:$0x1] =	wrdreg $0xFFFFFFFF  }
0xbc: {  	[dreg:$0x0] =	wrdreg $0x60  }
0xbd: {  	[dreg:$0x2] =	wrdreg s24  }
0xbe: {  	[dreg:$0x3] =	wrdreg $0x104400  }
0xbf: {  	[dreg:$0x4] =	wrdreg $0x68000  }
0xc0: {  	[dreg:$0x5] =	wrdreg $0x9  }
0xc1: {  	_ =	task.clear_ibuf [dreg:s22], $0x6FFFF;
	_ =	strace $0x9000004C  }
0xc2: {  	s29 =	simm.s32 $0x9;
	_ =	strace $0x8000004E  }
0xc3: {  	_ =	swait.ge [sflag:s29], $0x1  }
0xc4: {  	[sflag:s29] =	ssyncadd.s32 $0xFFFFFFFF  }
0xc5: {  	_ =	strace $0x9000004E  }
0xc6: {  	_ =	sfence  }
0xc7: {  	s30 =	sld [smem:$0x0];
	_ =	sdelay $0x2  }
0xc8: {  	s31 =	sshll.u32 s1, $0xD;
	s1 =	sshrl.u32 s1, $0x2  }
0xc9: {  	s4 =	sand.u32 $0x4000, s31;
	s1 =	sadd.s32 s1, s30  }
0xca: {  	s0 =	sor.u32 s4, s0;
	s1 =	sshll.u32 s1, $0x11  }
0xcb: {  	s0 =	sor.u32 s1, s0  }
0xcc: {  	s0 =	sadd.s32 $0x8F2B, s0  }
0xcd: {  	[sflag:s0] =	ssyncadd.remote.s32 $0x1  }
0xce: {  	_ =	sfence.sel $0xFFFF  }
0xcf: {  	[dreg:$0x0] =	wrdreg $0xFFFFFFFF;
	(pc) =	sbr.abs _section_cstart, $3  }
0xd0: {  	[dreg:$0x1] =	wrdreg $0xFFFFFFFF  }
0xd1: {  	_ =	task.clear_ibuf [dreg:s22], $0x2FFFF;
	_ =	strace $0x9FFFFFFF  }
0xd2: {  	(tm) =	ssettm $0x7FFFFFFF  }
0xd3: {  	_ =	shalt  }
tec
execute0_lowered:
.L_overlay_start_1:
0x0: {  	(tag) =	ssettag $0x1  }
0x1: {  	s5 =	rddreg [dreg:$0x0]  }
0x2: {  	s0 =	stileid.u32;
	s2 =	rddreg [dreg:$0x1]  }
0x3: {  	s1 =	srdreg.scid;
	s3 =	rddreg [dreg:$0x2];
	s4 =	simm.s32 $0x0  }
0x4: {  	s17 =	simm.s32 $0x100;
	s18 =	simm.s32 $0x4800;
	s19 =	simm.s32 $0x1  }
0x5: {  	s20 =	simm.s32 $0x2;
	s21 =	simm.s32 $0x2480;
	s7 =	smul.u32 $0x9C40, s0  }
0x6: {  	s22 =	simm.s32 $0x2600;
	s23 =	simm.s32 $0x2580;
	s8 =	smul.u32 $0xA0, s0  }
0x7: {  	s24 =	simm.s32 $0x2700;
	s6 =	sand.u32 $0x1, s1;
	s10 =	smul.u32 $0x9E00, s0  }
0x8: {  	s28 =	simm.s32 $0x0;
	s1 =	rddreg [dreg:$0x3];
	s9 =	smul.u32 $0x50, s6  }
0x9: {  	[smem:$0x7FF] =	sst s4;
	s31 =	sshll.u32 s0, $0x6;
	s25 =	smul.u32 $0x9E000, s6  }
0xa: {  	_ =	strace $0x8000004D;
	s6 =	ssub.s32 $0x2, s6;
	s11 =	sshrl.u32 s7, $0x3  }
0xb: {  	s29 =	sshrl.u32 s10, $0x3;
	s30 =	sshrl.u32 s6, $0x1;
	s15 =	sadd.s32 s10, s2  }
0xc: {  	s16 =	sadd.s32 s7, s3;
	s8 =	sadd.s32 s9, s8;
	s11 =	sadd.s32 s11, s5  }
0xd: {  	s26 =	sadd.s32 s10, s25;
	s9 =	sadd.s32 s29, s5;
	s14 =	ssub.s32 s6, s30  }
0xe: {  	s6 =	sor.u32 $0x1C03, s31;
	s25 =	simm.s32 $0x2680;
	s8 =	sshll.u32 s8, $0x5  }
0xf: {  	s7 =	sadd.s32 $0xDB600, s11;
	s11 =	smax.u32 s14, $0x1;
	s14 =	sshrl.u32 s16, $0x3  }
0x10: {  	s16 =	simm.s32 $0x2800;
	s12 =	sadd.s32 s8, s5;
	s8 =	sshrl.u32 s26, $0x3  }
0x11: {  	s26 =	simm.s32 $0x2780;
	s13 =	sadd.s32 s8, s5;
	s5 =	sadd.s32 $0x16600, s9  }
0x12: {  	s8 =	sadd.s32 $0x2600, s12;
	s9 =	sadd.s32 $0x2B00, s12;
	s12 =	sshrl.u32 s15, $0x3  }
0x13: {  	s15 =	simm.s32 $0x80;
	s10 =	sadd.s32 $0xEF000, s13;
	s13 =	simm.s32 $0x3  }
.LBB2_1:
0x14: {  	[spmem:s12], [sflag:s6] =	dma.local [hbm:s5], $0x13C0  }
0x15: {  	_ =	swait.ge [sflag:s13], $0x13C0  }
0x16: {  	[sflag:s13] =	ssyncset.done $0x0  }
0x17: {  	[sflag:s13] =	ssyncadd.s32 $0xFFFFEC40  }
0x18: {  	[spmem:s14], [sflag:s6] =	dma.local [hbm:s7], $0x1388  }
0x19: {  	_ =	swait.ge [sflag:s13], $0x1388  }
0x1a: {  	[sflag:s13] =	ssyncset.done $0x0  }
0x1b: {  	[sflag:s13] =	ssyncadd.s32 $0xFFFFEC78  }
0x1c: {  	[bflag:$0x0] =	sbarrier.arrive $0xFFFF  }
0x1d: {  	[tilespmem:s4], [sflag:$0x3] =	stream.linear.gather [hbm4b:s8+s4], $0x2800, $0x38;
	[tilespmem:$0x1A240] =	vst v63  }
0x1e: {  	_ =	swait.ge [sflag:s13], $0x2800  }
0x1f: {  	[sflag:s13] =	ssyncset.done $0x0  }
0x20: {  	[sflag:s13] =	ssyncadd.s32 $0xFFFFD800  }
0x21: {  	[tilespmem:s16], [sflag:$0x1] =	stream.indirect.gather [spmem:s3], $0x40, s4, s15, $0xb8;
	[tilespmem:$0x1A240] =	vst v63  }
0x22: {  	_ = 	snop  }
0x23: {  	[tilespmem:s18], [sflag:$0x2] =	stream.indirect.gather [spmem:s3], $0x40, s17, s15, $0xb8;
	[tilespmem:$0x1A240] =	vst v63  }
0x24: {  	_ =	swait.ge [sflag:s19], $0x2000  }
0x25: {  	[sflag:s19] =	ssyncset.done $0x0  }
0x26: {  	s29 =	simm.s32 $0x80;
	[sflag:s19] =	ssyncadd.s32 $0xFFFFE000  }
0x27: {  	[spmem:s2] =	stream.indirect.scatter.add.f32 [tilespmem:s16], [sflag:$0x3], $0x40, s29, s15, $0xb8;
	[tilespmem:$0x1A240] =	vst v63  }
0x28: {  	_ =	swait.ge [sflag:s13], $0x2000  }
0x29: {  	[sflag:s13] =	ssyncset.done $0x0  }
0x2a: {  	s29 =	simm.s32 $0x200;
	[sflag:s13] =	ssyncadd.s32 $0xFFFFE000  }
0x2b: {  	[tilespmem:s16], [sflag:$0x1] =	stream.indirect.gather [spmem:s3], $0x40, s29, s15, $0xb8;
	[tilespmem:$0x1A240] =	vst v63  }
0x2c: {  	_ =	swait.ge [sflag:s20], $0x2000  }
0x2d: {  	[sflag:s20] =	ssyncset.done $0x0  }
0x2e: {  	s29 =	simm.s32 $0x180;
	[sflag:s20] =	ssyncadd.s32 $0xFFFFE000  }
0x2f: {  	[spmem:s2] =	stream.indirect.scatter.add.f32 [tilespmem:s18], [sflag:$0x3], $0x40, s29, s15, $0xb8;
	[tilespmem:$0x1A240] =	vst v63  }
0x30: {  	_ =	swait.ge [sflag:s13], $0x2000  }
0x31: {  	[sflag:s13] =	ssyncset.done $0x0  }
0x32: {  	s30 =	simm.s32 $0x300;
	s29 =	simm.s32 $0xFFFF7800;
	[sflag:s13] =	ssyncadd.s32 $0xFFFFE000  }
.LBB2_2:
0x33: {  	[tilespmem:s18], [sflag:$0x2] =	stream.indirect.gather [spmem:s3], $0x40, s30, s15, $0xb8;
	[tilespmem:$0x1A240] =	vst v63  }
0x34: {  	s30 =	smov.u32 s29  }
0x35: {  	p0 =	sne.s32 s29, $0xFFFFF800;
	s29 =	sadd.s32 $0x800, s29;
	_ =	swait.ge [sflag:s19], $0x2000  }
0x36: {  	s30 =	sshra.s32 s30, $0x2;
	[sflag:s19] =	ssyncset.done $0x0  }
0x37: {  	s31 =	sadd.s32 $0x2480, s30;
	[sflag:s19] =	ssyncadd.s32 $0xFFFFE000  }
0x38: {  	[spmem:s2] =	stream.indirect.scatter.add.f32 [tilespmem:s16], [sflag:$0x3], $0x40, s31, s15, $0xb8;
	[tilespmem:$0x1A240] =	vst v63  }
0x39: {  	_ =	swait.ge [sflag:s13], $0x2000  }
0x3a: {  	[sflag:s13] =	ssyncset.done $0x0  }
0x3b: {  	s31 =	sadd.s32 $0x2600, s30;
	[sflag:s13] =	ssyncadd.s32 $0xFFFFE000  }
0x3c: {  	[tilespmem:s16], [sflag:$0x1] =	stream.indirect.gather [spmem:s3], $0x40, s31, s15, $0xb8;
	[tilespmem:$0x1A240] =	vst v63  }
0x3d: {  	_ =	swait.ge [sflag:s20], $0x2000  }
0x3e: {  	[sflag:s20] =	ssyncset.done $0x0  }
.Ltmp0:
0x3f: {  	s31 =	sadd.s32 $0x2580, s30;
	[sflag:s20] =	ssyncadd.s32 $0xFFFFE000;
	(pc) =	sbr.rel @p0 .LBB2_2-.Ltmp0, $4  }
0x40: {  	[spmem:s2] =	stream.indirect.scatter.add.f32 [tilespmem:s18], [sflag:$0x3], $0x40, s31, s15, $0xb8;
	[tilespmem:$0x1A240] =	vst v63  }
0x41: {  	_ =	swait.ge [sflag:s13], $0x2000  }
0x42: {  	[sflag:s13] =	ssyncset.done $0x0  }
0x43: {  	s30 =	sadd.s32 $0x2700, s30;
	[sflag:s13] =	ssyncadd.s32 $0xFFFFE000  }
0x44: {  	[tilespmem:s18], [sflag:$0x2] =	stream.indirect.gather [spmem:s3], $0x40, s30, s15, $0xb8;
	[tilespmem:$0x1A240] =	vst v63  }
0x45: {  	_ =	swait.ge [sflag:s19], $0x2000  }
0x46: {  	[sflag:s19] =	ssyncset.done $0x0  }
0x47: {  	[sflag:s19] =	ssyncadd.s32 $0xFFFFE000  }
0x48: {  	[spmem:s2] =	stream.indirect.scatter.add.f32 [tilespmem:s16], [sflag:$0x3], $0x40, s21, s15, $0xb8;
	[tilespmem:$0x1A240] =	vst v63  }
0x49: {  	_ =	swait.ge [sflag:s13], $0x2000  }
0x4a: {  	[sflag:s13] =	ssyncset.done $0x0  }
0x4b: {  	[sflag:s13] =	ssyncadd.s32 $0xFFFFE000  }
0x4c: {  	[tilespmem:s16], [sflag:$0x1] =	stream.indirect.gather [spmem:s3], $0x40, s22, s15, $0xb8;
	[tilespmem:$0x1A240] =	vst v63  }
0x4d: {  	_ =	swait.ge [sflag:s20], $0x2000  }
0x4e: {  	[sflag:s20] =	ssyncset.done $0x0  }
0x4f: {  	[sflag:s20] =	ssyncadd.s32 $0xFFFFE000  }
0x50: {  	[spmem:s2] =	stream.indirect.scatter.add.f32 [tilespmem:s18], [sflag:$0x3], $0x40, s23, s15, $0xb8;
	[tilespmem:$0x1A240] =	vst v63  }
0x51: {  	_ =	swait.ge [sflag:s13], $0x2000  }
0x52: {  	[sflag:s13] =	ssyncset.done $0x0  }
0x53: {  	[sflag:s13] =	ssyncadd.s32 $0xFFFFE000  }
0x54: {  	[tilespmem:s18], [sflag:$0x2] =	stream.indirect.gather [spmem:s3], $0x40, s24, s15, $0xb8;
	[tilespmem:$0x1A240] =	vst v63  }
0x55: {  	_ =	swait.ge [sflag:s19], $0x2000  }
0x56: {  	[sflag:s19] =	ssyncset.done $0x0  }
0x57: {  	[sflag:s19] =	ssyncadd.s32 $0xFFFFE000  }
0x58: {  	[spmem:s2] =	stream.indirect.scatter.add.f32 [tilespmem:s16], [sflag:$0x3], $0x40, s25, s15, $0xb8;
	[tilespmem:$0x1A240] =	vst v63  }
0x59: {  	_ =	swait.ge [sflag:s13], $0x2000  }
0x5a: {  	[sflag:s13] =	ssyncset.done $0x0  }
0x5b: {  	[sflag:s13] =	ssyncadd.s32 $0xFFFFE000  }
0x5c: {  	[tilespmem:s16], [sflag:$0x1] =	stream.indirect.gather [spmem:s3], $0x40, s24, s15, $0xb8;
	[tilespmem:$0x1A240] =	vst v63  }
0x5d: {  	_ =	swait.ge [sflag:s20], $0x2000  }
0x5e: {  	[sflag:s20] =	ssyncset.done $0x0  }
0x5f: {  	[sflag:s20] =	ssyncadd.s32 $0xFFFFE000  }
0x60: {  	[spmem:s2] =	stream.indirect.scatter.add.f32 [tilespmem:s18], [sflag:$0x3], $0x40, s26, s15, $0xb8;
	[tilespmem:$0x1A240] =	vst v63  }
0x61: {  	_ =	swait.ge [sflag:s13], $0x2000  }
0x62: {  	[sflag:s13] =	ssyncset.done $0x0  }
0x63: {  	[sflag:s13] =	ssyncadd.s32 $0xFFFFE000  }
0x64: {  	[tilespmem:s18], [sflag:$0x2] =	stream.indirect.gather [spmem:s3], $0x40, s24, s15, $0xb8;
	[tilespmem:$0x1A240] =	vst v63  }
0x65: {  	_ =	swait.ge [sflag:s19], $0x2000  }
0x66: {  	[sflag:s19] =	ssyncset.done $0x0  }
0x67: {  	[sflag:s19] =	ssyncadd.s32 $0xFFFFE000  }
0x68: {  	_ =	swait.ge [sflag:s20], $0x2000  }
0x69: {  	[sflag:s20] =	ssyncset.done $0x0  }
0x6a: {  	[sflag:s20] =	ssyncadd.s32 $0xFFFFE000  }
0x6b: {  	[tilespmem:s4], [sflag:$0x3] =	stream.linear.gather [hbm4b:s9+s4], $0x2800, $0x38;
	[tilespmem:$0x1A240] =	vst v63  }
0x6c: {  	_ =	swait.ge [sflag:s13], $0x2800  }
0x6d: {  	[sflag:s13] =	ssyncset.done $0x0  }
0x6e: {  	[sflag:s13] =	ssyncadd.s32 $0xFFFFD800  }
0x6f: {  	[tilespmem:s16], [sflag:$0x1] =	stream.indirect.gather [spmem:s3], $0x40, s4, s15, $0xb8;
	[tilespmem:$0x1A240] =	vst v63  }
0x70: {  	_ = 	snop  }
0x71: {  	[tilespmem:s18], [sflag:$0x2] =	stream.indirect.gather [spmem:s3], $0x40, s17, s15, $0xb8;
	[tilespmem:$0x1A240] =	vst v63  }
0x72: {  	_ =	swait.ge [sflag:s19], $0x2000  }
0x73: {  	[sflag:s19] =	ssyncset.done $0x0  }
0x74: {  	s29 =	simm.s32 $0x80;
	[sflag:s19] =	ssyncadd.s32 $0xFFFFE000  }
0x75: {  	[spmem:s2] =	stream.indirect.scatter.add.f32 [tilespmem:s16], [sflag:$0x3], $0x40, s29, s15, $0xb8;
	[tilespmem:$0x1A240] =	vst v63  }
0x76: {  	_ =	swait.ge [sflag:s13], $0x2000  }
0x77: {  	[sflag:s13] =	ssyncset.done $0x0  }
0x78: {  	s29 =	simm.s32 $0x200;
	[sflag:s13] =	ssyncadd.s32 $0xFFFFE000  }
0x79: {  	[tilespmem:s16], [sflag:$0x1] =	stream.indirect.gather [spmem:s3], $0x40, s29, s15, $0xb8;
	[tilespmem:$0x1A240] =	vst v63  }
0x7a: {  	_ =	swait.ge [sflag:s20], $0x2000  }
0x7b: {  	[sflag:s20] =	ssyncset.done $0x0  }
0x7c: {  	s29 =	simm.s32 $0x180;
	[sflag:s20] =	ssyncadd.s32 $0xFFFFE000  }
0x7d: {  	[spmem:s2] =	stream.indirect.scatter.add.f32 [tilespmem:s18], [sflag:$0x3], $0x40, s29, s15, $0xb8;
	[tilespmem:$0x1A240] =	vst v63  }
0x7e: {  	_ =	swait.ge [sflag:s13], $0x2000  }
0x7f: {  	[sflag:s13] =	ssyncset.done $0x0  }
0x80: {  	s30 =	simm.s32 $0x300;
	s29 =	simm.s32 $0xFFFF7800;
	[sflag:s13] =	ssyncadd.s32 $0xFFFFE000  }
.LBB2_4:
0x81: {  	[tilespmem:s18], [sflag:$0x2] =	stream.indirect.gather [spmem:s3], $0x40, s30, s15, $0xb8;
	[tilespmem:$0x1A240] =	vst v63  }
0x82: {  	s30 =	smov.u32 s29  }
0x83: {  	p0 =	sne.s32 s29, $0xFFFFF800;
	s29 =	sadd.s32 $0x800, s29;
	_ =	swait.ge [sflag:s19], $0x2000  }
0x84: {  	s30 =	sshra.s32 s30, $0x2;
	[sflag:s19] =	ssyncset.done $0x0  }
0x85: {  	s31 =	sadd.s32 $0x2480, s30;
	[sflag:s19] =	ssyncadd.s32 $0xFFFFE000  }
0x86: {  	[spmem:s2] =	stream.indirect.scatter.add.f32 [tilespmem:s16], [sflag:$0x3], $0x40, s31, s15, $0xb8;
	[tilespmem:$0x1A240] =	vst v63  }
0x87: {  	_ =	swait.ge [sflag:s13], $0x2000  }
0x88: {  	[sflag:s13] =	ssyncset.done $0x0  }
0x89: {  	s31 =	sadd.s32 $0x2600, s30;
	[sflag:s13] =	ssyncadd.s32 $0xFFFFE000  }
0x8a: {  	[tilespmem:s16], [sflag:$0x1] =	stream.indirect.gather [spmem:s3], $0x40, s31, s15, $0xb8;
	[tilespmem:$0x1A240] =	vst v63  }
0x8b: {  	_ =	swait.ge [sflag:s20], $0x2000  }
0x8c: {  	[sflag:s20] =	ssyncset.done $0x0  }
.Ltmp1:
0x8d: {  	s31 =	sadd.s32 $0x2580, s30;
	[sflag:s20] =	ssyncadd.s32 $0xFFFFE000;
	(pc) =	sbr.rel @p0 .LBB2_4-.Ltmp1, $4  }
0x8e: {  	[spmem:s2] =	stream.indirect.scatter.add.f32 [tilespmem:s18], [sflag:$0x3], $0x40, s31, s15, $0xb8;
	[tilespmem:$0x1A240] =	vst v63  }
0x8f: {  	_ =	swait.ge [sflag:s13], $0x2000  }
0x90: {  	[sflag:s13] =	ssyncset.done $0x0  }
0x91: {  	s30 =	sadd.s32 $0x2700, s30;
	[sflag:s13] =	ssyncadd.s32 $0xFFFFE000  }
0x92: {  	[tilespmem:s18], [sflag:$0x2] =	stream.indirect.gather [spmem:s3], $0x40, s30, s15, $0xb8;
	[tilespmem:$0x1A240] =	vst v63  }
0x93: {  	_ =	swait.ge [sflag:s19], $0x2000  }
0x94: {  	[sflag:s19] =	ssyncset.done $0x0  }
0x95: {  	[sflag:s19] =	ssyncadd.s32 $0xFFFFE000  }
0x96: {  	[spmem:s2] =	stream.indirect.scatter.add.f32 [tilespmem:s16], [sflag:$0x3], $0x40, s21, s15, $0xb8;
	[tilespmem:$0x1A240] =	vst v63  }
0x97: {  	_ =	swait.ge [sflag:s13], $0x2000  }
0x98: {  	[sflag:s13] =	ssyncset.done $0x0  }
0x99: {  	[sflag:s13] =	ssyncadd.s32 $0xFFFFE000  }
0x9a: {  	[tilespmem:s16], [sflag:$0x1] =	stream.indirect.gather [spmem:s3], $0x40, s22, s15, $0xb8;
	[tilespmem:$0x1A240] =	vst v63  }
0x9b: {  	_ =	swait.ge [sflag:s20], $0x2000  }
0x9c: {  	[sflag:s20] =	ssyncset.done $0x0  }
0x9d: {  	[sflag:s20] =	ssyncadd.s32 $0xFFFFE000  }
0x9e: {  	[spmem:s2] =	stream.indirect.scatter.add.f32 [tilespmem:s18], [sflag:$0x3], $0x40, s23, s15, $0xb8;
	[tilespmem:$0x1A240] =	vst v63  }
0x9f: {  	_ =	swait.ge [sflag:s13], $0x2000  }
0xa0: {  	[sflag:s13] =	ssyncset.done $0x0  }
0xa1: {  	[sflag:s13] =	ssyncadd.s32 $0xFFFFE000  }
0xa2: {  	[tilespmem:s18], [sflag:$0x2] =	stream.indirect.gather [spmem:s3], $0x40, s24, s15, $0xb8;
	[tilespmem:$0x1A240] =	vst v63  }
0xa3: {  	_ =	swait.ge [sflag:s19], $0x2000  }
0xa4: {  	[sflag:s19] =	ssyncset.done $0x0  }
0xa5: {  	[sflag:s19] =	ssyncadd.s32 $0xFFFFE000  }
0xa6: {  	[spmem:s2] =	stream.indirect.scatter.add.f32 [tilespmem:s16], [sflag:$0x3], $0x40, s25, s15, $0xb8;
	[tilespmem:$0x1A240] =	vst v63  }
0xa7: {  	_ =	swait.ge [sflag:s13], $0x2000  }
0xa8: {  	[sflag:s13] =	ssyncset.done $0x0  }
0xa9: {  	[sflag:s13] =	ssyncadd.s32 $0xFFFFE000  }
0xaa: {  	[tilespmem:s16], [sflag:$0x1] =	stream.indirect.gather [spmem:s3], $0x40, s24, s15, $0xb8;
	[tilespmem:$0x1A240] =	vst v63  }
0xab: {  	_ =	swait.ge [sflag:s20], $0x2000  }
0xac: {  	[sflag:s20] =	ssyncset.done $0x0  }
0xad: {  	[sflag:s20] =	ssyncadd.s32 $0xFFFFE000  }
0xae: {  	[spmem:s2] =	stream.indirect.scatter.add.f32 [tilespmem:s18], [sflag:$0x3], $0x40, s26, s15, $0xb8;
	[tilespmem:$0x1A240] =	vst v63  }
0xaf: {  	_ =	swait.ge [sflag:s13], $0x2000  }
0xb0: {  	[sflag:s13] =	ssyncset.done $0x0  }
0xb1: {  	[sflag:s13] =	ssyncadd.s32 $0xFFFFE000  }
0xb2: {  	[tilespmem:s18], [sflag:$0x2] =	stream.indirect.gather [spmem:s3], $0x40, s24, s15, $0xb8;
	[tilespmem:$0x1A240] =	vst v63  }
0xb3: {  	_ =	swait.ge [sflag:s19], $0x2000  }
0xb4: {  	[sflag:s19] =	ssyncset.done $0x0  }
0xb5: {  	[sflag:s19] =	ssyncadd.s32 $0xFFFFE000  }
0xb6: {  	_ =	swait.ge [sflag:s20], $0x2000  }
0xb7: {  	s28 =	sadd.s32 $0x1, s28;
	[sflag:s20] =	ssyncset.done $0x0  }
0xb8: {  	p0 =	sne.s32 s28, s11;
	[sflag:s20] =	ssyncadd.s32 $0xFFFFE000  }
.Ltmp2:
0xb9: {  	[bflag:$0x0] =	sbarrier.arrive $0xFFFF;
	(pc) =	sbr.rel @p0 .LBB2_1-.Ltmp2, $4  }
0xba: {  	[hbm:s10], [sflag:s6] =	dma.local [spmem:s12], $0x13C0  }
0xbb: {  	_ =	swait.ge [sflag:s13], $0x13C0  }
0xbc: {  	[sflag:s13] =	ssyncset.done $0x0  }
0xbd: {  	[sflag:s13] =	ssyncadd.s32 $0xFFFFEC40  }
0xbe: {  	_ =	sfence.sel $0x180000  }
0xbf: {  	[bflag:$0x0] =	sbarrier.arrive $0xFFFF  }
0xc0: {  	p0 =	sne.s32 s0, $0x0;
	_ =	strace $0x9000004D  }
0xc1: {  	s0 =	sadd.s32 @!p0 $0x100000, s1;
	[bflag:$0x2] =	sbarrier.arrive $0xFFFF  }
0xc2: {  	[sflag:s0] =	ssyncadd.tile.s32 @!p0 $0x1;
	_ =	shalt  }
.Lfunc_end2:
_tile_overlayer_lowered:
.L_overlay_start_2:
0xc3: {  	(tag) =	ssettag $0x2  }
0xc4: {  	s0 =	rddreg [dreg:$0x0];
	s2 =	stileid.u32  }
0xc5: {  	s1 =	rddreg [dreg:$0x1];
	p0 =	sne.s32 s2, $0x0  }
0xc6: {  	s3 =	rddreg [dreg:$0x2];
	[bflag:$0x3] =	sbarrier.arrive $0xFFFF;
	s2 =	simm.s32 @!p0 $0x1C03  }
0xc7: {  	[timem:s3], [sflag:s2] =	dma.local @!p0 [hbm:s0], s1  }
0xc8: {  	s0 =	simm.s32 @!p0 $0x3  }
0xc9: {  	_ =	swait.ge @!p0 [sflag:s0], s1  }
0xca: {  	s1 =	ssub.s32 @!p0 $0x0, s1;
	[sflag:s0] =	ssyncset.done @!p0 $0x0  }
0xcb: {  	[sflag:s0] =	ssyncadd.s32 @!p0 s1  }
0xcc: {  	[bflag:$0x3] =	sbarrier.arrive $0xFFFF  }
0xcd: {  	_ =	shalt  }

// kernel: kernel.15.cloned.1.call-start
scs
__scs_entry_jumppad:
0x0: {  	(pc) =	sbr.rel $0x88, $3  }
0x1: {  	(tag) =	ssettag $0x0;
	lr =	simm.s32 $0x1  }
0x2: {  	[smem:$0x3F9B] =	sst lr;
	_ =	strace $0xD0000000  }
0x3: {  	_ = 	snop  }
0x4: {  	_ = 	snop  }
0x5: {  	_ = 	snop  }
0x6: {  	_ = 	snop  }
0x7: {  	_ = 	snop  }
__scs_overlays_trampoline_lowered:
0x8: {  	[smem:$0x3FAA] =	sst s0  }
0x9: {  	[smem:$0x3FAB] =	sst s1  }
0xa: {  	[smem:$0x3FAC] =	sst s2  }
0xb: {  	[smem:$0x3FAD] =	sst s3  }
0xc: {  	[smem:$0x3FAE] =	sst s4  }
0xd: {  	[smem:$0x3FAF] =	sst s5  }
0xe: {  	[smem:$0x3FB0] =	sst s6  }
0xf: {  	[smem:$0x3FB1] =	sst s7  }
0x10: {  	[smem:$0x3FB2] =	sst s8  }
0x11: {  	[smem:$0x3FB3] =	sst s9;
	s0 =	simm.s32 @!p0 $0x0  }
0x12: {  	s1 =	sld [smem:$0x3F99];
	s0 =	simm.s32 @p0 $0x1  }
0x13: {  	[smem:$0x3FB4] =	sst s0;
	s0 =	simm.s32 @!p1 $0x0  }
0x14: {  	s2 =	sld [smem:$0x3F98];
	s0 =	simm.s32 @p1 $0x1  }
0x15: {  	[smem:$0x3FB5] =	sst s0;
	s0 =	simm.s32 @!p2 $0x0  }
0x16: {  	s3 =	sld [smem:$0x3FDB];
	s0 =	simm.s32 @p2 $0x1  }
0x17: {  	s4 =	simm.s32 $0x1BF5;
	[smem:$0x3FB7] =	sst s0  }
0x18: {  	s0 =	sld [smem:$0x3F9A];
	_ =	swait.ge [sflag:s4], $0x0  }
0x19: {  	s7 =	sld [smem:$0x3F9B]  }
0x1a: {  	s8 =	sadd.s32 $0xFFFFE003, lr  }
0x1b: {  	s9 =	sadd.s32 $0xFFFFFEF7, lr;
	s5 =	simm.s32 $0xFFFFFFFF;
	p2 =	slt.u32 s8, $0xFFFFF086  }
0x1c: {  	p1 =	slt.u32 s9, $0xF7A;
	s5 =	simm.s32 @!p2 $0x0  }
0x1d: {  	s5 =	simm.s32 @p1 $0x1;
	p0 =	seq.s32 s7, s2  }
0x1e: {  	s7 =	smul.u32 @!p0 $0xF7A, s2;
	p2 =	seq.s32 @!p0 s5, $0x0  }
0x1f: {  	s9 =	smul.u32 $0xF7A, s1;
	s8 =	simm.s32 @!p0 $0x1BF5;
	p2 =	por !p2, p0  }
0x20: {  	[sflag:s8] =	ssyncset.s32 @!p0 $0xFFFFF086;
	s6 =	sadd.s32 @!p0 s3, s7;
	s7 =	simm.s32 @!p0 $0x108  }
0x21: {  	s3 =	sadd.s32 s3, s9;
	s6 =	sadd.s32 @!p0 $0x88, s6;
	s7 =	simm.s32 @p2 $0x1082  }
0x22: {  	[simem:s7], [sflag:s8] =	dma.local @!p0 [hbm:s6], $0xF7A  }
0x23: {  	s9 =	sor.u32 $0xD0000000, s2;
	s6 =	simm.s32 $0x108;
	_ =	swait.ge @!p0 [sflag:s8], $0x0  }
0x24: {  	s3 =	sadd.s32 $0x88, s3;
	s6 =	simm.s32 @!p1 $0x1082;
	[sflag:s4] =	ssyncset.s32 $0xFFFFF086  }
0x25: {  	[simem:s6], [sflag:s4] =	dma.local [hbm:s3], $0xF7A  }
0x26: {  	[smem:$0x3F9B] =	sst s1;
	(tag) =	ssettag s2;
	_ =	strace s9  }
0x27: {  	s1 =	sld [smem:$0x3FAB]  }
0x28: {  	s2 =	sld [smem:$0x3FAC]  }
0x29: {  	s4 =	sld [smem:$0x3FAE]  }
0x2a: {  	p0 =	seq.s32 s5, $0x0;
	s5 =	sld [smem:$0x3FAF]  }
0x2b: {  	s6 =	sld [smem:$0x3FB0]  }
0x2c: {  	s7 =	sld [smem:$0x3FB1]  }
0x2d: {  	s3 =	simm.s32 $0x108;
	s8 =	sld [smem:$0x3FB2]  }
0x2e: {  	s3 =	simm.s32 @!p0 $0x1082;
	s9 =	sld [smem:$0x3FB3]  }
0x2f: {  	lr =	sadd.s32 s0, s3;
	s0 =	sld [smem:$0x3FAA]  }
0x30: {  	s3 =	sld [smem:$0x3FAD]  }
0x31: {  	[smem:$0x3FB6] =	sst s10  }
0x32: {  	s10 =	sld [smem:$0x3FB4];
	_ =	sdelay $0x3  }
0x33: {  	p0 =	seq.s32 s10, $0x1;
	s10 =	sld [smem:$0x3FB6];
	_ =	sdelay $0x3  }
0x34: {  	[smem:$0x3FB6] =	sst s10  }
0x35: {  	s10 =	sld [smem:$0x3FB5];
	_ =	sdelay $0x3  }
0x36: {  	p1 =	seq.s32 s10, $0x1;
	s10 =	sld [smem:$0x3FB6];
	_ =	sdelay $0x3  }
0x37: {  	[smem:$0x3FB6] =	sst s10  }
0x38: {  	s10 =	sld [smem:$0x3FB7]  }
0x39: {  	_ = 	snop;
	(pc) =	sbr.ind lr, $3  }
0x3a: {  	_ = 	snop  }
0x3b: {  	_ = 	snop  }
0x3c: {  	p2 =	seq.s32 s10, $0x1;
	s10 =	sld [smem:$0x3FB6]  }
0x3d: {  	_ =	shalt  }
0x3e: {  	_ =	shalt  }
0x3f: {  	_ =	shalt  }
0x40: {  	_ =	shalt  }
0x41: {  	_ =	shalt  }
0x42: {  	_ =	shalt  }
0x43: {  	_ =	shalt  }
0x44: {  	_ =	shalt  }
0x45: {  	_ =	shalt  }
0x46: {  	_ =	shalt  }
0x47: {  	_ =	shalt  }
0x48: {  	_ =	shalt  }
0x49: {  	_ =	shalt  }
0x4a: {  	_ =	shalt  }
0x4b: {  	_ =	shalt  }
0x4c: {  	_ =	shalt  }
0x4d: {  	_ =	shalt  }
0x4e: {  	_ =	shalt  }
0x4f: {  	_ =	shalt  }
0x50: {  	_ =	shalt  }
0x51: {  	_ =	shalt  }
0x52: {  	_ =	shalt  }
0x53: {  	_ =	shalt  }
0x54: {  	_ =	shalt  }
0x55: {  	_ =	shalt  }
0x56: {  	_ =	shalt  }
0x57: {  	_ =	shalt  }
0x58: {  	_ =	shalt  }
0x59: {  	_ =	shalt  }
0x5a: {  	_ =	shalt  }
0x5b: {  	_ =	shalt  }
0x5c: {  	_ =	shalt  }
0x5d: {  	_ =	shalt  }
0x5e: {  	_ =	shalt  }
0x5f: {  	_ =	shalt  }
0x60: {  	_ =	shalt  }
0x61: {  	_ =	shalt  }
0x62: {  	_ =	shalt  }
0x63: {  	_ =	shalt  }
0x64: {  	_ =	shalt  }
0x65: {  	_ =	shalt  }
0x66: {  	_ =	shalt  }
0x67: {  	_ =	shalt  }
0x68: {  	_ =	shalt  }
0x69: {  	_ =	shalt  }
0x6a: {  	_ =	shalt  }
0x6b: {  	_ =	shalt  }
0x6c: {  	_ =	shalt  }
0x6d: {  	_ =	shalt  }
0x6e: {  	_ =	shalt  }
0x6f: {  	_ =	shalt  }
0x70: {  	_ =	shalt  }
0x71: {  	_ =	shalt  }
0x72: {  	_ =	shalt  }
0x73: {  	_ =	shalt  }
0x74: {  	_ =	shalt  }
0x75: {  	_ =	shalt  }
0x76: {  	_ =	shalt  }
0x77: {  	_ =	shalt  }
0x78: {  	_ =	shalt  }
0x79: {  	_ =	shalt  }
0x7a: {  	_ =	shalt  }
0x7b: {  	_ =	shalt  }
0x7c: {  	_ =	shalt  }
0x7d: {  	_ =	shalt  }
0x7e: {  	_ =	shalt  }
0x7f: {  	_ =	shalt  }
0x80: {  	_ =	shalt  }
0x81: {  	_ =	shalt  }
0x82: {  	_ =	shalt  }
0x83: {  	_ =	shalt  }
0x84: {  	_ =	shalt  }
0x85: {  	_ =	shalt  }
0x86: {  	_ =	shalt  }
0x87: {  	_ =	shalt  }
.Lfunc_end0:
.L_simem_size_0:
called_computation.2_lowered:
.L_overlay_start_0:
0x88: {  	s2 =	sld [smem:$0x3FD9]  }
0x89: {  	s3 =	sld [smem:$0x3FFE];
	_ =	sdelay $0x1  }
0x8a: {  	s1 =	srdreg.scid  }
0x8b: {  	s0 =	sand.u32 $0x1, s1  }
0x8c: {  	s16 =	sshll.u32 s0, $0xA;
	s2 =	sadd.s32 s3, s2  }
0x8d: {  	s2 =	sadd.s32 s2, s16  }
0x8e: {  	[smem:$0x3FC2] =	sst s2  }
0x8f: {  	_ = 	snop  }
0x90: {  	(tm) =	ssettm $0x1  }
0x91: {  	s17 =	sld [smem:$0x3FFB];
	_ =	sdelay $0x3  }
0x92: {  	_ =	strace s17  }
0x93: {  	s2 =	sld [smem:$0x3FFC];
	_ =	sdelay $0x3  }
0x94: {  	_ =	strace s2  }
0x95: {  	s2 =	sld [smem:$0x3FFD];
	_ =	sdelay $0x3  }
0x96: {  	_ =	strace s2  }
0x97: {  	_ =	strace $0x8FFFFFFF  }
0x98: {  	s18 =	sld [smem:$0x3FDB];
	_ =	sdelay $0x1  }
0x99: {  	s19 =	simm.s32 $_scs_section_size  }
0x9a: {  	s4 =	simm.s32 $_size__tile_overlayer_lowered;
	s5 =	simm.s32 $_tile_overlayer_lowered  }
0x9b: {  	s22 =	simm.s32 $0x1BFF;
	s21 =	sshll.u32 s5, $0x1;
	s2 =	sadd.s32 s19, s18  }
0x9c: {  	s6 =	simm.s32 $0x0;
	s20 =	sshll.u32 s4, $0x1;
	s4 =	sadd.s32 s21, s2  }
0x9d: {  	[timem:s6], [sflag:s22] =	dma.local [hbm:s4], s20  }
0x9e: {  	_ =	swait.ge [sflag:s22], s20  }
0x9f: {  	s3 =	ssub.s32 $0x0, s20;
	[sflag:s22] =	ssyncset.done $0x0  }
0xa0: {  	[sflag:s22] =	ssyncadd.s32 s3;
	_ =	sdelay $0x1  }
0xa1: {  	s23 =	simm.s32 $0x1B8B  }
0xa2: {  	_ =	swait.ge [sflag:s23], $0x1  }
0xa3: {  	[sflag:s23] =	ssyncset.done $0x0  }
0xa4: {  	s25 =	simm.s32 $0x1B8E;
	s24 =	sld [smem:$0x3FFE];
	[sflag:s23] =	ssyncadd.s32 $0xFFFFFFFF  }
0xa5: {  	s26 =	simm.s32 $execute0_lowered;
	[smem:$0x3FD2] =	sst s25  }
0xa6: {  	s4 =	sshll.u32 s26, $0x1;
	_ =	strace $0x80000049;
	[dreg:$0x1] =	wrdreg $0xFFFFFFFF  }
0xa7: {  	s28 =	simm.s32 $_size_execute0_lowered;
	s2 =	sadd.s32 s2, s4;
	[dreg:$0x0] =	wrdreg $0x0  }
0xa8: {  	s4 =	sshll.u32 s28, $0x1;
	[dreg:$0x2] =	wrdreg s2  }
0xa9: {  	[dreg:$0x3] =	wrdreg s4  }
0xaa: {  	[dreg:$0x4] =	wrdreg $0xC0  }
0xab: {  	_ =	task [dreg:s6], $0x5FFFF  }
0xac: {  	[dreg:$0x1] =	wrdreg $0xFFFFFFFF  }
0xad: {  	[dreg:$0x0] =	wrdreg $0x60  }
0xae: {  	[dreg:$0x2] =	wrdreg s24  }
0xaf: {  	[dreg:$0x3] =	wrdreg $0x104400  }
0xb0: {  	[dreg:$0x4] =	wrdreg $0x68000  }
0xb1: {  	[dreg:$0x5] =	wrdreg $0xA  }
0xb2: {  	_ =	task.clear_ibuf [dreg:s6], $0x6FFFF;
	_ =	strace $0x90000049  }
0xb3: {  	s29 =	simm.s32 $0xA;
	_ =	strace $0x8000004B  }
0xb4: {  	_ =	swait.ge [sflag:s29], $0x1  }
0xb5: {  	[sflag:s29] =	ssyncadd.s32 $0xFFFFFFFF  }
0xb6: {  	_ =	strace $0x9000004B  }
0xb7: {  	_ =	sfence  }
0xb8: {  	s30 =	sld [smem:$0x0];
	_ =	sdelay $0x2  }
0xb9: {  	s31 =	sshll.u32 s1, $0xD;
	s1 =	sshrl.u32 s1, $0x2  }
0xba: {  	s3 =	sand.u32 $0x4000, s31;
	s1 =	sadd.s32 s1, s30  }
0xbb: {  	s0 =	sor.u32 s3, s0;
	s1 =	sshll.u32 s1, $0x11  }
0xbc: {  	s0 =	sor.u32 s1, s0  }
0xbd: {  	s0 =	sadd.s32 $0x8F2B, s0  }
0xbe: {  	[sflag:s0] =	ssyncadd.remote.s32 $0x1  }
0xbf: {  	_ =	sfence.sel $0xFFFF  }
0xc0: {  	[dreg:$0x0] =	wrdreg $0xFFFFFFFF;
	(pc) =	sbr.abs _section_cstart, $3  }
0xc1: {  	[dreg:$0x1] =	wrdreg $0xFFFFFFFF  }
0xc2: {  	_ =	task.clear_ibuf [dreg:s6], $0x2FFFF;
	_ =	strace $0x9FFFFFFF  }
0xc3: {  	(tm) =	ssettm $0x7FFFFFFF  }
tec
execute0_lowered:
.L_overlay_start_1:
0x0: {  	(tag) =	ssettag $0x1  }
0x1: {  	s5 =	rddreg [dreg:$0x0]  }
0x2: {  	s0 =	stileid.u32;
	s2 =	rddreg [dreg:$0x1]  }
0x3: {  	s1 =	srdreg.scid;
	s3 =	rddreg [dreg:$0x2];
	s4 =	simm.s32 $0x0  }
0x4: {  	s17 =	simm.s32 $0x100;
	s18 =	simm.s32 $0x4800;
	s19 =	simm.s32 $0x1  }
0x5: {  	s20 =	simm.s32 $0x2;
	s21 =	simm.s32 $0x2480;
	s7 =	smul.u32 $0x9C40, s0  }
0x6: {  	s22 =	simm.s32 $0x2600;
	s23 =	simm.s32 $0x2580;
	s8 =	smul.u32 $0xA0, s0  }
0x7: {  	s24 =	simm.s32 $0x2700;
	s6 =	sand.u32 $0x1, s1;
	s10 =	smul.u32 $0x9E00, s0  }
0x8: {  	s28 =	simm.s32 $0x0;
	s1 =	rddreg [dreg:$0x3];
	s9 =	smul.u32 $0x50, s6  }
0x9: {  	[smem:$0x7FF] =	sst s4;
	s31 =	sshll.u32 s0, $0x6;
	s25 =	smul.u32 $0x9E000, s6  }
0xa: {  	_ =	strace $0x8000004A;
	s6 =	ssub.s32 $0x2, s6;
	s11 =	sshrl.u32 s7, $0x3  }
0xb: {  	s29 =	sshrl.u32 s10, $0x3;
	s30 =	sshrl.u32 s6, $0x1;
	s15 =	sadd.s32 s10, s2  }
0xc: {  	s16 =	sadd.s32 s7, s3;
	s8 =	sadd.s32 s9, s8;
	s11 =	sadd.s32 s11, s5  }
0xd: {  	s26 =	sadd.s32 s10, s25;
	s9 =	sadd.s32 s29, s5;
	s14 =	ssub.s32 s6, s30  }
0xe: {  	s6 =	sor.u32 $0x1C03, s31;
	s25 =	simm.s32 $0x2680;
	s8 =	sshll.u32 s8, $0x5  }
0xf: {  	s7 =	sadd.s32 $0xA0400, s11;
	s11 =	smax.u32 s14, $0x1;
	s14 =	sshrl.u32 s16, $0x3  }
0x10: {  	s16 =	simm.s32 $0x2800;
	s12 =	sadd.s32 s8, s5;
	s8 =	sshrl.u32 s26, $0x3  }
0x11: {  	s26 =	simm.s32 $0x2780;
	s13 =	sadd.s32 s8, s5;
	s5 =	sadd.s32 $0x16600, s9  }
0x12: {  	s8 =	sadd.s32 $0x2600, s12;
	s9 =	sadd.s32 $0x2B00, s12;
	s12 =	sshrl.u32 s15, $0x3  }
0x13: {  	s15 =	simm.s32 $0x80;
	s10 =	sadd.s32 $0xB3E00, s13;
	s13 =	simm.s32 $0x3  }
.LBB2_1:
0x14: {  	[spmem:s12], [sflag:s6] =	dma.local [hbm:s5], $0x13C0  }
0x15: {  	_ =	swait.ge [sflag:s13], $0x13C0  }
0x16: {  	[sflag:s13] =	ssyncset.done $0x0  }
0x17: {  	[sflag:s13] =	ssyncadd.s32 $0xFFFFEC40  }
0x18: {  	[spmem:s14], [sflag:s6] =	dma.local [hbm:s7], $0x1388  }
0x19: {  	_ =	swait.ge [sflag:s13], $0x1388  }
0x1a: {  	[sflag:s13] =	ssyncset.done $0x0  }
0x1b: {  	[sflag:s13] =	ssyncadd.s32 $0xFFFFEC78  }
0x1c: {  	[bflag:$0x0] =	sbarrier.arrive $0xFFFF  }
0x1d: {  	[tilespmem:s4], [sflag:$0x3] =	stream.linear.gather [hbm4b:s8+s4], $0x2800, $0x38;
	[tilespmem:$0x1A240] =	vst v63  }
0x1e: {  	_ =	swait.ge [sflag:s13], $0x2800  }
0x1f: {  	[sflag:s13] =	ssyncset.done $0x0  }
0x20: {  	[sflag:s13] =	ssyncadd.s32 $0xFFFFD800  }
0x21: {  	[tilespmem:s16], [sflag:$0x1] =	stream.indirect.gather [spmem:s3], $0x40, s4, s15, $0xb8;
	[tilespmem:$0x1A240] =	vst v63  }
0x22: {  	_ = 	snop  }
0x23: {  	[tilespmem:s18], [sflag:$0x2] =	stream.indirect.gather [spmem:s3], $0x40, s17, s15, $0xb8;
	[tilespmem:$0x1A240] =	vst v63  }
0x24: {  	_ =	swait.ge [sflag:s19], $0x2000  }
0x25: {  	[sflag:s19] =	ssyncset.done $0x0  }
0x26: {  	s29 =	simm.s32 $0x80;
	[sflag:s19] =	ssyncadd.s32 $0xFFFFE000  }
0x27: {  	[spmem:s2] =	stream.indirect.scatter.add.f32 [tilespmem:s16], [sflag:$0x3], $0x40, s29, s15, $0xb8;
	[tilespmem:$0x1A240] =	vst v63  }
0x28: {  	_ =	swait.ge [sflag:s13], $0x2000  }
0x29: {  	[sflag:s13] =	ssyncset.done $0x0  }
0x2a: {  	s29 =	simm.s32 $0x200;
	[sflag:s13] =	ssyncadd.s32 $0xFFFFE000  }
0x2b: {  	[tilespmem:s16], [sflag:$0x1] =	stream.indirect.gather [spmem:s3], $0x40, s29, s15, $0xb8;
	[tilespmem:$0x1A240] =	vst v63  }
0x2c: {  	_ =	swait.ge [sflag:s20], $0x2000  }
0x2d: {  	[sflag:s20] =	ssyncset.done $0x0  }
0x2e: {  	s29 =	simm.s32 $0x180;
	[sflag:s20] =	ssyncadd.s32 $0xFFFFE000  }
0x2f: {  	[spmem:s2] =	stream.indirect.scatter.add.f32 [tilespmem:s18], [sflag:$0x3], $0x40, s29, s15, $0xb8;
	[tilespmem:$0x1A240] =	vst v63  }
0x30: {  	_ =	swait.ge [sflag:s13], $0x2000  }
0x31: {  	[sflag:s13] =	ssyncset.done $0x0  }
0x32: {  	s30 =	simm.s32 $0x300;
	s29 =	simm.s32 $0xFFFF7800;
	[sflag:s13] =	ssyncadd.s32 $0xFFFFE000  }
.LBB2_2:
0x33: {  	[tilespmem:s18], [sflag:$0x2] =	stream.indirect.gather [spmem:s3], $0x40, s30, s15, $0xb8;
	[tilespmem:$0x1A240] =	vst v63  }
0x34: {  	s30 =	smov.u32 s29  }
0x35: {  	p0 =	sne.s32 s29, $0xFFFFF800;
	s29 =	sadd.s32 $0x800, s29;
	_ =	swait.ge [sflag:s19], $0x2000  }
0x36: {  	s30 =	sshra.s32 s30, $0x2;
	[sflag:s19] =	ssyncset.done $0x0  }
0x37: {  	s31 =	sadd.s32 $0x2480, s30;
	[sflag:s19] =	ssyncadd.s32 $0xFFFFE000  }
0x38: {  	[spmem:s2] =	stream.indirect.scatter.add.f32 [tilespmem:s16], [sflag:$0x3], $0x40, s31, s15, $0xb8;
	[tilespmem:$0x1A240] =	vst v63  }
0x39: {  	_ =	swait.ge [sflag:s13], $0x2000  }
0x3a: {  	[sflag:s13] =	ssyncset.done $0x0  }
0x3b: {  	s31 =	sadd.s32 $0x2600, s30;
	[sflag:s13] =	ssyncadd.s32 $0xFFFFE000  }
0x3c: {  	[tilespmem:s16], [sflag:$0x1] =	stream.indirect.gather [spmem:s3], $0x40, s31, s15, $0xb8;
	[tilespmem:$0x1A240] =	vst v63  }
0x3d: {  	_ =	swait.ge [sflag:s20], $0x2000  }
0x3e: {  	[sflag:s20] =	ssyncset.done $0x0  }
.Ltmp0:
0x3f: {  	s31 =	sadd.s32 $0x2580, s30;
	[sflag:s20] =	ssyncadd.s32 $0xFFFFE000;
	(pc) =	sbr.rel @p0 .LBB2_2-.Ltmp0, $4  }
0x40: {  	[spmem:s2] =	stream.indirect.scatter.add.f32 [tilespmem:s18], [sflag:$0x3], $0x40, s31, s15, $0xb8;
	[tilespmem:$0x1A240] =	vst v63  }
0x41: {  	_ =	swait.ge [sflag:s13], $0x2000  }
0x42: {  	[sflag:s13] =	ssyncset.done $0x0  }
0x43: {  	s30 =	sadd.s32 $0x2700, s30;
	[sflag:s13] =	ssyncadd.s32 $0xFFFFE000  }
0x44: {  	[tilespmem:s18], [sflag:$0x2] =	stream.indirect.gather [spmem:s3], $0x40, s30, s15, $0xb8;
	[tilespmem:$0x1A240] =	vst v63  }
0x45: {  	_ =	swait.ge [sflag:s19], $0x2000  }
0x46: {  	[sflag:s19] =	ssyncset.done $0x0  }
0x47: {  	[sflag:s19] =	ssyncadd.s32 $0xFFFFE000  }
0x48: {  	[spmem:s2] =	stream.indirect.scatter.add.f32 [tilespmem:s16], [sflag:$0x3], $0x40, s21, s15, $0xb8;
	[tilespmem:$0x1A240] =	vst v63  }
0x49: {  	_ =	swait.ge [sflag:s13], $0x2000  }
0x4a: {  	[sflag:s13] =	ssyncset.done $0x0  }
0x4b: {  	[sflag:s13] =	ssyncadd.s32 $0xFFFFE000  }
0x4c: {  	[tilespmem:s16], [sflag:$0x1] =	stream.indirect.gather [spmem:s3], $0x40, s22, s15, $0xb8;
	[tilespmem:$0x1A240] =	vst v63  }
0x4d: {  	_ =	swait.ge [sflag:s20], $0x2000  }
0x4e: {  	[sflag:s20] =	ssyncset.done $0x0  }
0x4f: {  	[sflag:s20] =	ssyncadd.s32 $0xFFFFE000  }
0x50: {  	[spmem:s2] =	stream.indirect.scatter.add.f32 [tilespmem:s18], [sflag:$0x3], $0x40, s23, s15, $0xb8;
	[tilespmem:$0x1A240] =	vst v63  }
0x51: {  	_ =	swait.ge [sflag:s13], $0x2000  }
0x52: {  	[sflag:s13] =	ssyncset.done $0x0  }
0x53: {  	[sflag:s13] =	ssyncadd.s32 $0xFFFFE000  }
0x54: {  	[tilespmem:s18], [sflag:$0x2] =	stream.indirect.gather [spmem:s3], $0x40, s24, s15, $0xb8;
	[tilespmem:$0x1A240] =	vst v63  }
0x55: {  	_ =	swait.ge [sflag:s19], $0x2000  }
0x56: {  	[sflag:s19] =	ssyncset.done $0x0  }
0x57: {  	[sflag:s19] =	ssyncadd.s32 $0xFFFFE000  }
0x58: {  	[spmem:s2] =	stream.indirect.scatter.add.f32 [tilespmem:s16], [sflag:$0x3], $0x40, s25, s15, $0xb8;
	[tilespmem:$0x1A240] =	vst v63  }
0x59: {  	_ =	swait.ge [sflag:s13], $0x2000  }
0x5a: {  	[sflag:s13] =	ssyncset.done $0x0  }
0x5b: {  	[sflag:s13] =	ssyncadd.s32 $0xFFFFE000  }
0x5c: {  	[tilespmem:s16], [sflag:$0x1] =	stream.indirect.gather [spmem:s3], $0x40, s24, s15, $0xb8;
	[tilespmem:$0x1A240] =	vst v63  }
0x5d: {  	_ =	swait.ge [sflag:s20], $0x2000  }
0x5e: {  	[sflag:s20] =	ssyncset.done $0x0  }
0x5f: {  	[sflag:s20] =	ssyncadd.s32 $0xFFFFE000  }
0x60: {  	[spmem:s2] =	stream.indirect.scatter.add.f32 [tilespmem:s18], [sflag:$0x3], $0x40, s26, s15, $0xb8;
	[tilespmem:$0x1A240] =	vst v63  }
0x61: {  	_ =	swait.ge [sflag:s13], $0x2000  }
0x62: {  	[sflag:s13] =	ssyncset.done $0x0  }
0x63: {  	[sflag:s13] =	ssyncadd.s32 $0xFFFFE000  }
0x64: {  	[tilespmem:s18], [sflag:$0x2] =	stream.indirect.gather [spmem:s3], $0x40, s24, s15, $0xb8;
	[tilespmem:$0x1A240] =	vst v63  }
0x65: {  	_ =	swait.ge [sflag:s19], $0x2000  }
0x66: {  	[sflag:s19] =	ssyncset.done $0x0  }
0x67: {  	[sflag:s19] =	ssyncadd.s32 $0xFFFFE000  }
0x68: {  	_ =	swait.ge [sflag:s20], $0x2000  }
0x69: {  	[sflag:s20] =	ssyncset.done $0x0  }
0x6a: {  	[sflag:s20] =	ssyncadd.s32 $0xFFFFE000  }
0x6b: {  	[tilespmem:s4], [sflag:$0x3] =	stream.linear.gather [hbm4b:s9+s4], $0x2800, $0x38;
	[tilespmem:$0x1A240] =	vst v63  }
0x6c: {  	_ =	swait.ge [sflag:s13], $0x2800  }
0x6d: {  	[sflag:s13] =	ssyncset.done $0x0  }
0x6e: {  	[sflag:s13] =	ssyncadd.s32 $0xFFFFD800  }
0x6f: {  	[tilespmem:s16], [sflag:$0x1] =	stream.indirect.gather [spmem:s3], $0x40, s4, s15, $0xb8;
	[tilespmem:$0x1A240] =	vst v63  }
0x70: {  	_ = 	snop  }
0x71: {  	[tilespmem:s18], [sflag:$0x2] =	stream.indirect.gather [spmem:s3], $0x40, s17, s15, $0xb8;
	[tilespmem:$0x1A240] =	vst v63  }
0x72: {  	_ =	swait.ge [sflag:s19], $0x2000  }
0x73: {  	[sflag:s19] =	ssyncset.done $0x0  }
0x74: {  	s29 =	simm.s32 $0x80;
	[sflag:s19] =	ssyncadd.s32 $0xFFFFE000  }
0x75: {  	[spmem:s2] =	stream.indirect.scatter.add.f32 [tilespmem:s16], [sflag:$0x3], $0x40, s29, s15, $0xb8;
	[tilespmem:$0x1A240] =	vst v63  }
0x76: {  	_ =	swait.ge [sflag:s13], $0x2000  }
0x77: {  	[sflag:s13] =	ssyncset.done $0x0  }
0x78: {  	s29 =	simm.s32 $0x200;
	[sflag:s13] =	ssyncadd.s32 $0xFFFFE000  }
0x79: {  	[tilespmem:s16], [sflag:$0x1] =	stream.indirect.gather [spmem:s3], $0x40, s29, s15, $0xb8;
	[tilespmem:$0x1A240] =	vst v63  }
0x7a: {  	_ =	swait.ge [sflag:s20], $0x2000  }
0x7b: {  	[sflag:s20] =	ssyncset.done $0x0  }
0x7c: {  	s29 =	simm.s32 $0x180;
	[sflag:s20] =	ssyncadd.s32 $0xFFFFE000  }
0x7d: {  	[spmem:s2] =	stream.indirect.scatter.add.f32 [tilespmem:s18], [sflag:$0x3], $0x40, s29, s15, $0xb8;
	[tilespmem:$0x1A240] =	vst v63  }
0x7e: {  	_ =	swait.ge [sflag:s13], $0x2000  }
0x7f: {  	[sflag:s13] =	ssyncset.done $0x0  }
0x80: {  	s30 =	simm.s32 $0x300;
	s29 =	simm.s32 $0xFFFF7800;
	[sflag:s13] =	ssyncadd.s32 $0xFFFFE000  }
.LBB2_4:
0x81: {  	[tilespmem:s18], [sflag:$0x2] =	stream.indirect.gather [spmem:s3], $0x40, s30, s15, $0xb8;
	[tilespmem:$0x1A240] =	vst v63  }
0x82: {  	s30 =	smov.u32 s29  }
0x83: {  	p0 =	sne.s32 s29, $0xFFFFF800;
	s29 =	sadd.s32 $0x800, s29;
	_ =	swait.ge [sflag:s19], $0x2000  }
0x84: {  	s30 =	sshra.s32 s30, $0x2;
	[sflag:s19] =	ssyncset.done $0x0  }
0x85: {  	s31 =	sadd.s32 $0x2480, s30;
	[sflag:s19] =	ssyncadd.s32 $0xFFFFE000  }
0x86: {  	[spmem:s2] =	stream.indirect.scatter.add.f32 [tilespmem:s16], [sflag:$0x3], $0x40, s31, s15, $0xb8;
	[tilespmem:$0x1A240] =	vst v63  }
0x87: {  	_ =	swait.ge [sflag:s13], $0x2000  }
0x88: {  	[sflag:s13] =	ssyncset.done $0x0  }
0x89: {  	s31 =	sadd.s32 $0x2600, s30;
	[sflag:s13] =	ssyncadd.s32 $0xFFFFE000  }
0x8a: {  	[tilespmem:s16], [sflag:$0x1] =	stream.indirect.gather [spmem:s3], $0x40, s31, s15, $0xb8;
	[tilespmem:$0x1A240] =	vst v63  }
0x8b: {  	_ =	swait.ge [sflag:s20], $0x2000  }
0x8c: {  	[sflag:s20] =	ssyncset.done $0x0  }
.Ltmp1:
0x8d: {  	s31 =	sadd.s32 $0x2580, s30;
	[sflag:s20] =	ssyncadd.s32 $0xFFFFE000;
	(pc) =	sbr.rel @p0 .LBB2_4-.Ltmp1, $4  }
0x8e: {  	[spmem:s2] =	stream.indirect.scatter.add.f32 [tilespmem:s18], [sflag:$0x3], $0x40, s31, s15, $0xb8;
	[tilespmem:$0x1A240] =	vst v63  }
0x8f: {  	_ =	swait.ge [sflag:s13], $0x2000  }
0x90: {  	[sflag:s13] =	ssyncset.done $0x0  }
0x91: {  	s30 =	sadd.s32 $0x2700, s30;
	[sflag:s13] =	ssyncadd.s32 $0xFFFFE000  }
0x92: {  	[tilespmem:s18], [sflag:$0x2] =	stream.indirect.gather [spmem:s3], $0x40, s30, s15, $0xb8;
	[tilespmem:$0x1A240] =	vst v63  }
0x93: {  	_ =	swait.ge [sflag:s19], $0x2000  }
0x94: {  	[sflag:s19] =	ssyncset.done $0x0  }
0x95: {  	[sflag:s19] =	ssyncadd.s32 $0xFFFFE000  }
0x96: {  	[spmem:s2] =	stream.indirect.scatter.add.f32 [tilespmem:s16], [sflag:$0x3], $0x40, s21, s15, $0xb8;
	[tilespmem:$0x1A240] =	vst v63  }
0x97: {  	_ =	swait.ge [sflag:s13], $0x2000  }
0x98: {  	[sflag:s13] =	ssyncset.done $0x0  }
0x99: {  	[sflag:s13] =	ssyncadd.s32 $0xFFFFE000  }
0x9a: {  	[tilespmem:s16], [sflag:$0x1] =	stream.indirect.gather [spmem:s3], $0x40, s22, s15, $0xb8;
	[tilespmem:$0x1A240] =	vst v63  }
0x9b: {  	_ =	swait.ge [sflag:s20], $0x2000  }
0x9c: {  	[sflag:s20] =	ssyncset.done $0x0  }
0x9d: {  	[sflag:s20] =	ssyncadd.s32 $0xFFFFE000  }
0x9e: {  	[spmem:s2] =	stream.indirect.scatter.add.f32 [tilespmem:s18], [sflag:$0x3], $0x40, s23, s15, $0xb8;
	[tilespmem:$0x1A240] =	vst v63  }
0x9f: {  	_ =	swait.ge [sflag:s13], $0x2000  }
0xa0: {  	[sflag:s13] =	ssyncset.done $0x0  }
0xa1: {  	[sflag:s13] =	ssyncadd.s32 $0xFFFFE000  }
0xa2: {  	[tilespmem:s18], [sflag:$0x2] =	stream.indirect.gather [spmem:s3], $0x40, s24, s15, $0xb8;
	[tilespmem:$0x1A240] =	vst v63  }
0xa3: {  	_ =	swait.ge [sflag:s19], $0x2000  }
0xa4: {  	[sflag:s19] =	ssyncset.done $0x0  }
0xa5: {  	[sflag:s19] =	ssyncadd.s32 $0xFFFFE000  }
0xa6: {  	[spmem:s2] =	stream.indirect.scatter.add.f32 [tilespmem:s16], [sflag:$0x3], $0x40, s25, s15, $0xb8;
	[tilespmem:$0x1A240] =	vst v63  }
0xa7: {  	_ =	swait.ge [sflag:s13], $0x2000  }
0xa8: {  	[sflag:s13] =	ssyncset.done $0x0  }
0xa9: {  	[sflag:s13] =	ssyncadd.s32 $0xFFFFE000  }
0xaa: {  	[tilespmem:s16], [sflag:$0x1] =	stream.indirect.gather [spmem:s3], $0x40, s24, s15, $0xb8;
	[tilespmem:$0x1A240] =	vst v63  }
0xab: {  	_ =	swait.ge [sflag:s20], $0x2000  }
0xac: {  	[sflag:s20] =	ssyncset.done $0x0  }
0xad: {  	[sflag:s20] =	ssyncadd.s32 $0xFFFFE000  }
0xae: {  	[spmem:s2] =	stream.indirect.scatter.add.f32 [tilespmem:s18], [sflag:$0x3], $0x40, s26, s15, $0xb8;
	[tilespmem:$0x1A240] =	vst v63  }
0xaf: {  	_ =	swait.ge [sflag:s13], $0x2000  }
0xb0: {  	[sflag:s13] =	ssyncset.done $0x0  }
0xb1: {  	[sflag:s13] =	ssyncadd.s32 $0xFFFFE000  }
0xb2: {  	[tilespmem:s18], [sflag:$0x2] =	stream.indirect.gather [spmem:s3], $0x40, s24, s15, $0xb8;
	[tilespmem:$0x1A240] =	vst v63  }
0xb3: {  	_ =	swait.ge [sflag:s19], $0x2000  }
0xb4: {  	[sflag:s19] =	ssyncset.done $0x0  }
0xb5: {  	[sflag:s19] =	ssyncadd.s32 $0xFFFFE000  }
0xb6: {  	_ =	swait.ge [sflag:s20], $0x2000  }
0xb7: {  	s28 =	sadd.s32 $0x1, s28;
	[sflag:s20] =	ssyncset.done $0x0  }
0xb8: {  	p0 =	sne.s32 s28, s11;
	[sflag:s20] =	ssyncadd.s32 $0xFFFFE000  }
.Ltmp2:
0xb9: {  	[bflag:$0x0] =	sbarrier.arrive $0xFFFF;
	(pc) =	sbr.rel @p0 .LBB2_1-.Ltmp2, $4  }
0xba: {  	[hbm:s10], [sflag:s6] =	dma.local [spmem:s12], $0x13C0  }
0xbb: {  	_ =	swait.ge [sflag:s13], $0x13C0  }
0xbc: {  	[sflag:s13] =	ssyncset.done $0x0  }
0xbd: {  	[sflag:s13] =	ssyncadd.s32 $0xFFFFEC40  }
0xbe: {  	_ =	sfence.sel $0x180000  }
0xbf: {  	[bflag:$0x0] =	sbarrier.arrive $0xFFFF  }
0xc0: {  	p0 =	sne.s32 s0, $0x0;
	_ =	strace $0x9000004A  }
0xc1: {  	s0 =	sadd.s32 @!p0 $0x100000, s1;
	[bflag:$0x2] =	sbarrier.arrive $0xFFFF  }
0xc2: {  	[sflag:s0] =	ssyncadd.tile.s32 @!p0 $0x1;
	_ =	shalt  }
.Lfunc_end2:
_tile_overlayer_lowered:
.L_overlay_start_2:
0xc3: {  	(tag) =	ssettag $0x2  }
0xc4: {  	s0 =	rddreg [dreg:$0x0];
	s2 =	stileid.u32  }
0xc5: {  	s1 =	rddreg [dreg:$0x1];
	p0 =	sne.s32 s2, $0x0  }
0xc6: {  	s3 =	rddreg [dreg:$0x2];
	[bflag:$0x3] =	sbarrier.arrive $0xFFFF;
	s2 =	simm.s32 @!p0 $0x1C03  }
0xc7: {  	[timem:s3], [sflag:s2] =	dma.local @!p0 [hbm:s0], s1  }
0xc8: {  	s0 =	simm.s32 @!p0 $0x3  }
0xc9: {  	_ =	swait.ge @!p0 [sflag:s0], s1  }
0xca: {  	s1 =	ssub.s32 @!p0 $0x0, s1;
	[sflag:s0] =	ssyncset.done @!p0 $0x0  }
0xcb: {  	[sflag:s0] =	ssyncadd.s32 @!p0 s1  }
0xcc: {  	[bflag:$0x3] =	sbarrier.arrive $0xFFFF  }
0xcd: {  	_ =	shalt  }

// kernel: kernel.18.cloned.1.call-start
scs
__scs_entry_jumppad:
0x0: {  	(pc) =	sbr.rel $0x88, $3  }
0x1: {  	(tag) =	ssettag $0x0;
	lr =	simm.s32 $0x1  }
0x2: {  	[smem:$0x3F9B] =	sst lr;
	_ =	strace $0xD0000000  }
0x3: {  	_ = 	snop  }
0x4: {  	_ = 	snop  }
0x5: {  	_ = 	snop  }
0x6: {  	_ = 	snop  }
0x7: {  	_ = 	snop  }
__scs_overlays_trampoline_lowered:
0x8: {  	[smem:$0x3FAA] =	sst s0  }
0x9: {  	[smem:$0x3FAB] =	sst s1  }
0xa: {  	[smem:$0x3FAC] =	sst s2  }
0xb: {  	[smem:$0x3FAD] =	sst s3  }
0xc: {  	[smem:$0x3FAE] =	sst s4  }
0xd: {  	[smem:$0x3FAF] =	sst s5  }
0xe: {  	[smem:$0x3FB0] =	sst s6  }
0xf: {  	[smem:$0x3FB1] =	sst s7  }
0x10: {  	[smem:$0x3FB2] =	sst s8  }
0x11: {  	[smem:$0x3FB3] =	sst s9;
	s0 =	simm.s32 @!p0 $0x0  }
0x12: {  	s1 =	sld [smem:$0x3F99];
	s0 =	simm.s32 @p0 $0x1  }
0x13: {  	[smem:$0x3FB4] =	sst s0;
	s0 =	simm.s32 @!p1 $0x0  }
0x14: {  	s2 =	sld [smem:$0x3F98];
	s0 =	simm.s32 @p1 $0x1  }
0x15: {  	[smem:$0x3FB5] =	sst s0;
	s0 =	simm.s32 @!p2 $0x0  }
0x16: {  	s3 =	sld [smem:$0x3FDB];
	s0 =	simm.s32 @p2 $0x1  }
0x17: {  	s4 =	simm.s32 $0x1BF5;
	[smem:$0x3FB7] =	sst s0  }
0x18: {  	s0 =	sld [smem:$0x3F9A];
	_ =	swait.ge [sflag:s4], $0x0  }
0x19: {  	s7 =	sld [smem:$0x3F9B]  }
0x1a: {  	s8 =	sadd.s32 $0xFFFFE003, lr  }
0x1b: {  	s9 =	sadd.s32 $0xFFFFFEF7, lr;
	s5 =	simm.s32 $0xFFFFFFFF;
	p2 =	slt.u32 s8, $0xFFFFF086  }
0x1c: {  	p1 =	slt.u32 s9, $0xF7A;
	s5 =	simm.s32 @!p2 $0x0  }
0x1d: {  	s5 =	simm.s32 @p1 $0x1;
	p0 =	seq.s32 s7, s2  }
0x1e: {  	s7 =	smul.u32 @!p0 $0xF7A, s2;
	p2 =	seq.s32 @!p0 s5, $0x0  }
0x1f: {  	s9 =	smul.u32 $0xF7A, s1;
	s8 =	simm.s32 @!p0 $0x1BF5;
	p2 =	por !p2, p0  }
0x20: {  	[sflag:s8] =	ssyncset.s32 @!p0 $0xFFFFF086;
	s6 =	sadd.s32 @!p0 s3, s7;
	s7 =	simm.s32 @!p0 $0x108  }
0x21: {  	s3 =	sadd.s32 s3, s9;
	s6 =	sadd.s32 @!p0 $0x88, s6;
	s7 =	simm.s32 @p2 $0x1082  }
0x22: {  	[simem:s7], [sflag:s8] =	dma.local @!p0 [hbm:s6], $0xF7A  }
0x23: {  	s9 =	sor.u32 $0xD0000000, s2;
	s6 =	simm.s32 $0x108;
	_ =	swait.ge @!p0 [sflag:s8], $0x0  }
0x24: {  	s3 =	sadd.s32 $0x88, s3;
	s6 =	simm.s32 @!p1 $0x1082;
	[sflag:s4] =	ssyncset.s32 $0xFFFFF086  }
0x25: {  	[simem:s6], [sflag:s4] =	dma.local [hbm:s3], $0xF7A  }
0x26: {  	[smem:$0x3F9B] =	sst s1;
	(tag) =	ssettag s2;
	_ =	strace s9  }
0x27: {  	s1 =	sld [smem:$0x3FAB]  }
0x28: {  	s2 =	sld [smem:$0x3FAC]  }
0x29: {  	s4 =	sld [smem:$0x3FAE]  }
0x2a: {  	p0 =	seq.s32 s5, $0x0;
	s5 =	sld [smem:$0x3FAF]  }
0x2b: {  	s6 =	sld [smem:$0x3FB0]  }
0x2c: {  	s7 =	sld [smem:$0x3FB1]  }
0x2d: {  	s3 =	simm.s32 $0x108;
	s8 =	sld [smem:$0x3FB2]  }
0x2e: {  	s3 =	simm.s32 @!p0 $0x1082;
	s9 =	sld [smem:$0x3FB3]  }
0x2f: {  	lr =	sadd.s32 s0, s3;
	s0 =	sld [smem:$0x3FAA]  }
0x30: {  	s3 =	sld [smem:$0x3FAD]  }
0x31: {  	[smem:$0x3FB6] =	sst s10  }
0x32: {  	s10 =	sld [smem:$0x3FB4];
	_ =	sdelay $0x3  }
0x33: {  	p0 =	seq.s32 s10, $0x1;
	s10 =	sld [smem:$0x3FB6];
	_ =	sdelay $0x3  }
0x34: {  	[smem:$0x3FB6] =	sst s10  }
0x35: {  	s10 =	sld [smem:$0x3FB5];
	_ =	sdelay $0x3  }
0x36: {  	p1 =	seq.s32 s10, $0x1;
	s10 =	sld [smem:$0x3FB6];
	_ =	sdelay $0x3  }
0x37: {  	[smem:$0x3FB6] =	sst s10  }
0x38: {  	s10 =	sld [smem:$0x3FB7]  }
0x39: {  	_ = 	snop;
	(pc) =	sbr.ind lr, $3  }
0x3a: {  	_ = 	snop  }
0x3b: {  	_ = 	snop  }
0x3c: {  	p2 =	seq.s32 s10, $0x1;
	s10 =	sld [smem:$0x3FB6]  }
0x3d: {  	_ =	shalt  }
0x3e: {  	_ =	shalt  }
0x3f: {  	_ =	shalt  }
0x40: {  	_ =	shalt  }
0x41: {  	_ =	shalt  }
0x42: {  	_ =	shalt  }
0x43: {  	_ =	shalt  }
0x44: {  	_ =	shalt  }
0x45: {  	_ =	shalt  }
0x46: {  	_ =	shalt  }
0x47: {  	_ =	shalt  }
0x48: {  	_ =	shalt  }
0x49: {  	_ =	shalt  }
0x4a: {  	_ =	shalt  }
0x4b: {  	_ =	shalt  }
0x4c: {  	_ =	shalt  }
0x4d: {  	_ =	shalt  }
0x4e: {  	_ =	shalt  }
0x4f: {  	_ =	shalt  }
0x50: {  	_ =	shalt  }
0x51: {  	_ =	shalt  }
0x52: {  	_ =	shalt  }
0x53: {  	_ =	shalt  }
0x54: {  	_ =	shalt  }
0x55: {  	_ =	shalt  }
0x56: {  	_ =	shalt  }
0x57: {  	_ =	shalt  }
0x58: {  	_ =	shalt  }
0x59: {  	_ =	shalt  }
0x5a: {  	_ =	shalt  }
0x5b: {  	_ =	shalt  }
0x5c: {  	_ =	shalt  }
0x5d: {  	_ =	shalt  }
0x5e: {  	_ =	shalt  }
0x5f: {  	_ =	shalt  }
0x60: {  	_ =	shalt  }
0x61: {  	_ =	shalt  }
0x62: {  	_ =	shalt  }
0x63: {  	_ =	shalt  }
0x64: {  	_ =	shalt  }
0x65: {  	_ =	shalt  }
0x66: {  	_ =	shalt  }
0x67: {  	_ =	shalt  }
0x68: {  	_ =	shalt  }
0x69: {  	_ =	shalt  }
0x6a: {  	_ =	shalt  }
0x6b: {  	_ =	shalt  }
0x6c: {  	_ =	shalt  }
0x6d: {  	_ =	shalt  }
0x6e: {  	_ =	shalt  }
0x6f: {  	_ =	shalt  }
0x70: {  	_ =	shalt  }
0x71: {  	_ =	shalt  }
0x72: {  	_ =	shalt  }
0x73: {  	_ =	shalt  }
0x74: {  	_ =	shalt  }
0x75: {  	_ =	shalt  }
0x76: {  	_ =	shalt  }
0x77: {  	_ =	shalt  }
0x78: {  	_ =	shalt  }
0x79: {  	_ =	shalt  }
0x7a: {  	_ =	shalt  }
0x7b: {  	_ =	shalt  }
0x7c: {  	_ =	shalt  }
0x7d: {  	_ =	shalt  }
0x7e: {  	_ =	shalt  }
0x7f: {  	_ =	shalt  }
0x80: {  	_ =	shalt  }
0x81: {  	_ =	shalt  }
0x82: {  	_ =	shalt  }
0x83: {  	_ =	shalt  }
0x84: {  	_ =	shalt  }
0x85: {  	_ =	shalt  }
0x86: {  	_ =	shalt  }
0x87: {  	_ =	shalt  }
.Lfunc_end0:
.L_simem_size_0:
called_computation.3_lowered:
.L_overlay_start_0:
0x88: {  	s2 =	sld [smem:$0x3FD9]  }
0x89: {  	s3 =	sld [smem:$0x3FFE];
	_ =	sdelay $0x1  }
0x8a: {  	s1 =	srdreg.scid  }
0x8b: {  	s0 =	sand.u32 $0x1, s1  }
0x8c: {  	s16 =	sshll.u32 s0, $0xA;
	s2 =	sadd.s32 s3, s2  }
0x8d: {  	s2 =	sadd.s32 s2, s16  }
0x8e: {  	[smem:$0x3FC2] =	sst s2  }
0x8f: {  	_ = 	snop  }
0x90: {  	(tm) =	ssettm $0x1  }
0x91: {  	s17 =	sld [smem:$0x3FFB];
	_ =	sdelay $0x3  }
0x92: {  	_ =	strace s17  }
0x93: {  	s2 =	sld [smem:$0x3FFC];
	_ =	sdelay $0x3  }
0x94: {  	_ =	strace s2  }
0x95: {  	s2 =	sld [smem:$0x3FFD];
	_ =	sdelay $0x3  }
0x96: {  	_ =	strace s2  }
0x97: {  	_ =	strace $0x8FFFFFFF  }
0x98: {  	s18 =	sld [smem:$0x3FDB];
	_ =	sdelay $0x1  }
0x99: {  	s19 =	simm.s32 $_scs_section_size  }
0x9a: {  	s4 =	simm.s32 $_size__tile_overlayer_lowered;
	s5 =	simm.s32 $_tile_overlayer_lowered  }
0x9b: {  	s22 =	simm.s32 $0x1BFF;
	s21 =	sshll.u32 s5, $0x1;
	s2 =	sadd.s32 s19, s18  }
0x9c: {  	s6 =	simm.s32 $0x0;
	s20 =	sshll.u32 s4, $0x1;
	s4 =	sadd.s32 s21, s2  }
0x9d: {  	[timem:s6], [sflag:s22] =	dma.local [hbm:s4], s20  }
0x9e: {  	_ =	swait.ge [sflag:s22], s20  }
0x9f: {  	s3 =	ssub.s32 $0x0, s20;
	[sflag:s22] =	ssyncset.done $0x0  }
0xa0: {  	[sflag:s22] =	ssyncadd.s32 s3;
	_ =	sdelay $0x1  }
0xa1: {  	s23 =	simm.s32 $0x1B8B  }
0xa2: {  	_ =	swait.ge [sflag:s23], $0x1  }
0xa3: {  	[sflag:s23] =	ssyncset.done $0x0  }
0xa4: {  	s25 =	simm.s32 $0x1B8E;
	s24 =	sld [smem:$0x3FFE];
	[sflag:s23] =	ssyncadd.s32 $0xFFFFFFFF  }
0xa5: {  	s26 =	simm.s32 $execute0_lowered;
	[smem:$0x3FD2] =	sst s25  }
0xa6: {  	s4 =	sshll.u32 s26, $0x1;
	_ =	strace $0x8000004F;
	[dreg:$0x1] =	wrdreg $0xFFFFFFFF  }
0xa7: {  	s28 =	simm.s32 $_size_execute0_lowered;
	s2 =	sadd.s32 s2, s4;
	[dreg:$0x0] =	wrdreg $0x0  }
0xa8: {  	s4 =	sshll.u32 s28, $0x1;
	[dreg:$0x2] =	wrdreg s2  }
0xa9: {  	[dreg:$0x3] =	wrdreg s4  }
0xaa: {  	[dreg:$0x4] =	wrdreg $0xC0  }
0xab: {  	_ =	task [dreg:s6], $0x5FFFF  }
0xac: {  	[dreg:$0x1] =	wrdreg $0xFFFFFFFF  }
0xad: {  	[dreg:$0x0] =	wrdreg $0x60  }
0xae: {  	[dreg:$0x2] =	wrdreg s24  }
0xaf: {  	[dreg:$0x3] =	wrdreg $0x104400  }
0xb0: {  	[dreg:$0x4] =	wrdreg $0x68000  }
0xb1: {  	[dreg:$0x5] =	wrdreg $0x9  }
0xb2: {  	_ =	task.clear_ibuf [dreg:s6], $0x6FFFF;
	_ =	strace $0x9000004F  }
0xb3: {  	s29 =	simm.s32 $0x9;
	_ =	strace $0x80000051  }
0xb4: {  	_ =	swait.ge [sflag:s29], $0x1  }
0xb5: {  	[sflag:s29] =	ssyncadd.s32 $0xFFFFFFFF  }
0xb6: {  	_ =	strace $0x90000051  }
0xb7: {  	_ =	sfence  }
0xb8: {  	s30 =	sld [smem:$0x0];
	_ =	sdelay $0x2  }
0xb9: {  	s31 =	sshll.u32 s1, $0xD;
	s1 =	sshrl.u32 s1, $0x2  }
0xba: {  	s3 =	sand.u32 $0x4000, s31;
	s1 =	sadd.s32 s1, s30  }
0xbb: {  	s0 =	sor.u32 s3, s0;
	s1 =	sshll.u32 s1, $0x11  }
0xbc: {  	s0 =	sor.u32 s1, s0  }
0xbd: {  	s0 =	sadd.s32 $0x8F2B, s0  }
0xbe: {  	[sflag:s0] =	ssyncadd.remote.s32 $0x1  }
0xbf: {  	_ =	sfence.sel $0xFFFF  }
0xc0: {  	[dreg:$0x0] =	wrdreg $0xFFFFFFFF;
	(pc) =	sbr.abs _section_cstart, $3  }
0xc1: {  	[dreg:$0x1] =	wrdreg $0xFFFFFFFF  }
0xc2: {  	_ =	task.clear_ibuf [dreg:s6], $0x2FFFF;
	_ =	strace $0x9FFFFFFF  }
0xc3: {  	(tm) =	ssettm $0x7FFFFFFF  }
tec
execute0_lowered:
.L_overlay_start_1:
0x0: {  	(tag) =	ssettag $0x1  }
0x1: {  	s5 =	rddreg [dreg:$0x0]  }
0x2: {  	s0 =	stileid.u32;
	s2 =	rddreg [dreg:$0x1]  }
0x3: {  	s1 =	srdreg.scid;
	s3 =	rddreg [dreg:$0x2];
	s4 =	simm.s32 $0x0  }
0x4: {  	s17 =	simm.s32 $0x100;
	s18 =	simm.s32 $0x4800;
	s19 =	simm.s32 $0x1  }
0x5: {  	s20 =	simm.s32 $0x2;
	s21 =	simm.s32 $0x2480;
	s7 =	smul.u32 $0x9C40, s0  }
0x6: {  	s22 =	simm.s32 $0x2600;
	s23 =	simm.s32 $0x2580;
	s8 =	smul.u32 $0xA0, s0  }
0x7: {  	s24 =	simm.s32 $0x2700;
	s6 =	sand.u32 $0x1, s1;
	s10 =	smul.u32 $0x9E00, s0  }
0x8: {  	s28 =	simm.s32 $0x0;
	s1 =	rddreg [dreg:$0x3];
	s9 =	smul.u32 $0x50, s6  }
0x9: {  	[smem:$0x7FF] =	sst s4;
	s31 =	sshll.u32 s0, $0x6;
	s25 =	smul.u32 $0x9E000, s6  }
0xa: {  	_ =	strace $0x80000050;
	s6 =	ssub.s32 $0x2, s6;
	s11 =	sshrl.u32 s7, $0x3  }
0xb: {  	s29 =	sshrl.u32 s10, $0x3;
	s30 =	sshrl.u32 s6, $0x1;
	s15 =	sadd.s32 s10, s2  }
0xc: {  	s16 =	sadd.s32 s7, s3;
	s8 =	sadd.s32 s9, s8;
	s11 =	sadd.s32 s11, s5  }
0xd: {  	s26 =	sadd.s32 s10, s25;
	s9 =	sadd.s32 s29, s5;
	s14 =	ssub.s32 s6, s30  }
0xe: {  	s6 =	sor.u32 $0x1C03, s31;
	s25 =	simm.s32 $0x2680;
	s8 =	sshll.u32 s8, $0x5  }
0xf: {  	s7 =	sadd.s32 $0x79200, s11;
	s11 =	smax.u32 s14, $0x1;
	s14 =	sshrl.u32 s16, $0x3  }
0x10: {  	s16 =	simm.s32 $0x2800;
	s12 =	sadd.s32 s8, s5;
	s8 =	sshrl.u32 s26, $0x3  }
0x11: {  	s26 =	simm.s32 $0x2780;
	s13 =	sadd.s32 s8, s5;
	s5 =	sadd.s32 $0x16600, s9  }
0x12: {  	s8 =	sadd.s32 $0x2600, s12;
	s9 =	sadd.s32 $0x2B00, s12;
	s12 =	sshrl.u32 s15, $0x3  }
0x13: {  	s15 =	simm.s32 $0x80;
	s10 =	sadd.s32 $0x8CC00, s13;
	s13 =	simm.s32 $0x3  }
.LBB2_1:
0x14: {  	[spmem:s12], [sflag:s6] =	dma.local [hbm:s5], $0x13C0  }
0x15: {  	_ =	swait.ge [sflag:s13], $0x13C0  }
0x16: {  	[sflag:s13] =	ssyncset.done $0x0  }
0x17: {  	[sflag:s13] =	ssyncadd.s32 $0xFFFFEC40  }
0x18: {  	[spmem:s14], [sflag:s6] =	dma.local [hbm:s7], $0x1388  }
0x19: {  	_ =	swait.ge [sflag:s13], $0x1388  }
0x1a: {  	[sflag:s13] =	ssyncset.done $0x0  }
0x1b: {  	[sflag:s13] =	ssyncadd.s32 $0xFFFFEC78  }
0x1c: {  	[bflag:$0x0] =	sbarrier.arrive $0xFFFF  }
0x1d: {  	[tilespmem:s4], [sflag:$0x3] =	stream.linear.gather [hbm4b:s8+s4], $0x2800, $0x38;
	[tilespmem:$0x1A240] =	vst v63  }
0x1e: {  	_ =	swait.ge [sflag:s13], $0x2800  }
0x1f: {  	[sflag:s13] =	ssyncset.done $0x0  }
0x20: {  	[sflag:s13] =	ssyncadd.s32 $0xFFFFD800  }
0x21: {  	[tilespmem:s16], [sflag:$0x1] =	stream.indirect.gather [spmem:s3], $0x40, s4, s15, $0xb8;
	[tilespmem:$0x1A240] =	vst v63  }
0x22: {  	_ = 	snop  }
0x23: {  	[tilespmem:s18], [sflag:$0x2] =	stream.indirect.gather [spmem:s3], $0x40, s17, s15, $0xb8;
	[tilespmem:$0x1A240] =	vst v63  }
0x24: {  	_ =	swait.ge [sflag:s19], $0x2000  }
0x25: {  	[sflag:s19] =	ssyncset.done $0x0  }
0x26: {  	s29 =	simm.s32 $0x80;
	[sflag:s19] =	ssyncadd.s32 $0xFFFFE000  }
0x27: {  	[spmem:s2] =	stream.indirect.scatter.add.f32 [tilespmem:s16], [sflag:$0x3], $0x40, s29, s15, $0xb8;
	[tilespmem:$0x1A240] =	vst v63  }
0x28: {  	_ =	swait.ge [sflag:s13], $0x2000  }
0x29: {  	[sflag:s13] =	ssyncset.done $0x0  }
0x2a: {  	s29 =	simm.s32 $0x200;
	[sflag:s13] =	ssyncadd.s32 $0xFFFFE000  }
0x2b: {  	[tilespmem:s16], [sflag:$0x1] =	stream.indirect.gather [spmem:s3], $0x40, s29, s15, $0xb8;
	[tilespmem:$0x1A240] =	vst v63  }
0x2c: {  	_ =	swait.ge [sflag:s20], $0x2000  }
0x2d: {  	[sflag:s20] =	ssyncset.done $0x0  }
0x2e: {  	s29 =	simm.s32 $0x180;
	[sflag:s20] =	ssyncadd.s32 $0xFFFFE000  }
0x2f: {  	[spmem:s2] =	stream.indirect.scatter.add.f32 [tilespmem:s18], [sflag:$0x3], $0x40, s29, s15, $0xb8;
	[tilespmem:$0x1A240] =	vst v63  }
0x30: {  	_ =	swait.ge [sflag:s13], $0x2000  }
0x31: {  	[sflag:s13] =	ssyncset.done $0x0  }
0x32: {  	s30 =	simm.s32 $0x300;
	s29 =	simm.s32 $0xFFFF7800;
	[sflag:s13] =	ssyncadd.s32 $0xFFFFE000  }
.LBB2_2:
0x33: {  	[tilespmem:s18], [sflag:$0x2] =	stream.indirect.gather [spmem:s3], $0x40, s30, s15, $0xb8;
	[tilespmem:$0x1A240] =	vst v63  }
0x34: {  	s30 =	smov.u32 s29  }
0x35: {  	p0 =	sne.s32 s29, $0xFFFFF800;
	s29 =	sadd.s32 $0x800, s29;
	_ =	swait.ge [sflag:s19], $0x2000  }
0x36: {  	s30 =	sshra.s32 s30, $0x2;
	[sflag:s19] =	ssyncset.done $0x0  }
0x37: {  	s31 =	sadd.s32 $0x2480, s30;
	[sflag:s19] =	ssyncadd.s32 $0xFFFFE000  }
0x38: {  	[spmem:s2] =	stream.indirect.scatter.add.f32 [tilespmem:s16], [sflag:$0x3], $0x40, s31, s15, $0xb8;
	[tilespmem:$0x1A240] =	vst v63  }
0x39: {  	_ =	swait.ge [sflag:s13], $0x2000  }
0x3a: {  	[sflag:s13] =	ssyncset.done $0x0  }
0x3b: {  	s31 =	sadd.s32 $0x2600, s30;
	[sflag:s13] =	ssyncadd.s32 $0xFFFFE000  }
0x3c: {  	[tilespmem:s16], [sflag:$0x1] =	stream.indirect.gather [spmem:s3], $0x40, s31, s15, $0xb8;
	[tilespmem:$0x1A240] =	vst v63  }
0x3d: {  	_ =	swait.ge [sflag:s20], $0x2000  }
0x3e: {  	[sflag:s20] =	ssyncset.done $0x0  }
.Ltmp0:
0x3f: {  	s31 =	sadd.s32 $0x2580, s30;
	[sflag:s20] =	ssyncadd.s32 $0xFFFFE000;
	(pc) =	sbr.rel @p0 .LBB2_2-.Ltmp0, $4  }
0x40: {  	[spmem:s2] =	stream.indirect.scatter.add.f32 [tilespmem:s18], [sflag:$0x3], $0x40, s31, s15, $0xb8;
	[tilespmem:$0x1A240] =	vst v63  }
0x41: {  	_ =	swait.ge [sflag:s13], $0x2000  }
0x42: {  	[sflag:s13] =	ssyncset.done $0x0  }
0x43: {  	s30 =	sadd.s32 $0x2700, s30;
	[sflag:s13] =	ssyncadd.s32 $0xFFFFE000  }
0x44: {  	[tilespmem:s18], [sflag:$0x2] =	stream.indirect.gather [spmem:s3], $0x40, s30, s15, $0xb8;
	[tilespmem:$0x1A240] =	vst v63  }
0x45: {  	_ =	swait.ge [sflag:s19], $0x2000  }
0x46: {  	[sflag:s19] =	ssyncset.done $0x0  }
0x47: {  	[sflag:s19] =	ssyncadd.s32 $0xFFFFE000  }
0x48: {  	[spmem:s2] =	stream.indirect.scatter.add.f32 [tilespmem:s16], [sflag:$0x3], $0x40, s21, s15, $0xb8;
	[tilespmem:$0x1A240] =	vst v63  }
0x49: {  	_ =	swait.ge [sflag:s13], $0x2000  }
0x4a: {  	[sflag:s13] =	ssyncset.done $0x0  }
0x4b: {  	[sflag:s13] =	ssyncadd.s32 $0xFFFFE000  }
0x4c: {  	[tilespmem:s16], [sflag:$0x1] =	stream.indirect.gather [spmem:s3], $0x40, s22, s15, $0xb8;
	[tilespmem:$0x1A240] =	vst v63  }
0x4d: {  	_ =	swait.ge [sflag:s20], $0x2000  }
0x4e: {  	[sflag:s20] =	ssyncset.done $0x0  }
0x4f: {  	[sflag:s20] =	ssyncadd.s32 $0xFFFFE000  }
0x50: {  	[spmem:s2] =	stream.indirect.scatter.add.f32 [tilespmem:s18], [sflag:$0x3], $0x40, s23, s15, $0xb8;
	[tilespmem:$0x1A240] =	vst v63  }
0x51: {  	_ =	swait.ge [sflag:s13], $0x2000  }
0x52: {  	[sflag:s13] =	ssyncset.done $0x0  }
0x53: {  	[sflag:s13] =	ssyncadd.s32 $0xFFFFE000  }
0x54: {  	[tilespmem:s18], [sflag:$0x2] =	stream.indirect.gather [spmem:s3], $0x40, s24, s15, $0xb8;
	[tilespmem:$0x1A240] =	vst v63  }
0x55: {  	_ =	swait.ge [sflag:s19], $0x2000  }
0x56: {  	[sflag:s19] =	ssyncset.done $0x0  }
0x57: {  	[sflag:s19] =	ssyncadd.s32 $0xFFFFE000  }
0x58: {  	[spmem:s2] =	stream.indirect.scatter.add.f32 [tilespmem:s16], [sflag:$0x3], $0x40, s25, s15, $0xb8;
	[tilespmem:$0x1A240] =	vst v63  }
0x59: {  	_ =	swait.ge [sflag:s13], $0x2000  }
0x5a: {  	[sflag:s13] =	ssyncset.done $0x0  }
0x5b: {  	[sflag:s13] =	ssyncadd.s32 $0xFFFFE000  }
0x5c: {  	[tilespmem:s16], [sflag:$0x1] =	stream.indirect.gather [spmem:s3], $0x40, s24, s15, $0xb8;
	[tilespmem:$0x1A240] =	vst v63  }
0x5d: {  	_ =	swait.ge [sflag:s20], $0x2000  }
0x5e: {  	[sflag:s20] =	ssyncset.done $0x0  }
0x5f: {  	[sflag:s20] =	ssyncadd.s32 $0xFFFFE000  }
0x60: {  	[spmem:s2] =	stream.indirect.scatter.add.f32 [tilespmem:s18], [sflag:$0x3], $0x40, s26, s15, $0xb8;
	[tilespmem:$0x1A240] =	vst v63  }
0x61: {  	_ =	swait.ge [sflag:s13], $0x2000  }
0x62: {  	[sflag:s13] =	ssyncset.done $0x0  }
0x63: {  	[sflag:s13] =	ssyncadd.s32 $0xFFFFE000  }
0x64: {  	[tilespmem:s18], [sflag:$0x2] =	stream.indirect.gather [spmem:s3], $0x40, s24, s15, $0xb8;
	[tilespmem:$0x1A240] =	vst v63  }
0x65: {  	_ =	swait.ge [sflag:s19], $0x2000  }
0x66: {  	[sflag:s19] =	ssyncset.done $0x0  }
0x67: {  	[sflag:s19] =	ssyncadd.s32 $0xFFFFE000  }
0x68: {  	_ =	swait.ge [sflag:s20], $0x2000  }
0x69: {  	[sflag:s20] =	ssyncset.done $0x0  }
0x6a: {  	[sflag:s20] =	ssyncadd.s32 $0xFFFFE000  }
0x6b: {  	[tilespmem:s4], [sflag:$0x3] =	stream.linear.gather [hbm4b:s9+s4], $0x2800, $0x38;
	[tilespmem:$0x1A240] =	vst v63  }
0x6c: {  	_ =	swait.ge [sflag:s13], $0x2800  }
0x6d: {  	[sflag:s13] =	ssyncset.done $0x0  }
0x6e: {  	[sflag:s13] =	ssyncadd.s32 $0xFFFFD800  }
0x6f: {  	[tilespmem:s16], [sflag:$0x1] =	stream.indirect.gather [spmem:s3], $0x40, s4, s15, $0xb8;
	[tilespmem:$0x1A240] =	vst v63  }
0x70: {  	_ = 	snop  }
0x71: {  	[tilespmem:s18], [sflag:$0x2] =	stream.indirect.gather [spmem:s3], $0x40, s17, s15, $0xb8;
	[tilespmem:$0x1A240] =	vst v63  }
0x72: {  	_ =	swait.ge [sflag:s19], $0x2000  }
0x73: {  	[sflag:s19] =	ssyncset.done $0x0  }
0x74: {  	s29 =	simm.s32 $0x80;
	[sflag:s19] =	ssyncadd.s32 $0xFFFFE000  }
0x75: {  	[spmem:s2] =	stream.indirect.scatter.add.f32 [tilespmem:s16], [sflag:$0x3], $0x40, s29, s15, $0xb8;
	[tilespmem:$0x1A240] =	vst v63  }
0x76: {  	_ =	swait.ge [sflag:s13], $0x2000  }
0x77: {  	[sflag:s13] =	ssyncset.done $0x0  }
0x78: {  	s29 =	simm.s32 $0x200;
	[sflag:s13] =	ssyncadd.s32 $0xFFFFE000  }
0x79: {  	[tilespmem:s16], [sflag:$0x1] =	stream.indirect.gather [spmem:s3], $0x40, s29, s15, $0xb8;
	[tilespmem:$0x1A240] =	vst v63  }
0x7a: {  	_ =	swait.ge [sflag:s20], $0x2000  }
0x7b: {  	[sflag:s20] =	ssyncset.done $0x0  }
0x7c: {  	s29 =	simm.s32 $0x180;
	[sflag:s20] =	ssyncadd.s32 $0xFFFFE000  }
0x7d: {  	[spmem:s2] =	stream.indirect.scatter.add.f32 [tilespmem:s18], [sflag:$0x3], $0x40, s29, s15, $0xb8;
	[tilespmem:$0x1A240] =	vst v63  }
0x7e: {  	_ =	swait.ge [sflag:s13], $0x2000  }
0x7f: {  	[sflag:s13] =	ssyncset.done $0x0  }
0x80: {  	s30 =	simm.s32 $0x300;
	s29 =	simm.s32 $0xFFFF7800;
	[sflag:s13] =	ssyncadd.s32 $0xFFFFE000  }
.LBB2_4:
0x81: {  	[tilespmem:s18], [sflag:$0x2] =	stream.indirect.gather [spmem:s3], $0x40, s30, s15, $0xb8;
	[tilespmem:$0x1A240] =	vst v63  }
0x82: {  	s30 =	smov.u32 s29  }
0x83: {  	p0 =	sne.s32 s29, $0xFFFFF800;
	s29 =	sadd.s32 $0x800, s29;
	_ =	swait.ge [sflag:s19], $0x2000  }
0x84: {  	s30 =	sshra.s32 s30, $0x2;
	[sflag:s19] =	ssyncset.done $0x0  }
0x85: {  	s31 =	sadd.s32 $0x2480, s30;
	[sflag:s19] =	ssyncadd.s32 $0xFFFFE000  }
0x86: {  	[spmem:s2] =	stream.indirect.scatter.add.f32 [tilespmem:s16], [sflag:$0x3], $0x40, s31, s15, $0xb8;
	[tilespmem:$0x1A240] =	vst v63  }
0x87: {  	_ =	swait.ge [sflag:s13], $0x2000  }
0x88: {  	[sflag:s13] =	ssyncset.done $0x0  }
0x89: {  	s31 =	sadd.s32 $0x2600, s30;
	[sflag:s13] =	ssyncadd.s32 $0xFFFFE000  }
0x8a: {  	[tilespmem:s16], [sflag:$0x1] =	stream.indirect.gather [spmem:s3], $0x40, s31, s15, $0xb8;
	[tilespmem:$0x1A240] =	vst v63  }
0x8b: {  	_ =	swait.ge [sflag:s20], $0x2000  }
0x8c: {  	[sflag:s20] =	ssyncset.done $0x0  }
.Ltmp1:
0x8d: {  	s31 =	sadd.s32 $0x2580, s30;
	[sflag:s20] =	ssyncadd.s32 $0xFFFFE000;
	(pc) =	sbr.rel @p0 .LBB2_4-.Ltmp1, $4  }
0x8e: {  	[spmem:s2] =	stream.indirect.scatter.add.f32 [tilespmem:s18], [sflag:$0x3], $0x40, s31, s15, $0xb8;
	[tilespmem:$0x1A240] =	vst v63  }
0x8f: {  	_ =	swait.ge [sflag:s13], $0x2000  }
0x90: {  	[sflag:s13] =	ssyncset.done $0x0  }
0x91: {  	s30 =	sadd.s32 $0x2700, s30;
	[sflag:s13] =	ssyncadd.s32 $0xFFFFE000  }
0x92: {  	[tilespmem:s18], [sflag:$0x2] =	stream.indirect.gather [spmem:s3], $0x40, s30, s15, $0xb8;
	[tilespmem:$0x1A240] =	vst v63  }
0x93: {  	_ =	swait.ge [sflag:s19], $0x2000  }
0x94: {  	[sflag:s19] =	ssyncset.done $0x0  }
0x95: {  	[sflag:s19] =	ssyncadd.s32 $0xFFFFE000  }
0x96: {  	[spmem:s2] =	stream.indirect.scatter.add.f32 [tilespmem:s16], [sflag:$0x3], $0x40, s21, s15, $0xb8;
	[tilespmem:$0x1A240] =	vst v63  }
0x97: {  	_ =	swait.ge [sflag:s13], $0x2000  }
0x98: {  	[sflag:s13] =	ssyncset.done $0x0  }
0x99: {  	[sflag:s13] =	ssyncadd.s32 $0xFFFFE000  }
0x9a: {  	[tilespmem:s16], [sflag:$0x1] =	stream.indirect.gather [spmem:s3], $0x40, s22, s15, $0xb8;
	[tilespmem:$0x1A240] =	vst v63  }
0x9b: {  	_ =	swait.ge [sflag:s20], $0x2000  }
0x9c: {  	[sflag:s20] =	ssyncset.done $0x0  }
0x9d: {  	[sflag:s20] =	ssyncadd.s32 $0xFFFFE000  }
0x9e: {  	[spmem:s2] =	stream.indirect.scatter.add.f32 [tilespmem:s18], [sflag:$0x3], $0x40, s23, s15, $0xb8;
	[tilespmem:$0x1A240] =	vst v63  }
0x9f: {  	_ =	swait.ge [sflag:s13], $0x2000  }
0xa0: {  	[sflag:s13] =	ssyncset.done $0x0  }
0xa1: {  	[sflag:s13] =	ssyncadd.s32 $0xFFFFE000  }
0xa2: {  	[tilespmem:s18], [sflag:$0x2] =	stream.indirect.gather [spmem:s3], $0x40, s24, s15, $0xb8;
	[tilespmem:$0x1A240] =	vst v63  }
0xa3: {  	_ =	swait.ge [sflag:s19], $0x2000  }
0xa4: {  	[sflag:s19] =	ssyncset.done $0x0  }
0xa5: {  	[sflag:s19] =	ssyncadd.s32 $0xFFFFE000  }
0xa6: {  	[spmem:s2] =	stream.indirect.scatter.add.f32 [tilespmem:s16], [sflag:$0x3], $0x40, s25, s15, $0xb8;
	[tilespmem:$0x1A240] =	vst v63  }
0xa7: {  	_ =	swait.ge [sflag:s13], $0x2000  }
0xa8: {  	[sflag:s13] =	ssyncset.done $0x0  }
0xa9: {  	[sflag:s13] =	ssyncadd.s32 $0xFFFFE000  }
0xaa: {  	[tilespmem:s16], [sflag:$0x1] =	stream.indirect.gather [spmem:s3], $0x40, s24, s15, $0xb8;
	[tilespmem:$0x1A240] =	vst v63  }
0xab: {  	_ =	swait.ge [sflag:s20], $0x2000  }
0xac: {  	[sflag:s20] =	ssyncset.done $0x0  }
0xad: {  	[sflag:s20] =	ssyncadd.s32 $0xFFFFE000  }
0xae: {  	[spmem:s2] =	stream.indirect.scatter.add.f32 [tilespmem:s18], [sflag:$0x3], $0x40, s26, s15, $0xb8;
	[tilespmem:$0x1A240] =	vst v63  }
0xaf: {  	_ =	swait.ge [sflag:s13], $0x2000  }
0xb0: {  	[sflag:s13] =	ssyncset.done $0x0  }
0xb1: {  	[sflag:s13] =	ssyncadd.s32 $0xFFFFE000  }
0xb2: {  	[tilespmem:s18], [sflag:$0x2] =	stream.indirect.gather [spmem:s3], $0x40, s24, s15, $0xb8;
	[tilespmem:$0x1A240] =	vst v63  }
0xb3: {  	_ =	swait.ge [sflag:s19], $0x2000  }
0xb4: {  	[sflag:s19] =	ssyncset.done $0x0  }
0xb5: {  	[sflag:s19] =	ssyncadd.s32 $0xFFFFE000  }
0xb6: {  	_ =	swait.ge [sflag:s20], $0x2000  }
0xb7: {  	s28 =	sadd.s32 $0x1, s28;
	[sflag:s20] =	ssyncset.done $0x0  }
0xb8: {  	p0 =	sne.s32 s28, s11;
	[sflag:s20] =	ssyncadd.s32 $0xFFFFE000  }
.Ltmp2:
0xb9: {  	[bflag:$0x0] =	sbarrier.arrive $0xFFFF;
	(pc) =	sbr.rel @p0 .LBB2_1-.Ltmp2, $4  }
0xba: {  	[hbm:s10], [sflag:s6] =	dma.local [spmem:s12], $0x13C0  }
0xbb: {  	_ =	swait.ge [sflag:s13], $0x13C0  }
0xbc: {  	[sflag:s13] =	ssyncset.done $0x0  }
0xbd: {  	[sflag:s13] =	ssyncadd.s32 $0xFFFFEC40  }
0xbe: {  	_ =	sfence.sel $0x180000  }
0xbf: {  	[bflag:$0x0] =	sbarrier.arrive $0xFFFF  }
0xc0: {  	p0 =	sne.s32 s0, $0x0;
	_ =	strace $0x90000050  }
0xc1: {  	s0 =	sadd.s32 @!p0 $0x100000, s1;
	[bflag:$0x2] =	sbarrier.arrive $0xFFFF  }
0xc2: {  	[sflag:s0] =	ssyncadd.tile.s32 @!p0 $0x1;
	_ =	shalt  }
.Lfunc_end2:
_tile_overlayer_lowered:
.L_overlay_start_2:
0xc3: {  	(tag) =	ssettag $0x2  }
0xc4: {  	s0 =	rddreg [dreg:$0x0];
	s2 =	stileid.u32  }
0xc5: {  	s1 =	rddreg [dreg:$0x1];
	p0 =	sne.s32 s2, $0x0  }
0xc6: {  	s3 =	rddreg [dreg:$0x2];
	[bflag:$0x3] =	sbarrier.arrive $0xFFFF;
	s2 =	simm.s32 @!p0 $0x1C03  }
0xc7: {  	[timem:s3], [sflag:s2] =	dma.local @!p0 [hbm:s0], s1  }
0xc8: {  	s0 =	simm.s32 @!p0 $0x3  }
0xc9: {  	_ =	swait.ge @!p0 [sflag:s0], s1  }
0xca: {  	s1 =	ssub.s32 @!p0 $0x0, s1;
	[sflag:s0] =	ssyncset.done @!p0 $0x0  }
0xcb: {  	[sflag:s0] =	ssyncadd.s32 @!p0 s1  }
0xcc: {  	[bflag:$0x3] =	sbarrier.arrive $0xFFFF  }
0xcd: {  	_ =	shalt  }

// kernel: kernel.9.cloned.1.call-start
scs
__scs_entry_jumppad:
0x0: {  	(pc) =	sbr.rel $0x88, $3  }
0x1: {  	(tag) =	ssettag $0x0;
	lr =	simm.s32 $0x1  }
0x2: {  	[smem:$0x3F9B] =	sst lr;
	_ =	strace $0xD0000000  }
0x3: {  	_ = 	snop  }
0x4: {  	_ = 	snop  }
0x5: {  	_ = 	snop  }
0x6: {  	_ = 	snop  }
0x7: {  	_ = 	snop  }
__scs_overlays_trampoline_lowered:
0x8: {  	[smem:$0x3FAA] =	sst s0  }
0x9: {  	[smem:$0x3FAB] =	sst s1  }
0xa: {  	[smem:$0x3FAC] =	sst s2  }
0xb: {  	[smem:$0x3FAD] =	sst s3  }
0xc: {  	[smem:$0x3FAE] =	sst s4  }
0xd: {  	[smem:$0x3FAF] =	sst s5  }
0xe: {  	[smem:$0x3FB0] =	sst s6  }
0xf: {  	[smem:$0x3FB1] =	sst s7  }
0x10: {  	[smem:$0x3FB2] =	sst s8  }
0x11: {  	[smem:$0x3FB3] =	sst s9;
	s0 =	simm.s32 @!p0 $0x0  }
0x12: {  	s1 =	sld [smem:$0x3F99];
	s0 =	simm.s32 @p0 $0x1  }
0x13: {  	[smem:$0x3FB4] =	sst s0;
	s0 =	simm.s32 @!p1 $0x0  }
0x14: {  	s2 =	sld [smem:$0x3F98];
	s0 =	simm.s32 @p1 $0x1  }
0x15: {  	[smem:$0x3FB5] =	sst s0;
	s0 =	simm.s32 @!p2 $0x0  }
0x16: {  	s3 =	sld [smem:$0x3FDB];
	s0 =	simm.s32 @p2 $0x1  }
0x17: {  	s4 =	simm.s32 $0x1BF5;
	[smem:$0x3FB7] =	sst s0  }
0x18: {  	s0 =	sld [smem:$0x3F9A];
	_ =	swait.ge [sflag:s4], $0x0  }
0x19: {  	s7 =	sld [smem:$0x3F9B]  }
0x1a: {  	s8 =	sadd.s32 $0xFFFFE003, lr  }
0x1b: {  	s9 =	sadd.s32 $0xFFFFFEF7, lr;
	s5 =	simm.s32 $0xFFFFFFFF;
	p2 =	slt.u32 s8, $0xFFFFF086  }
0x1c: {  	p1 =	slt.u32 s9, $0xF7A;
	s5 =	simm.s32 @!p2 $0x0  }
0x1d: {  	s5 =	simm.s32 @p1 $0x1;
	p0 =	seq.s32 s7, s2  }
0x1e: {  	s7 =	smul.u32 @!p0 $0xF7A, s2;
	p2 =	seq.s32 @!p0 s5, $0x0  }
0x1f: {  	s9 =	smul.u32 $0xF7A, s1;
	s8 =	simm.s32 @!p0 $0x1BF5;
	p2 =	por !p2, p0  }
0x20: {  	[sflag:s8] =	ssyncset.s32 @!p0 $0xFFFFF086;
	s6 =	sadd.s32 @!p0 s3, s7;
	s7 =	simm.s32 @!p0 $0x108  }
0x21: {  	s3 =	sadd.s32 s3, s9;
	s6 =	sadd.s32 @!p0 $0x88, s6;
	s7 =	simm.s32 @p2 $0x1082  }
0x22: {  	[simem:s7], [sflag:s8] =	dma.local @!p0 [hbm:s6], $0xF7A  }
0x23: {  	s9 =	sor.u32 $0xD0000000, s2;
	s6 =	simm.s32 $0x108;
	_ =	swait.ge @!p0 [sflag:s8], $0x0  }
0x24: {  	s3 =	sadd.s32 $0x88, s3;
	s6 =	simm.s32 @!p1 $0x1082;
	[sflag:s4] =	ssyncset.s32 $0xFFFFF086  }
0x25: {  	[simem:s6], [sflag:s4] =	dma.local [hbm:s3], $0xF7A  }
0x26: {  	[smem:$0x3F9B] =	sst s1;
	(tag) =	ssettag s2;
	_ =	strace s9  }
0x27: {  	s1 =	sld [smem:$0x3FAB]  }
0x28: {  	s2 =	sld [smem:$0x3FAC]  }
0x29: {  	s4 =	sld [smem:$0x3FAE]  }
0x2a: {  	p0 =	seq.s32 s5, $0x0;
	s5 =	sld [smem:$0x3FAF]  }
0x2b: {  	s6 =	sld [smem:$0x3FB0]  }
0x2c: {  	s7 =	sld [smem:$0x3FB1]  }
0x2d: {  	s3 =	simm.s32 $0x108;
	s8 =	sld [smem:$0x3FB2]  }
0x2e: {  	s3 =	simm.s32 @!p0 $0x1082;
	s9 =	sld [smem:$0x3FB3]  }
0x2f: {  	lr =	sadd.s32 s0, s3;
	s0 =	sld [smem:$0x3FAA]  }
0x30: {  	s3 =	sld [smem:$0x3FAD]  }
0x31: {  	[smem:$0x3FB6] =	sst s10  }
0x32: {  	s10 =	sld [smem:$0x3FB4];
	_ =	sdelay $0x3  }
0x33: {  	p0 =	seq.s32 s10, $0x1;
	s10 =	sld [smem:$0x3FB6];
	_ =	sdelay $0x3  }
0x34: {  	[smem:$0x3FB6] =	sst s10  }
0x35: {  	s10 =	sld [smem:$0x3FB5];
	_ =	sdelay $0x3  }
0x36: {  	p1 =	seq.s32 s10, $0x1;
	s10 =	sld [smem:$0x3FB6];
	_ =	sdelay $0x3  }
0x37: {  	[smem:$0x3FB6] =	sst s10  }
0x38: {  	s10 =	sld [smem:$0x3FB7]  }
0x39: {  	_ = 	snop;
	(pc) =	sbr.ind lr, $3  }
0x3a: {  	_ = 	snop  }
0x3b: {  	_ = 	snop  }
0x3c: {  	p2 =	seq.s32 s10, $0x1;
	s10 =	sld [smem:$0x3FB6]  }
0x3d: {  	_ =	shalt  }
0x3e: {  	_ =	shalt  }
0x3f: {  	_ =	shalt  }
0x40: {  	_ =	shalt  }
0x41: {  	_ =	shalt  }
0x42: {  	_ =	shalt  }
0x43: {  	_ =	shalt  }
0x44: {  	_ =	shalt  }
0x45: {  	_ =	shalt  }
0x46: {  	_ =	shalt  }
0x47: {  	_ =	shalt  }
0x48: {  	_ =	shalt  }
0x49: {  	_ =	shalt  }
0x4a: {  	_ =	shalt  }
0x4b: {  	_ =	shalt  }
0x4c: {  	_ =	shalt  }
0x4d: {  	_ =	shalt  }
0x4e: {  	_ =	shalt  }
0x4f: {  	_ =	shalt  }
0x50: {  	_ =	shalt  }
0x51: {  	_ =	shalt  }
0x52: {  	_ =	shalt  }
0x53: {  	_ =	shalt  }
0x54: {  	_ =	shalt  }
0x55: {  	_ =	shalt  }
0x56: {  	_ =	shalt  }
0x57: {  	_ =	shalt  }
0x58: {  	_ =	shalt  }
0x59: {  	_ =	shalt  }
0x5a: {  	_ =	shalt  }
0x5b: {  	_ =	shalt  }
0x5c: {  	_ =	shalt  }
0x5d: {  	_ =	shalt  }
0x5e: {  	_ =	shalt  }
0x5f: {  	_ =	shalt  }
0x60: {  	_ =	shalt  }
0x61: {  	_ =	shalt  }
0x62: {  	_ =	shalt  }
0x63: {  	_ =	shalt  }
0x64: {  	_ =	shalt  }
0x65: {  	_ =	shalt  }
0x66: {  	_ =	shalt  }
0x67: {  	_ =	shalt  }
0x68: {  	_ =	shalt  }
0x69: {  	_ =	shalt  }
0x6a: {  	_ =	shalt  }
0x6b: {  	_ =	shalt  }
0x6c: {  	_ =	shalt  }
0x6d: {  	_ =	shalt  }
0x6e: {  	_ =	shalt  }
0x6f: {  	_ =	shalt  }
0x70: {  	_ =	shalt  }
0x71: {  	_ =	shalt  }
0x72: {  	_ =	shalt  }
0x73: {  	_ =	shalt  }
0x74: {  	_ =	shalt  }
0x75: {  	_ =	shalt  }
0x76: {  	_ =	shalt  }
0x77: {  	_ =	shalt  }
0x78: {  	_ =	shalt  }
0x79: {  	_ =	shalt  }
0x7a: {  	_ =	shalt  }
0x7b: {  	_ =	shalt  }
0x7c: {  	_ =	shalt  }
0x7d: {  	_ =	shalt  }
0x7e: {  	_ =	shalt  }
0x7f: {  	_ =	shalt  }
0x80: {  	_ =	shalt  }
0x81: {  	_ =	shalt  }
0x82: {  	_ =	shalt  }
0x83: {  	_ =	shalt  }
0x84: {  	_ =	shalt  }
0x85: {  	_ =	shalt  }
0x86: {  	_ =	shalt  }
0x87: {  	_ =	shalt  }
.Lfunc_end0:
.L_simem_size_0:
called_computation_lowered:
.L_overlay_start_0:
0x88: {  	s2 =	sld [smem:$0x3FD9]  }
0x89: {  	s3 =	sld [smem:$0x3FFE];
	_ =	sdelay $0x1  }
0x8a: {  	s1 =	srdreg.scid  }
0x8b: {  	s0 =	sand.u32 $0x1, s1  }
0x8c: {  	s17 =	sshll.u32 s0, $0xA;
	s2 =	sadd.s32 s3, s2  }
0x8d: {  	s2 =	sadd.s32 s2, s17  }
0x8e: {  	[smem:$0x3FC2] =	sst s2  }
0x8f: {  	_ = 	snop  }
0x90: {  	s2 =	sld [smem:$0x3FD0];
	(tm) =	ssettm $0x1  }
0x91: {  	s18 =	sld [smem:$0x3FFB];
	_ =	sdelay $0x3  }
0x92: {  	_ =	strace s18  }
0x93: {  	s3 =	sld [smem:$0x3FFC];
	_ =	sdelay $0x3  }
0x94: {  	_ =	strace s3  }
0x95: {  	s3 =	sld [smem:$0x3FFD];
	_ =	sdelay $0x3  }
0x96: {  	_ =	strace s3  }
0x97: {  	_ =	strace $0x8FFFFFFF  }
0x98: {  	s19 =	sld [smem:$0x3FDB];
	_ =	sdelay $0x1  }
0x99: {  	s4 =	simm.s32 $_scs_section_size  }
0x9a: {  	s5 =	simm.s32 $_size__tile_overlayer_lowered;
	s6 =	simm.s32 $_tile_overlayer_lowered  }
0x9b: {  	s22 =	simm.s32 $0x1BFF;
	s21 =	sshll.u32 s6, $0x1;
	s3 =	sadd.s32 s4, s19  }
0x9c: {  	s7 =	simm.s32 $0x0;
	s20 =	sshll.u32 s5, $0x1;
	s5 =	sadd.s32 s21, s3  }
0x9d: {  	[timem:s7], [sflag:s22] =	dma.local [hbm:s5], s20  }
0x9e: {  	_ =	swait.ge [sflag:s22], s20  }
0x9f: {  	s4 =	ssub.s32 $0x0, s20;
	[sflag:s22] =	ssyncset.done $0x0  }
0xa0: {  	[sflag:s22] =	ssyncadd.s32 s4;
	_ =	sdelay $0x1  }
0xa1: {  	s23 =	simm.s32 $0x1B8B  }
0xa2: {  	_ =	swait.ge [sflag:s23], $0x1  }
0xa3: {  	[sflag:s23] =	ssyncset.done $0x0  }
0xa4: {  	s25 =	simm.s32 $0x1B8E;
	s24 =	sld [smem:$0x3FFE];
	[sflag:s23] =	ssyncadd.s32 $0xFFFFFFFF  }
0xa5: {  	s26 =	simm.s32 $execute0_lowered;
	[smem:$0x3FD2] =	sst s25  }
0xa6: {  	s5 =	sshll.u32 s26, $0x1;
	_ =	strace $0x80000046;
	[dreg:$0x1] =	wrdreg $0xFFFFFFFF  }
0xa7: {  	s28 =	simm.s32 $_size_execute0_lowered;
	s3 =	sadd.s32 s3, s5;
	[dreg:$0x0] =	wrdreg $0x0  }
0xa8: {  	s5 =	sshll.u32 s28, $0x1;
	[dreg:$0x2] =	wrdreg s3  }
0xa9: {  	[dreg:$0x3] =	wrdreg s5  }
0xaa: {  	[dreg:$0x4] =	wrdreg $0xC0  }
0xab: {  	_ =	task [dreg:s7], $0x5FFFF  }
0xac: {  	[dreg:$0x1] =	wrdreg $0xFFFFFFFF  }
0xad: {  	[dreg:$0x0] =	wrdreg $0x60  }
0xae: {  	[dreg:$0x2] =	wrdreg s2  }
0xaf: {  	[dreg:$0x3] =	wrdreg s24  }
0xb0: {  	[dreg:$0x4] =	wrdreg $0x68000  }
0xb1: {  	[dreg:$0x5] =	wrdreg $0x9  }
0xb2: {  	_ =	task.clear_ibuf [dreg:s7], $0x6FFFF;
	_ =	strace $0x90000046  }
0xb3: {  	s29 =	simm.s32 $0x9;
	_ =	strace $0x80000048  }
0xb4: {  	_ =	swait.ge [sflag:s29], $0x1  }
0xb5: {  	[sflag:s29] =	ssyncadd.s32 $0xFFFFFFFF  }
0xb6: {  	_ =	strace $0x90000048  }
0xb7: {  	_ =	sfence  }
0xb8: {  	s30 =	sld [smem:$0x0];
	_ =	sdelay $0x2  }
0xb9: {  	s31 =	sshll.u32 s1, $0xD;
	s1 =	sshrl.u32 s1, $0x2  }
0xba: {  	s3 =	sand.u32 $0x4000, s31;
	s1 =	sadd.s32 s1, s30  }
0xbb: {  	s0 =	sor.u32 s3, s0;
	s1 =	sshll.u32 s1, $0x11  }
0xbc: {  	s0 =	sor.u32 s1, s0  }
0xbd: {  	s0 =	sadd.s32 $0x8F2B, s0  }
0xbe: {  	[sflag:s0] =	ssyncadd.remote.s32 $0x1  }
0xbf: {  	_ =	sfence.sel $0xFFFF  }
0xc0: {  	[dreg:$0x0] =	wrdreg $0xFFFFFFFF;
	(pc) =	sbr.abs _section_cstart, $3  }
0xc1: {  	[dreg:$0x1] =	wrdreg $0xFFFFFFFF  }
0xc2: {  	_ =	task.clear_ibuf [dreg:s7], $0x2FFFF;
	_ =	strace $0x9FFFFFFF  }
0xc3: {  	(tm) =	ssettm $0x7FFFFFFF  }
tec
execute0_lowered:
.L_overlay_start_1:
0x0: {  	(tag) =	ssettag $0x1  }
0x1: {  	s1 =	rddreg [dreg:$0x0]  }
0x2: {  	s2 =	srdreg.scid;
	s5 =	rddreg [dreg:$0x1]  }
0x3: {  	s0 =	stileid.u32;
	s3 =	rddreg [dreg:$0x2]  }
0x4: {  	s4 =	simm.s32 $0x0;
	s13 =	simm.s32 $0x2800;
	s7 =	smul.u32 $0xA0, s0  }
0x5: {  	s14 =	simm.s32 $0x80;
	s6 =	sand.u32 $0x1, s2;
	s29 =	smul.u32 $0x9E00, s0  }
0x6: {  	s15 =	simm.s32 $0x0;
	s2 =	rddreg [dreg:$0x3];
	s8 =	smul.u32 $0x50, s6  }
0x7: {  	[smem:$0x7FF] =	sst s4;
	s31 =	sshll.u32 s0, $0x6;
	s9 =	smul.u32 $0x9E000, s6  }
0x8: {  	_ =	strace $0x80000047;
	s6 =	ssub.s32 $0x2, s6;
	s30 =	sshrl.u32 s29, $0x3  }
0x9: {  	s11 =	sshrl.u32 s6, $0x1;
	s12 =	sadd.s32 s29, s3;
	s7 =	sadd.s32 s8, s7  }
0xa: {  	s9 =	sadd.s32 s29, s9;
	s11 =	ssub.s32 s6, s11;
	s7 =	sshll.u32 s7, $0x5  }
0xb: {  	s9 =	sshrl.u32 s9, $0x3;
	s10 =	sadd.s32 s7, s5;
	s7 =	sadd.s32 s30, s5  }
0xc: {  	s6 =	sor.u32 $0x1C01, s31;
	s9 =	sadd.s32 s9, s5;
	s5 =	sadd.s32 $0x16600, s7  }
0xd: {  	s7 =	sadd.s32 $0x2600, s10;
	s8 =	sadd.s32 $0x2B00, s10;
	s9 =	sadd.s32 $0x2A200, s9  }
0xe: {  	s10 =	smax.u32 s11, $0x1;
	s11 =	sshrl.u32 s12, $0x3;
	s12 =	simm.s32 $0x1  }
.LBB2_1:
0xf: {  	[spmem:s11], [sflag:s6] =	dma.local [hbm:s5], $0x13C0  }
0x10: {  	_ =	swait.ge [sflag:s12], $0x13C0  }
0x11: {  	[sflag:s12] =	ssyncset.done $0x0  }
0x12: {  	[sflag:s12] =	ssyncadd.s32 $0xFFFFEC40  }
0x13: {  	[tilespmem:s13], [sflag:$0x1] =	stream.linear.gather [hbm4b:s1+s4], $0x2000, $0x38;
	[tilespmem:$0x10600] =	vst v63  }
0x14: {  	_ =	swait.ge [sflag:s12], $0x2000  }
0x15: {  	[sflag:s12] =	ssyncset.done $0x0  }
0x16: {  	[sflag:s12] =	ssyncadd.s32 $0xFFFFE000  }
0x17: {  	[bflag:$0x0] =	sbarrier.arrive $0xFFFF  }
0x18: {  	[tilespmem:s4], [sflag:$0x1] =	stream.linear.gather [hbm4b:s7+s4], $0x2800, $0x38;
	[tilespmem:$0x10600] =	vst v63  }
0x19: {  	_ =	swait.ge [sflag:s12], $0x2800  }
0x1a: {  	[sflag:s12] =	ssyncset.done $0x0  }
0x1b: {  	s16 =	simm.s32 $0x80;
	[sflag:s12] =	ssyncadd.s32 $0xFFFFD800  }
0x1c: {  	[spmem:s3] =	stream.indirect.scatter.add.f32 [tilespmem:s13], [sflag:$0x1], $0x40, s16, s14, $0xb8;
	[tilespmem:$0x10600] =	vst v63  }
0x1d: {  	_ =	swait.ge [sflag:s12], $0x2000  }
0x1e: {  	s16 =	simm.s32 $0x600;
	[sflag:s12] =	ssyncset.done $0x0  }
.LBB2_2:
0x1f: {  	s17 =	sshra.s32 s16, $0x2;
	[sflag:s12] =	ssyncadd.s32 $0xFFFFE000;
	p0 =	sne.s32 s16, $0x9E00  }
0x20: {  	[spmem:s3] =	stream.indirect.scatter.add.f32 [tilespmem:s13], [sflag:$0x1], $0x40, s17, s14, $0xb8;
	[tilespmem:$0x10600] =	vst v63  }
.Ltmp0:
0x21: {  	_ = 	snop;
	(pc) =	sbr.rel @p0 .LBB2_2-.Ltmp0, $4  }
0x22: {  	_ = 	snop  }
0x23: {  	s16 =	sadd.s32 $0x400, s16  }
0x24: {  	_ =	swait.ge [sflag:s12], $0x2000  }
0x25: {  	[sflag:s12] =	ssyncset.done $0x0  }
0x26: {  	[sflag:s12] =	ssyncadd.s32 $0xFFFFE000  }
0x27: {  	[tilespmem:s4], [sflag:$0x1] =	stream.linear.gather [hbm4b:s8+s4], $0x2800, $0x38;
	[tilespmem:$0x10600] =	vst v63  }
0x28: {  	_ =	swait.ge [sflag:s12], $0x2800  }
0x29: {  	[sflag:s12] =	ssyncset.done $0x0  }
0x2a: {  	s16 =	simm.s32 $0x80;
	[sflag:s12] =	ssyncadd.s32 $0xFFFFD800  }
0x2b: {  	[spmem:s3] =	stream.indirect.scatter.add.f32 [tilespmem:s13], [sflag:$0x1], $0x40, s16, s14, $0xb8;
	[tilespmem:$0x10600] =	vst v63  }
0x2c: {  	_ =	swait.ge [sflag:s12], $0x2000  }
0x2d: {  	s16 =	simm.s32 $0x600;
	[sflag:s12] =	ssyncset.done $0x0  }
.LBB2_4:
0x2e: {  	s17 =	sshra.s32 s16, $0x2;
	[sflag:s12] =	ssyncadd.s32 $0xFFFFE000;
	p0 =	sne.s32 s16, $0x9E00  }
0x2f: {  	[spmem:s3] =	stream.indirect.scatter.add.f32 [tilespmem:s13], [sflag:$0x1], $0x40, s17, s14, $0xb8;
	[tilespmem:$0x10600] =	vst v63  }
.Ltmp1:
0x30: {  	_ = 	snop;
	(pc) =	sbr.rel @p0 .LBB2_4-.Ltmp1, $4  }
0x31: {  	_ = 	snop  }
0x32: {  	s16 =	sadd.s32 $0x400, s16  }
0x33: {  	_ =	swait.ge [sflag:s12], $0x2000  }
0x34: {  	[sflag:s12] =	ssyncset.done $0x0  }
0x35: {  	s15 =	sadd.s32 $0x1, s15  }
0x36: {  	[sflag:s12] =	ssyncadd.s32 $0xFFFFE000;
	p0 =	sne.s32 s15, s10  }
.Ltmp2:
0x37: {  	[bflag:$0x0] =	sbarrier.arrive $0xFFFF;
	(pc) =	sbr.rel @p0 .LBB2_1-.Ltmp2, $4  }
0x38: {  	[hbm:s9], [sflag:s6] =	dma.local [spmem:s11], $0x13C0  }
0x39: {  	_ =	swait.ge [sflag:s12], $0x13C0  }
0x3a: {  	[sflag:s12] =	ssyncset.done $0x0  }
0x3b: {  	[sflag:s12] =	ssyncadd.s32 $0xFFFFEC40  }
0x3c: {  	_ =	sfence.sel $0x180000  }
0x3d: {  	[bflag:$0x0] =	sbarrier.arrive $0xFFFF  }
0x3e: {  	p0 =	sne.s32 s0, $0x0;
	_ =	strace $0x90000047  }
0x3f: {  	s0 =	sadd.s32 @!p0 $0x100000, s2;
	[bflag:$0x2] =	sbarrier.arrive $0xFFFF  }
0x40: {  	[sflag:s0] =	ssyncadd.tile.s32 @!p0 $0x1;
	_ =	shalt  }
.Lfunc_end2:
_tile_overlayer_lowered:
.L_overlay_start_2:
0x41: {  	(tag) =	ssettag $0x2  }
0x42: {  	s0 =	rddreg [dreg:$0x0];
	s2 =	stileid.u32  }
0x43: {  	s1 =	rddreg [dreg:$0x1];
	p0 =	sne.s32 s2, $0x0  }
0x44: {  	s3 =	rddreg [dreg:$0x2];
	[bflag:$0x3] =	sbarrier.arrive $0xFFFF;
	s2 =	simm.s32 @!p0 $0x1C01  }
0x45: {  	[timem:s3], [sflag:s2] =	dma.local @!p0 [hbm:s0], s1  }
0x46: {  	s0 =	simm.s32 @!p0 $0x1  }
0x47: {  	_ =	swait.ge @!p0 [sflag:s0], s1  }
0x48: {  	s1 =	ssub.s32 @!p0 $0x0, s1;
	[sflag:s0] =	ssyncset.done @!p0 $0x0  }
0x49: {  	[sflag:s0] =	ssyncadd.s32 @!p0 s1  }
0x4a: {  	[bflag:$0x3] =	sbarrier.arrive $0xFFFF  }
0x4b: {  	_ =	shalt  }

</sc_bundles>
